<compile_context>
chip_gen: v7x
topology: tpu7x:2x2x1
jax: 0.10.2.dev20260603
libtpu: 0.0.44.dev20260713+nightly
codegen_flags: <defaults>
</compile_context>

<pallas_src>
import functools

import jax
import jax.numpy as jnp
from jax import lax
from jax.experimental import pallas as pl
from jax.experimental.pallas import tpu as pltpu
from jax.experimental.pallas import tpu_sc as plsc

NC = 2
NS = 16
NW = NC * NS

CK = 80
HH = 64


def _mesh():
    return plsc.VectorSubcoreMesh(core_axis_name="c", subcore_axis_name="s")


@functools.cache
def _deg_fn(N, E):
    CH = (E // NW) // 128 * 128
    TAIL = E - NW * CH

    @functools.partial(
        pl.kernel, mesh=_mesh(),
        compiler_params=pltpu.CompilerParams(needs_layout_passes=False),
        out_type=[
            jax.ShapeDtypeStruct((NW, N), jnp.float32),
            jax.ShapeDtypeStruct((E,), jnp.int32),
            jax.ShapeDtypeStruct((E,), jnp.int32),
        ],
        scratch_types=[
            pltpu.VMEM((CH,), jnp.int32),
            pltpu.VMEM((CH,), jnp.int32),
            pltpu.VMEM((TAIL,), jnp.int32),
            pltpu.VMEM((TAIL,), jnp.int32),
            pltpu.VMEM((N,), jnp.float32),
        ],
    )
    def deg_k(e_hbm, out_hbm, row_hbm, col_hbm,
              idx_v, col_v, tr_v, tc_v, deg_v):
        c = lax.axis_index("c")
        s = lax.axis_index("s")
        wid = s * NC + c
        base = wid * CH
        pltpu.sync_copy(e_hbm.at[0, pl.ds(base, CH)], idx_v)
        pltpu.sync_copy(e_hbm.at[1, pl.ds(base, CH)], col_v)
        zero16 = jnp.zeros((16,), jnp.float32)

        def zbody(i, carry):
            deg_v[pl.ds(i * 16, 16)] = zero16
            return carry

        lax.fori_loop(0, N // 16, zbody, 0)
        ones16 = jnp.ones((16,), jnp.float32)

        def hbody(i, carry):
            idx16 = idx_v[pl.ds(i * 16, 16)]
            plsc.addupdate_scatter(deg_v, [idx16], ones16)
            return carry

        lax.fori_loop(0, CH // 16, hbody, 0)
        pltpu.sync_copy(idx_v, row_hbm.at[pl.ds(base, CH)])
        pltpu.sync_copy(col_v, col_hbm.at[pl.ds(base, CH)])

        @pl.when(wid == 0)
        def _():
            tb = NW * CH
            pltpu.sync_copy(e_hbm.at[0, pl.ds(tb, TAIL)], tr_v)
            pltpu.sync_copy(e_hbm.at[1, pl.ds(tb, TAIL)], tc_v)

            def tbody(i, carry):
                idx16 = tr_v[pl.ds(i * 16, 16)]
                plsc.addupdate_scatter(deg_v, [idx16], ones16)
                return carry

            lax.fori_loop(0, TAIL // 16, tbody, 0)
            pltpu.sync_copy(tr_v, row_hbm.at[pl.ds(tb, TAIL)])
            pltpu.sync_copy(tc_v, col_hbm.at[pl.ds(tb, TAIL)])

        pltpu.sync_copy(deg_v, out_hbm.at[wid])

    return deg_k


@functools.cache
def _spmm_fn(N, E):
    EPW = E // NS
    NCH = EPW // CK
    RPT = N // NS
    ZR = 125
    NZ = RPT // ZR

    @functools.partial(
        pl.kernel, mesh=_mesh(),
        compiler_params=pltpu.CompilerParams(
            needs_layout_passes=False, use_tc_tiling_on_sc=False),
        out_type=jax.ShapeDtypeStruct((N, 2 * HH), jnp.float32),
        scratch_types=[
            pltpu.VMEM((EPW,), jnp.int32),
            pltpu.VMEM((EPW,), jnp.int32),
            [pltpu.VMEM((CK, HH), jnp.float32)] * 8,
            pltpu.VMEM((ZR, HH), jnp.float32),
            pltpu.VMEM_SHARED((N, HH), jnp.float32),
            [pltpu.SemaphoreType.DMA] * 8,
        ],
    )
    def spmm_k(g_hbm, row_hbm, col_hbm, out_hbm,
               row_v, col_v, rbufs, zbuf, acc, sems):
        c = lax.axis_index("c")
        s = lax.axis_index("s")
        pltpu.sync_copy(row_hbm.at[pl.ds(s * EPW, EPW)], row_v)
        pltpu.sync_copy(col_hbm.at[pl.ds(s * EPW, EPW)], col_v)
        ghalf = g_hbm.at[c]

        zero16 = jnp.zeros((16,), jnp.float32)

        def zrow(i, carry):
            def zcol(k, carry2):
                zbuf[i, pl.ds(k * 16, 16)] = zero16
                return carry2
            return lax.fori_loop(0, HH // 16, zcol, carry)

        lax.fori_loop(0, ZR, zrow, 0)

        def zacc(i, carry):
            pltpu.sync_copy(zbuf, acc.at[pl.ds(s * RPT + i * ZR, ZR)])
            return carry

        lax.fori_loop(0, NZ, zacc, 0)
        plsc.subcore_barrier()

        NB = 8

        def start(j, b):
            pltpu.async_copy(ghalf.at[col_v.at[pl.ds(j * CK, CK)]], rbufs[b], sems[b])

        def finish(j, b):
            pltpu.make_async_copy(ghalf.at[col_v.at[pl.ds(j * CK, CK)]],
                                  rbufs[b], sems[b]).wait()
            pltpu.sync_copy(rbufs[b], acc.at[row_v.at[pl.ds(j * CK, CK)]],
                            add=True)

        for b in range(NB):
            start(b, b)

        def ebody(i, carry):
            j0 = NB * i
            for b in range(NB):
                finish(j0 + b, b)

                @pl.when(j0 + b + NB < NCH)
                def _():
                    start(j0 + b + NB, b)

            return carry

        lax.fori_loop(0, NCH // NB, ebody, 0)
        for t in range(NCH - NCH % NB, NCH):
            finish(t, t % NB)
        plsc.subcore_barrier()
        DR = (N // NS) // 8 * 8
        pltpu.sync_copy(acc.at[pl.ds(s * DR, DR)],
                        out_hbm.at[pl.ds(s * DR, DR), pl.ds(c * HH, HH)])
        TAIL = N - NS * DR

        @pl.when(s == 0)
        def _():
            pltpu.sync_copy(acc.at[pl.ds(NS * DR, TAIL)],
                            out_hbm.at[pl.ds(NS * DR, TAIL), pl.ds(c * HH, HH)])

    return spmm_k


def _prep(parts, x):
    N, D = x.shape

    def body(parts_ref, x_ref, dinv_ref, g_ref):
        deg = jnp.sum(parts_ref[...], axis=0)
        dinv = lax.rsqrt(deg)
        dinv_ref[...] = dinv
        g = x_ref[...] * dinv[:, None]
        g_ref[0] = g[:, :HH]
        g_ref[1] = g[:, HH:]

    return pl.pallas_call(
        body,
        out_shape=[
            jax.ShapeDtypeStruct((N,), jnp.float32),
            jax.ShapeDtypeStruct((NC, N, HH), jnp.float32),
        ],
    )(parts, x)


def _layer1(parts, dinv, W1, b1):
    N = parts.shape[0]

    def body(p_ref, dinv_ref, W_ref, b_ref, g_ref):
        dv = dinv_ref[...][:, None]
        srows = p_ref[...] * dv
        h = jnp.dot(srows, W_ref[...], preferred_element_type=jnp.float32)
        h = jnp.maximum(h + b_ref[...][None, :], 0.0)
        g = h * dv
        g_ref[0] = g[:, :HH]
        g_ref[1] = g[:, HH:]

    return pl.pallas_call(
        body,
        out_shape=jax.ShapeDtypeStruct((NC, N, HH), jnp.float32),
    )(parts, dinv, W1, b1)


def _final(parts, dinv, W2, b2, Wp1, bp1, Wp2, bp2):
    N = parts.shape[0]
    O = Wp2.shape[1]

    def body(p_ref, dinv_ref, W2_ref, b2_ref,
             Wp1_ref, bp1_ref, Wp2_ref, bp2_ref, out_ref):
        dv = dinv_ref[...][:, None]
        srows = p_ref[...] * dv
        h = jnp.dot(srows, W2_ref[...], preferred_element_type=jnp.float32)
        h = jnp.maximum(h + b2_ref[...][None, :], 0.0)
        h = jnp.dot(h, Wp1_ref[...], preferred_element_type=jnp.float32)
        h = h + bp1_ref[...][None, :]
        h = jnp.dot(h, Wp2_ref[...], preferred_element_type=jnp.float32)
        h = h + bp2_ref[...][None, :]
        m = jnp.max(h, axis=1, keepdims=True)
        lse = jnp.log(jnp.sum(jnp.exp(h - m), axis=1, keepdims=True)) + m
        out_ref[...] = h - lse

    return pl.pallas_call(
        body,
        out_shape=jax.ShapeDtypeStruct((N, O), jnp.float32),
    )(parts, dinv, W2, b2, Wp1, bp1, Wp2, bp2)


def kernel(x, edge_index, W1, b1, W2, b2, Wp1, bp1, Wp2, bp2):
    N, D = x.shape
    E = edge_index.shape[1]

    spmm = _spmm_fn(N, E)

    deg_parts, row, col = _deg_fn(N, E)(edge_index)
    dinv, g1 = _prep(deg_parts, x)

    p1 = spmm(g1, row, col)
    g2 = _layer1(p1, dinv, W1, b1)

    p2 = spmm(g2, row, col)
    return _final(p2, dinv, W2, b2, Wp1, bp1, Wp2, bp2)

# --- scband reference (transcript-rebuilt; emitter-appended) ---
"""Pipeline reference for scband-gcn-25993142075518 (READ-ONLY COPY).

The authoritative reference and input builder live on the scoring server;
editing this copy changes nothing except your own understanding.
"""

import jax, jax.numpy as jnp
import numpy as np

N = 10000
E = 320000
D = 128
H = 128
O = 64


def _xavier(key, shape):
    scale = jnp.sqrt(2.0 / (shape[0] + shape[1]))
    return jax.random.normal(key, shape, dtype=jnp.float32) * scale


def setup_inputs(seed: int = 0) -> dict:
    key = jax.random.key(seed)
    ks = jax.random.split(key, 8)
    x = jax.random.normal(ks[0], (N, D), dtype=jnp.float32)
    edge_index = jax.random.randint(ks[1], (2, E), 0, N, dtype=jnp.int32)
    W1 = _xavier(ks[2], (D, H))
    b1 = jnp.zeros((H,), jnp.float32)
    W2 = _xavier(ks[3], (H, H))
    b2 = jnp.zeros((H,), jnp.float32)
    Wp1 = _xavier(ks[4], (H, H))
    bp1 = jnp.zeros((H,), jnp.float32)
    Wp2 = _xavier(ks[5], (H, O))
    bp2 = jnp.zeros((O,), jnp.float32)
    return {"x": x, "edge_index": edge_index, "W1": W1, "b1": b1, "W2": W2, "b2": b2,
            "Wp1": Wp1, "bp1": bp1, "Wp2": Wp2, "bp2": bp2}


def reference(x, edge_index, W1, b1, W2, b2, Wp1, bp1, Wp2, bp2):
    # GCN normalization: deg computed from source (row) indices, as in the torch code
    row = edge_index[0]
    col = edge_index[1]
    deg = jax.ops.segment_sum(jnp.ones((edge_index.shape[1],), jnp.float32), row, num_segments=N)
    val = 1.0 / jnp.sqrt(deg[row] * deg[col])

    def spmm(h):
        # adj @ h with adj[row, col] = val, reduce='add'
        return jax.ops.segment_sum(val[:, None] * h[col], row, num_segments=N)

    # GCN layers (dropout is identity in eval mode)
    h = jax.nn.relu(spmm(x) @ W1 + b1)
    h = jax.nn.relu(spmm(h) @ W2 + b2)
    # post_mp: Linear -> Dropout(eval: identity) -> Linear
    h = h @ Wp1 + bp1
    h = h @ Wp2 + bp2
    return jax.nn.log_softmax(h, axis=1)

if __name__ == "__main__":
    import jax
    _d = setup_inputs()
    print(jax.jit(kernel)(*tuple(_d.values())))

</pallas_src>

<mosaic_0001>
#map = affine_map<(d0, d1) -> (0, 0, 0)>
#map1 = affine_map<(d0, d1) -> (0)>
#map2 = affine_map<(d0, d1) -> (0, 0)>
module attributes {stable_mosaic.version = 14 : i64} {
  func.func @spmm_k(%arg0: i32, %arg1: i32, %arg2: memref<2x10000x64xf32, #tpu.memory_space<hbm>>, %arg3: memref<320000xi32, #tpu.memory_space<hbm>>, %arg4: memref<320000xi32, #tpu.memory_space<hbm>>, %arg5: memref<10000x128xf32, #tpu.memory_space<hbm>>, %arg6: memref<20000xi32, #tpu.memory_space<vmem>>, %arg7: memref<20000xi32, #tpu.memory_space<vmem>>, %arg8: memref<80x64xf32, #tpu.memory_space<vmem>>, %arg9: memref<80x64xf32, #tpu.memory_space<vmem>>, %arg10: memref<80x64xf32, #tpu.memory_space<vmem>>, %arg11: memref<80x64xf32, #tpu.memory_space<vmem>>, %arg12: memref<80x64xf32, #tpu.memory_space<vmem>>, %arg13: memref<80x64xf32, #tpu.memory_space<vmem>>, %arg14: memref<80x64xf32, #tpu.memory_space<vmem>>, %arg15: memref<80x64xf32, #tpu.memory_space<vmem>>, %arg16: memref<125x64xf32, #tpu.memory_space<vmem>>, %arg17: memref<10000x64xf32, #tpu.memory_space<vmem_shared>>, %arg18: memref<!tpu.dma_semaphore, #tpu.memory_space<semaphore_mem>>, %arg19: memref<!tpu.dma_semaphore, #tpu.memory_space<semaphore_mem>>, %arg20: memref<!tpu.dma_semaphore, #tpu.memory_space<semaphore_mem>>, %arg21: memref<!tpu.dma_semaphore, #tpu.memory_space<semaphore_mem>>, %arg22: memref<!tpu.dma_semaphore, #tpu.memory_space<semaphore_mem>>, %arg23: memref<!tpu.dma_semaphore, #tpu.memory_space<semaphore_mem>>, %arg24: memref<!tpu.dma_semaphore, #tpu.memory_space<semaphore_mem>>, %arg25: memref<!tpu.dma_semaphore, #tpu.memory_space<semaphore_mem>>) attributes {dimension_semantics = [#tpu.dimension_semantics<core_parallel>, #tpu.dimension_semantics<subcore_parallel>], iteration_bounds = array<i64: 2, 16>, scalar_prefetch = 0 : i64, scratch_operands = 20 : i64, tpu.core_type = #tpu.core_type<sc_vector_subcore>, window_params = [{transform_indices = #map}, {transform_indices = #map1}, {transform_indices = #map1}, {transform_indices = #map2}]} {
    %mul3A = arith.constant 20000 : i32
    %mul3A_0 = arith.muli %arg1, %mul3A : i32
    "tpu.region"() ({
      %run_scoped3A = tpu.sem_alloc : memref<!tpu.dma_semaphore, #tpu.memory_space<semaphore_mem>>
      %dma_start3A_118 = tpu.memref_slice %arg3[%mul3A_0] : memref<320000xi32, #tpu.memory_space<hbm>> -> memref<20000xi32, #tpu.memory_space<hbm>>
      %dma_start3A_119 = tpu.memref_slice %arg3[%mul3A_0] : memref<320000xi32, #tpu.memory_space<hbm>> -> memref<20000xi32, #tpu.memory_space<hbm>>
      tpu.enqueue_dma source(%dma_start3A_119 : memref<20000xi32, #tpu.memory_space<hbm>>) target(%arg6 : memref<20000xi32, #tpu.memory_space<vmem>>) target_semaphore(%run_scoped3A : memref<!tpu.dma_semaphore, #tpu.memory_space<semaphore_mem>>)
      %dma_wait3A_120 = tpu.memref_slice %arg3[%mul3A_0] : memref<320000xi32, #tpu.memory_space<hbm>> -> memref<20000xi32, #tpu.memory_space<hbm>>
      %dma_wait3A_121 = tpu.memref_slice %arg3[%mul3A_0] : memref<320000xi32, #tpu.memory_space<hbm>> -> memref<20000xi32, #tpu.memory_space<hbm>>
      tpu.wait_dma2 semaphore(%run_scoped3A : memref<!tpu.dma_semaphore, #tpu.memory_space<semaphore_mem>>) src(%dma_wait3A_121 : memref<20000xi32, #tpu.memory_space<hbm>>) dst(%arg6 : memref<20000xi32, #tpu.memory_space<vmem>>)
      tpu.yield
    }) : () -> ()
    %mul3A_1 = arith.constant 20000 : i32
    %mul3A_2 = arith.muli %arg1, %mul3A_1 : i32
    "tpu.region"() ({
      %run_scoped3A = tpu.sem_alloc : memref<!tpu.dma_semaphore, #tpu.memory_space<semaphore_mem>>
      %dma_start3A_118 = tpu.memref_slice %arg4[%mul3A_2] : memref<320000xi32, #tpu.memory_space<hbm>> -> memref<20000xi32, #tpu.memory_space<hbm>>
      %dma_start3A_119 = tpu.memref_slice %arg4[%mul3A_2] : memref<320000xi32, #tpu.memory_space<hbm>> -> memref<20000xi32, #tpu.memory_space<hbm>>
      tpu.enqueue_dma source(%dma_start3A_119 : memref<20000xi32, #tpu.memory_space<hbm>>) target(%arg7 : memref<20000xi32, #tpu.memory_space<vmem>>) target_semaphore(%run_scoped3A : memref<!tpu.dma_semaphore, #tpu.memory_space<semaphore_mem>>)
      %dma_wait3A_120 = tpu.memref_slice %arg4[%mul3A_2] : memref<320000xi32, #tpu.memory_space<hbm>> -> memref<20000xi32, #tpu.memory_space<hbm>>
      %dma_wait3A_121 = tpu.memref_slice %arg4[%mul3A_2] : memref<320000xi32, #tpu.memory_space<hbm>> -> memref<20000xi32, #tpu.memory_space<hbm>>
      tpu.wait_dma2 semaphore(%run_scoped3A : memref<!tpu.dma_semaphore, #tpu.memory_space<semaphore_mem>>) src(%dma_wait3A_121 : memref<20000xi32, #tpu.memory_space<hbm>>) dst(%arg7 : memref<20000xi32, #tpu.memory_space<vmem>>)
      tpu.yield
    }) : () -> ()
    %broadcast_in_dim3A = arith.constant 0.000000e+00 : f32
    %broadcast_in_dim3A_3 = vector.broadcast %broadcast_in_dim3A : f32 to vector<16xf32>
    %scan3A = arith.constant 0 : i32
    %scan3A_4 = arith.constant 0 : i32
    %scan3A_5 = arith.constant 125 : i32
    %scan3A_6 = arith.addi %scan3A_4, %scan3A_5 : i32
    %scan3A_7 = arith.constant 1 : i32
    scf.for %scan3A_118 = %scan3A_4 to %scan3A_6 step %scan3A_7  : i32 {
      %scan3A_119 = arith.constant 0 : i32
      %scan3A_120 = arith.constant 4 : i32
      %scan3A_121 = arith.addi %scan3A_119, %scan3A_120 : i32
      %scan3A_122 = arith.constant 1 : i32
      scf.for %scan3A_124 = %scan3A_119 to %scan3A_121 step %scan3A_122  : i32 {
        %mul3A_125 = arith.constant 16 : i32
        %mul3A_126 = arith.muli %scan3A_124, %mul3A_125 : i32
        %swap3A = arith.index_cast %scan3A_118 : i32 to index
        %swap3A_127 = arith.index_cast %mul3A_126 : i32 to index
        %swap3A_128 = tpu.vector_load %arg16[%swap3A, %swap3A_127] {strides = array<i32>} : memref<125x64xf32, #tpu.memory_space<vmem>>, vector<16xf32>,
        tpu.vector_store %arg16[%swap3A, %swap3A_127], %broadcast_in_dim3A_3 {strides = array<i32>} : memref<125x64xf32, #tpu.memory_space<vmem>>, vector<16xf32>,
      }
      %scan3A_123 = arith.constant 4 : i32
    }
    %scan3A_8 = arith.constant 125 : i32
    %scan3A_9 = arith.constant 0 : i32
    %scan3A_10 = arith.constant 0 : i32
    %scan3A_11 = arith.constant 5 : i32
    %scan3A_12 = arith.addi %scan3A_10, %scan3A_11 : i32
    %scan3A_13 = arith.constant 1 : i32
    scf.for %scan3A_118 = %scan3A_10 to %scan3A_12 step %scan3A_13  : i32 {
      %mul3A_119 = arith.constant 625 : i32
      %mul3A_120 = arith.muli %arg1, %mul3A_119 : i32
      %mul3A_121 = arith.constant 125 : i32
      %mul3A_122 = arith.muli %scan3A_118, %mul3A_121 : i32
      %add3A = arith.addi %mul3A_120, %mul3A_122 : i32
      "tpu.region"() ({
        %run_scoped3A = tpu.sem_alloc : memref<!tpu.dma_semaphore, #tpu.memory_space<semaphore_mem>>
        %dma_start3A_123 = arith.constant 0 : i32
        %dma_start3A_124 = tpu.memref_slice %arg17[%add3A, %dma_start3A_123] : memref<10000x64xf32, #tpu.memory_space<vmem_shared>> -> memref<125x64xf32, #tpu.memory_space<vmem_shared>>
        %dma_start3A_125 = arith.constant 0 : i32
        %dma_start3A_126 = tpu.memref_slice %arg17[%add3A, %dma_start3A_125] : memref<10000x64xf32, #tpu.memory_space<vmem_shared>> -> memref<125x64xf32, #tpu.memory_space<vmem_shared>>
        tpu.enqueue_dma source(%arg16 : memref<125x64xf32, #tpu.memory_space<vmem>>) target(%dma_start3A_126 : memref<125x64xf32, #tpu.memory_space<vmem_shared>>) target_semaphore(%run_scoped3A : memref<!tpu.dma_semaphore, #tpu.memory_space<semaphore_mem>>)
        %dma_wait3A_127 = arith.constant 0 : i32
        %dma_wait3A_128 = tpu.memref_slice %arg17[%add3A, %dma_wait3A_127] : memref<10000x64xf32, #tpu.memory_space<vmem_shared>> -> memref<125x64xf32, #tpu.memory_space<vmem_shared>>
        %dma_wait3A_129 = arith.constant 0 : i32
        %dma_wait3A_130 = tpu.memref_slice %arg17[%add3A, %dma_wait3A_129] : memref<10000x64xf32, #tpu.memory_space<vmem_shared>> -> memref<125x64xf32, #tpu.memory_space<vmem_shared>>
        tpu.wait_dma2 semaphore(%run_scoped3A : memref<!tpu.dma_semaphore, #tpu.memory_space<semaphore_mem>>) src(%arg16 : memref<125x64xf32, #tpu.memory_space<vmem>>) dst(%dma_wait3A_130 : memref<125x64xf32, #tpu.memory_space<vmem_shared>>)
        tpu.yield
      }) : () -> ()
    }
    %scan3A_14 = arith.constant 5 : i32
    %barrier3A = arith.constant 0 : index
    tpu.barrier barrier_id(%barrier3A)
    %dma_start3A = arith.constant 0 : i32
    %dma_start3A_15 = tpu.memref_slice %arg7[%dma_start3A] : memref<20000xi32, #tpu.memory_space<vmem>> -> memref<80xi32, #tpu.memory_space<vmem>>
    %dma_start3A_16 = arith.constant 0 : i32
    %dma_start3A_17 = arith.constant 0 : i32
    %dma_start3A_18 = tpu.memref_slice %arg2[%arg0, %dma_start3A_16, %dma_start3A_17] : memref<2x10000x64xf32, #tpu.memory_space<hbm>> -> memref<1x10000x64xf32, #tpu.memory_space<hbm>>
    %dma_start3A_19 = tpu.memref_squeeze %dma_start3A_18 : memref<1x10000x64xf32, #tpu.memory_space<hbm>> -> memref<10000x64xf32, #tpu.memory_space<hbm>>
    %dma_start3A_20 = arith.constant 0 : i32
    %dma_start3A_21 = arith.constant 0 : i32
    %dma_start3A_22 = tpu.memref_slice %dma_start3A_19[%dma_start3A_20, %dma_start3A_21] : memref<10000x64xf32, #tpu.memory_space<hbm>> -> memref<10000x64xf32, #tpu.memory_space<hbm>>
    tpu.enqueue_indirect_dma source(%dma_start3A_22 : memref<10000x64xf32, #tpu.memory_space<hbm>>) target(%arg8 : memref<80x64xf32, #tpu.memory_space<vmem>>) offsets(%dma_start3A_15 : memref<80xi32, #tpu.memory_space<vmem>>) semaphore(%arg18 : memref<!tpu.dma_semaphore, #tpu.memory_space<semaphore_mem>>)
    %dma_start3A_23 = arith.constant 80 : i32
    %dma_start3A_24 = tpu.memref_slice %arg7[%dma_start3A_23] : memref<20000xi32, #tpu.memory_space<vmem>> -> memref<80xi32, #tpu.memory_space<vmem>>
    %dma_start3A_25 = arith.constant 0 : i32
    %dma_start3A_26 = arith.constant 0 : i32
    %dma_start3A_27 = tpu.memref_slice %arg2[%arg0, %dma_start3A_25, %dma_start3A_26] : memref<2x10000x64xf32, #tpu.memory_space<hbm>> -> memref<1x10000x64xf32, #tpu.memory_space<hbm>>
    %dma_start3A_28 = tpu.memref_squeeze %dma_start3A_27 : memref<1x10000x64xf32, #tpu.memory_space<hbm>> -> memref<10000x64xf32, #tpu.memory_space<hbm>>
    %dma_start3A_29 = arith.constant 0 : i32
    %dma_start3A_30 = arith.constant 0 : i32
    %dma_start3A_31 = tpu.memref_slice %dma_start3A_28[%dma_start3A_29, %dma_start3A_30] : memref<10000x64xf32, #tpu.memory_space<hbm>> -> memref<10000x64xf32, #tpu.memory_space<hbm>>
    tpu.enqueue_indirect_dma source(%dma_start3A_31 : memref<10000x64xf32, #tpu.memory_space<hbm>>) target(%arg9 : memref<80x64xf32, #tpu.memory_space<vmem>>) offsets(%dma_start3A_24 : memref<80xi32, #tpu.memory_space<vmem>>) semaphore(%arg19 : memref<!tpu.dma_semaphore, #tpu.memory_space<semaphore_mem>>)
    %dma_start3A_32 = arith.constant 160 : i32
    %dma_start3A_33 = tpu.memref_slice %arg7[%dma_start3A_32] : memref<20000xi32, #tpu.memory_space<vmem>> -> memref<80xi32, #tpu.memory_space<vmem>>
    %dma_start3A_34 = arith.constant 0 : i32
    %dma_start3A_35 = arith.constant 0 : i32
    %dma_start3A_36 = tpu.memref_slice %arg2[%arg0, %dma_start3A_34, %dma_start3A_35] : memref<2x10000x64xf32, #tpu.memory_space<hbm>> -> memref<1x10000x64xf32, #tpu.memory_space<hbm>>
    %dma_start3A_37 = tpu.memref_squeeze %dma_start3A_36 : memref<1x10000x64xf32, #tpu.memory_space<hbm>> -> memref<10000x64xf32, #tpu.memory_space<hbm>>
    %dma_start3A_38 = arith.constant 0 : i32
    %dma_start3A_39 = arith.constant 0 : i32
    %dma_start3A_40 = tpu.memref_slice %dma_start3A_37[%dma_start3A_38, %dma_start3A_39] : memref<10000x64xf32, #tpu.memory_space<hbm>> -> memref<10000x64xf32, #tpu.memory_space<hbm>>
    tpu.enqueue_indirect_dma source(%dma_start3A_40 : memref<10000x64xf32, #tpu.memory_space<hbm>>) target(%arg10 : memref<80x64xf32, #tpu.memory_space<vmem>>) offsets(%dma_start3A_33 : memref<80xi32, #tpu.memory_space<vmem>>) semaphore(%arg20 : memref<!tpu.dma_semaphore, #tpu.memory_space<semaphore_mem>>)
    %dma_start3A_41 = arith.constant 240 : i32
    %dma_start3A_42 = tpu.memref_slice %arg7[%dma_start3A_41] : memref<20000xi32, #tpu.memory_space<vmem>> -> memref<80xi32, #tpu.memory_space<vmem>>
    %dma_start3A_43 = arith.constant 0 : i32
    %dma_start3A_44 = arith.constant 0 : i32
    %dma_start3A_45 = tpu.memref_slice %arg2[%arg0, %dma_start3A_43, %dma_start3A_44] : memref<2x10000x64xf32, #tpu.memory_space<hbm>> -> memref<1x10000x64xf32, #tpu.memory_space<hbm>>
    %dma_start3A_46 = tpu.memref_squeeze %dma_start3A_45 : memref<1x10000x64xf32, #tpu.memory_space<hbm>> -> memref<10000x64xf32, #tpu.memory_space<hbm>>
    %dma_start3A_47 = arith.constant 0 : i32
    %dma_start3A_48 = arith.constant 0 : i32
    %dma_start3A_49 = tpu.memref_slice %dma_start3A_46[%dma_start3A_47, %dma_start3A_48] : memref<10000x64xf32, #tpu.memory_space<hbm>> -> memref<10000x64xf32, #tpu.memory_space<hbm>>
    tpu.enqueue_indirect_dma source(%dma_start3A_49 : memref<10000x64xf32, #tpu.memory_space<hbm>>) target(%arg11 : memref<80x64xf32, #tpu.memory_space<vmem>>) offsets(%dma_start3A_42 : memref<80xi32, #tpu.memory_space<vmem>>) semaphore(%arg21 : memref<!tpu.dma_semaphore, #tpu.memory_space<semaphore_mem>>)
    %dma_start3A_50 = arith.constant 320 : i32
    %dma_start3A_51 = tpu.memref_slice %arg7[%dma_start3A_50] : memref<20000xi32, #tpu.memory_space<vmem>> -> memref<80xi32, #tpu.memory_space<vmem>>
    %dma_start3A_52 = arith.constant 0 : i32
    %dma_start3A_53 = arith.constant 0 : i32
    %dma_start3A_54 = tpu.memref_slice %arg2[%arg0, %dma_start3A_52, %dma_start3A_53] : memref<2x10000x64xf32, #tpu.memory_space<hbm>> -> memref<1x10000x64xf32, #tpu.memory_space<hbm>>
    %dma_start3A_55 = tpu.memref_squeeze %dma_start3A_54 : memref<1x10000x64xf32, #tpu.memory_space<hbm>> -> memref<10000x64xf32, #tpu.memory_space<hbm>>
    %dma_start3A_56 = arith.constant 0 : i32
    %dma_start3A_57 = arith.constant 0 : i32
    %dma_start3A_58 = tpu.memref_slice %dma_start3A_55[%dma_start3A_56, %dma_start3A_57] : memref<10000x64xf32, #tpu.memory_space<hbm>> -> memref<10000x64xf32, #tpu.memory_space<hbm>>
    tpu.enqueue_indirect_dma source(%dma_start3A_58 : memref<10000x64xf32, #tpu.memory_space<hbm>>) target(%arg12 : memref<80x64xf32, #tpu.memory_space<vmem>>) offsets(%dma_start3A_51 : memref<80xi32, #tpu.memory_space<vmem>>) semaphore(%arg22 : memref<!tpu.dma_semaphore, #tpu.memory_space<semaphore_mem>>)
    %dma_start3A_59 = arith.constant 400 : i32
    %dma_start3A_60 = tpu.memref_slice %arg7[%dma_start3A_59] : memref<20000xi32, #tpu.memory_space<vmem>> -> memref<80xi32, #tpu.memory_space<vmem>>
    %dma_start3A_61 = arith.constant 0 : i32
    %dma_start3A_62 = arith.constant 0 : i32
    %dma_start3A_63 = tpu.memref_slice %arg2[%arg0, %dma_start3A_61, %dma_start3A_62] : memref<2x10000x64xf32, #tpu.memory_space<hbm>> -> memref<1x10000x64xf32, #tpu.memory_space<hbm>>
    %dma_start3A_64 = tpu.memref_squeeze %dma_start3A_63 : memref<1x10000x64xf32, #tpu.memory_space<hbm>> -> memref<10000x64xf32, #tpu.memory_space<hbm>>
    %dma_start3A_65 = arith.constant 0 : i32
    %dma_start3A_66 = arith.constant 0 : i32
    %dma_start3A_67 = tpu.memref_slice %dma_start3A_64[%dma_start3A_65, %dma_start3A_66] : memref<10000x64xf32, #tpu.memory_space<hbm>> -> memref<10000x64xf32, #tpu.memory_space<hbm>>
    tpu.enqueue_indirect_dma source(%dma_start3A_67 : memref<10000x64xf32, #tpu.memory_space<hbm>>) target(%arg13 : memref<80x64xf32, #tpu.memory_space<vmem>>) offsets(%dma_start3A_60 : memref<80xi32, #tpu.memory_space<vmem>>) semaphore(%arg23 : memref<!tpu.dma_semaphore, #tpu.memory_space<semaphore_mem>>)
    %dma_start3A_68 = arith.constant 480 : i32
    %dma_start3A_69 = tpu.memref_slice %arg7[%dma_start3A_68] : memref<20000xi32, #tpu.memory_space<vmem>> -> memref<80xi32, #tpu.memory_space<vmem>>
    %dma_start3A_70 = arith.constant 0 : i32
    %dma_start3A_71 = arith.constant 0 : i32
    %dma_start3A_72 = tpu.memref_slice %arg2[%arg0, %dma_start3A_70, %dma_start3A_71] : memref<2x10000x64xf32, #tpu.memory_space<hbm>> -> memref<1x10000x64xf32, #tpu.memory_space<hbm>>
    %dma_start3A_73 = tpu.memref_squeeze %dma_start3A_72 : memref<1x10000x64xf32, #tpu.memory_space<hbm>> -> memref<10000x64xf32, #tpu.memory_space<hbm>>
    %dma_start3A_74 = arith.constant 0 : i32
    %dma_start3A_75 = arith.constant 0 : i32
    %dma_start3A_76 = tpu.memref_slice %dma_start3A_73[%dma_start3A_74, %dma_start3A_75] : memref<10000x64xf32, #tpu.memory_space<hbm>> -> memref<10000x64xf32, #tpu.memory_space<hbm>>
    tpu.enqueue_indirect_dma source(%dma_start3A_76 : memref<10000x64xf32, #tpu.memory_space<hbm>>) target(%arg14 : memref<80x64xf32, #tpu.memory_space<vmem>>) offsets(%dma_start3A_69 : memref<80xi32, #tpu.memory_space<vmem>>) semaphore(%arg24 : memref<!tpu.dma_semaphore, #tpu.memory_space<semaphore_mem>>)
    %dma_start3A_77 = arith.constant 560 : i32
    %dma_start3A_78 = tpu.memref_slice %arg7[%dma_start3A_77] : memref<20000xi32, #tpu.memory_space<vmem>> -> memref<80xi32, #tpu.memory_space<vmem>>
    %dma_start3A_79 = arith.constant 0 : i32
    %dma_start3A_80 = arith.constant 0 : i32
    %dma_start3A_81 = tpu.memref_slice %arg2[%arg0, %dma_start3A_79, %dma_start3A_80] : memref<2x10000x64xf32, #tpu.memory_space<hbm>> -> memref<1x10000x64xf32, #tpu.memory_space<hbm>>
    %dma_start3A_82 = tpu.memref_squeeze %dma_start3A_81 : memref<1x10000x64xf32, #tpu.memory_space<hbm>> -> memref<10000x64xf32, #tpu.memory_space<hbm>>
    %dma_start3A_83 = arith.constant 0 : i32
    %dma_start3A_84 = arith.constant 0 : i32
    %dma_start3A_85 = tpu.memref_slice %dma_start3A_82[%dma_start3A_83, %dma_start3A_84] : memref<10000x64xf32, #tpu.memory_space<hbm>> -> memref<10000x64xf32, #tpu.memory_space<hbm>>
    tpu.enqueue_indirect_dma source(%dma_start3A_85 : memref<10000x64xf32, #tpu.memory_space<hbm>>) target(%arg15 : memref<80x64xf32, #tpu.memory_space<vmem>>) offsets(%dma_start3A_78 : memref<80xi32, #tpu.memory_space<vmem>>) semaphore(%arg25 : memref<!tpu.dma_semaphore, #tpu.memory_space<semaphore_mem>>)
    %scan3A_86 = arith.constant 0 : i32
    %scan3A_87 = arith.constant 0 : i32
    %scan3A_88 = arith.constant 31 : i32
    %scan3A_89 = arith.addi %scan3A_87, %scan3A_88 : i32
    %scan3A_90 = arith.constant 1 : i32
    scf.for %scan3A_118 = %scan3A_87 to %scan3A_89 step %scan3A_90  : i32 {
      %mul3A_119 = arith.constant 8 : i32
      %mul3A_120 = arith.muli %mul3A_119, %scan3A_118 : i32
      %add3A = arith.constant 0 : i32
      %add3A_121 = arith.addi %mul3A_120, %add3A : i32
      %mul3A_122 = arith.constant 80 : i32
      %mul3A_123 = arith.muli %add3A_121, %mul3A_122 : i32
      %dma_wait3A_124 = tpu.memref_slice %arg7[%mul3A_123] : memref<20000xi32, #tpu.memory_space<vmem>> -> memref<80xi32, #tpu.memory_space<vmem>>
      %dma_wait3A_125 = arith.constant 0 : i32
      %dma_wait3A_126 = arith.constant 0 : i32
      %dma_wait3A_127 = tpu.memref_slice %arg2[%arg0, %dma_wait3A_125, %dma_wait3A_126] : memref<2x10000x64xf32, #tpu.memory_space<hbm>> -> memref<1x10000x64xf32, #tpu.memory_space<hbm>>
      %dma_wait3A_128 = tpu.memref_squeeze %dma_wait3A_127 : memref<1x10000x64xf32, #tpu.memory_space<hbm>> -> memref<10000x64xf32, #tpu.memory_space<hbm>>
      %dma_wait3A_129 = arith.constant 0 : i32
      %dma_wait3A_130 = arith.constant 0 : i32
      %dma_wait3A_131 = tpu.memref_slice %dma_wait3A_128[%dma_wait3A_129, %dma_wait3A_130] : memref<10000x64xf32, #tpu.memory_space<hbm>> -> memref<10000x64xf32, #tpu.memory_space<hbm>>
      tpu.wait_indirect_dma semaphore(%arg18 : memref<!tpu.dma_semaphore, #tpu.memory_space<semaphore_mem>>) src(%dma_wait3A_131 : memref<10000x64xf32, #tpu.memory_space<hbm>>) dst(%arg8 : memref<80x64xf32, #tpu.memory_space<vmem>>)
      %mul3A_132 = arith.constant 80 : i32
      %mul3A_133 = arith.muli %add3A_121, %mul3A_132 : i32
      "tpu.region"() ({
        %run_scoped3A = tpu.sem_alloc : memref<!tpu.dma_semaphore, #tpu.memory_space<semaphore_mem>>
        %dma_start3A_303 = tpu.memref_slice %arg6[%mul3A_133] : memref<20000xi32, #tpu.memory_space<vmem>> -> memref<80xi32, #tpu.memory_space<vmem>>
        %dma_start3A_304 = arith.constant 0 : i32
        %dma_start3A_305 = arith.constant 0 : i32
        %dma_start3A_306 = tpu.memref_slice %arg17[%dma_start3A_304, %dma_start3A_305] : memref<10000x64xf32, #tpu.memory_space<vmem_shared>> -> memref<10000x64xf32, #tpu.memory_space<vmem_shared>>
        tpu.enqueue_indirect_dma source(%arg8 : memref<80x64xf32, #tpu.memory_space<vmem>>) target(%dma_start3A_306 : memref<10000x64xf32, #tpu.memory_space<vmem_shared>>) offsets(%dma_start3A_303 : memref<80xi32, #tpu.memory_space<vmem>>) semaphore(%run_scoped3A : memref<!tpu.dma_semaphore, #tpu.memory_space<semaphore_mem>>) {add = true}
        %dma_wait3A_307 = tpu.memref_slice %arg6[%mul3A_133] : memref<20000xi32, #tpu.memory_space<vmem>> -> memref<80xi32, #tpu.memory_space<vmem>>
        %dma_wait3A_308 = arith.constant 0 : i32
        %dma_wait3A_309 = arith.constant 0 : i32
        %dma_wait3A_310 = tpu.memref_slice %arg17[%dma_wait3A_308, %dma_wait3A_309] : memref<10000x64xf32, #tpu.memory_space<vmem_shared>> -> memref<10000x64xf32, #tpu.memory_space<vmem_shared>>
        tpu.wait_indirect_dma semaphore(%run_scoped3A : memref<!tpu.dma_semaphore, #tpu.memory_space<semaphore_mem>>) src(%arg8 : memref<80x64xf32, #tpu.memory_space<vmem>>) dst(%dma_wait3A_310 : memref<10000x64xf32, #tpu.memory_space<vmem_shared>>)
        tpu.yield
      }) : () -> ()
      %add3A_134 = arith.constant 0 : i32
      %add3A_135 = arith.addi %mul3A_120, %add3A_134 : i32
      %add3A_136 = arith.constant 8 : i32
      %add3A_137 = arith.addi %add3A_135, %add3A_136 : i32
      %lt3A = arith.constant 250 : i32
      %lt3A_138 = arith.cmpi slt, %add3A_137, %lt3A : i32
      %convert_element_type3A_139 = arith.extui %lt3A_138 : i1 to i32
      %cond3A_140 = arith.constant 0 : i32
      %cond3A_141 = arith.cmpi ne, %convert_element_type3A_139, %cond3A_140 : i32
      scf.if %cond3A_141 {
        %add3A_303 = arith.constant 0 : i32
        %add3A_304 = arith.addi %mul3A_120, %add3A_303 : i32
        %add3A_305 = arith.constant 8 : i32
        %add3A_306 = arith.addi %add3A_304, %add3A_305 : i32
        %mul3A_307 = arith.constant 80 : i32
        %mul3A_308 = arith.muli %add3A_306, %mul3A_307 : i32
        %dma_start3A_309 = tpu.memref_slice %arg7[%mul3A_308] : memref<20000xi32, #tpu.memory_space<vmem>> -> memref<80xi32, #tpu.memory_space<vmem>>
        %dma_start3A_310 = arith.constant 0 : i32
        %dma_start3A_311 = arith.constant 0 : i32
        %dma_start3A_312 = tpu.memref_slice %arg2[%arg0, %dma_start3A_310, %dma_start3A_311] : memref<2x10000x64xf32, #tpu.memory_space<hbm>> -> memref<1x10000x64xf32, #tpu.memory_space<hbm>>
        %dma_start3A_313 = tpu.memref_squeeze %dma_start3A_312 : memref<1x10000x64xf32, #tpu.memory_space<hbm>> -> memref<10000x64xf32, #tpu.memory_space<hbm>>
        %dma_start3A_314 = arith.constant 0 : i32
        %dma_start3A_315 = arith.constant 0 : i32
        %dma_start3A_316 = tpu.memref_slice %dma_start3A_313[%dma_start3A_314, %dma_start3A_315] : memref<10000x64xf32, #tpu.memory_space<hbm>> -> memref<10000x64xf32, #tpu.memory_space<hbm>>
        tpu.enqueue_indirect_dma source(%dma_start3A_316 : memref<10000x64xf32, #tpu.memory_space<hbm>>) target(%arg8 : memref<80x64xf32, #tpu.memory_space<vmem>>) offsets(%dma_start3A_309 : memref<80xi32, #tpu.memory_space<vmem>>) semaphore(%arg18 : memref<!tpu.dma_semaphore, #tpu.memory_space<semaphore_mem>>)
      } else {
      }
      %add3A_142 = arith.constant 1 : i32
      %add3A_143 = arith.addi %mul3A_120, %add3A_142 : i32
      %mul3A_144 = arith.constant 80 : i32
      %mul3A_145 = arith.muli %add3A_143, %mul3A_144 : i32
      %dma_wait3A_146 = tpu.memref_slice %arg7[%mul3A_145] : memref<20000xi32, #tpu.memory_space<vmem>> -> memref<80xi32, #tpu.memory_space<vmem>>
      %dma_wait3A_147 = arith.constant 0 : i32
      %dma_wait3A_148 = arith.constant 0 : i32
      %dma_wait3A_149 = tpu.memref_slice %arg2[%arg0, %dma_wait3A_147, %dma_wait3A_148] : memref<2x10000x64xf32, #tpu.memory_space<hbm>> -> memref<1x10000x64xf32, #tpu.memory_space<hbm>>
      %dma_wait3A_150 = tpu.memref_squeeze %dma_wait3A_149 : memref<1x10000x64xf32, #tpu.memory_space<hbm>> -> memref<10000x64xf32, #tpu.memory_space<hbm>>
      %dma_wait3A_151 = arith.constant 0 : i32
      %dma_wait3A_152 = arith.constant 0 : i32
      %dma_wait3A_153 = tpu.memref_slice %dma_wait3A_150[%dma_wait3A_151, %dma_wait3A_152] : memref<10000x64xf32, #tpu.memory_space<hbm>> -> memref<10000x64xf32, #tpu.memory_space<hbm>>
      tpu.wait_indirect_dma semaphore(%arg19 : memref<!tpu.dma_semaphore, #tpu.memory_space<semaphore_mem>>) src(%dma_wait3A_153 : memref<10000x64xf32, #tpu.memory_space<hbm>>) dst(%arg9 : memref<80x64xf32, #tpu.memory_space<vmem>>)
      %mul3A_154 = arith.constant 80 : i32
      %mul3A_155 = arith.muli %add3A_143, %mul3A_154 : i32
      "tpu.region"() ({
        %run_scoped3A = tpu.sem_alloc : memref<!tpu.dma_semaphore, #tpu.memory_space<semaphore_mem>>
        %dma_start3A_303 = tpu.memref_slice %arg6[%mul3A_155] : memref<20000xi32, #tpu.memory_space<vmem>> -> memref<80xi32, #tpu.memory_space<vmem>>
        %dma_start3A_304 = arith.constant 0 : i32
        %dma_start3A_305 = arith.constant 0 : i32
        %dma_start3A_306 = tpu.memref_slice %arg17[%dma_start3A_304, %dma_start3A_305] : memref<10000x64xf32, #tpu.memory_space<vmem_shared>> -> memref<10000x64xf32, #tpu.memory_space<vmem_shared>>
        tpu.enqueue_indirect_dma source(%arg9 : memref<80x64xf32, #tpu.memory_space<vmem>>) target(%dma_start3A_306 : memref<10000x64xf32, #tpu.memory_space<vmem_shared>>) offsets(%dma_start3A_303 : memref<80xi32, #tpu.memory_space<vmem>>) semaphore(%run_scoped3A : memref<!tpu.dma_semaphore, #tpu.memory_space<semaphore_mem>>) {add = true}
        %dma_wait3A_307 = tpu.memref_slice %arg6[%mul3A_155] : memref<20000xi32, #tpu.memory_space<vmem>> -> memref<80xi32, #tpu.memory_space<vmem>>
        %dma_wait3A_308 = arith.constant 0 : i32
        %dma_wait3A_309 = arith.constant 0 : i32
        %dma_wait3A_310 = tpu.memref_slice %arg17[%dma_wait3A_308, %dma_wait3A_309] : memref<10000x64xf32, #tpu.memory_space<vmem_shared>> -> memref<10000x64xf32, #tpu.memory_space<vmem_shared>>
        tpu.wait_indirect_dma semaphore(%run_scoped3A : memref<!tpu.dma_semaphore, #tpu.memory_space<semaphore_mem>>) src(%arg9 : memref<80x64xf32, #tpu.memory_space<vmem>>) dst(%dma_wait3A_310 : memref<10000x64xf32, #tpu.memory_space<vmem_shared>>)
        tpu.yield
      }) : () -> ()
      %add3A_156 = arith.constant 1 : i32
      %add3A_157 = arith.addi %mul3A_120, %add3A_156 : i32
      %add3A_158 = arith.constant 8 : i32
      %add3A_159 = arith.addi %add3A_157, %add3A_158 : i32
      %lt3A_160 = arith.constant 250 : i32
      %lt3A_161 = arith.cmpi slt, %add3A_159, %lt3A_160 : i32
      %convert_element_type3A_162 = arith.extui %lt3A_161 : i1 to i32
      %cond3A_163 = arith.constant 0 : i32
      %cond3A_164 = arith.cmpi ne, %convert_element_type3A_162, %cond3A_163 : i32
      scf.if %cond3A_164 {
        %add3A_303 = arith.constant 1 : i32
        %add3A_304 = arith.addi %mul3A_120, %add3A_303 : i32
        %add3A_305 = arith.constant 8 : i32
        %add3A_306 = arith.addi %add3A_304, %add3A_305 : i32
        %mul3A_307 = arith.constant 80 : i32
        %mul3A_308 = arith.muli %add3A_306, %mul3A_307 : i32
        %dma_start3A_309 = tpu.memref_slice %arg7[%mul3A_308] : memref<20000xi32, #tpu.memory_space<vmem>> -> memref<80xi32, #tpu.memory_space<vmem>>
        %dma_start3A_310 = arith.constant 0 : i32
        %dma_start3A_311 = arith.constant 0 : i32
        %dma_start3A_312 = tpu.memref_slice %arg2[%arg0, %dma_start3A_310, %dma_start3A_311] : memref<2x10000x64xf32, #tpu.memory_space<hbm>> -> memref<1x10000x64xf32, #tpu.memory_space<hbm>>
        %dma_start3A_313 = tpu.memref_squeeze %dma_start3A_312 : memref<1x10000x64xf32, #tpu.memory_space<hbm>> -> memref<10000x64xf32, #tpu.memory_space<hbm>>
        %dma_start3A_314 = arith.constant 0 : i32
        %dma_start3A_315 = arith.constant 0 : i32
        %dma_start3A_316 = tpu.memref_slice %dma_start3A_313[%dma_start3A_314, %dma_start3A_315] : memref<10000x64xf32, #tpu.memory_space<hbm>> -> memref<10000x64xf32, #tpu.memory_space<hbm>>
        tpu.enqueue_indirect_dma source(%dma_start3A_316 : memref<10000x64xf32, #tpu.memory_space<hbm>>) target(%arg9 : memref<80x64xf32, #tpu.memory_space<vmem>>) offsets(%dma_start3A_309 : memref<80xi32, #tpu.memory_space<vmem>>) semaphore(%arg19 : memref<!tpu.dma_semaphore, #tpu.memory_space<semaphore_mem>>)
      } else {
      }
      %add3A_165 = arith.constant 2 : i32
      %add3A_166 = arith.addi %mul3A_120, %add3A_165 : i32
      %mul3A_167 = arith.constant 80 : i32
      %mul3A_168 = arith.muli %add3A_166, %mul3A_167 : i32
      %dma_wait3A_169 = tpu.memref_slice %arg7[%mul3A_168] : memref<20000xi32, #tpu.memory_space<vmem>> -> memref<80xi32, #tpu.memory_space<vmem>>
      %dma_wait3A_170 = arith.constant 0 : i32
      %dma_wait3A_171 = arith.constant 0 : i32
      %dma_wait3A_172 = tpu.memref_slice %arg2[%arg0, %dma_wait3A_170, %dma_wait3A_171] : memref<2x10000x64xf32, #tpu.memory_space<hbm>> -> memref<1x10000x64xf32, #tpu.memory_space<hbm>>
      %dma_wait3A_173 = tpu.memref_squeeze %dma_wait3A_172 : memref<1x10000x64xf32, #tpu.memory_space<hbm>> -> memref<10000x64xf32, #tpu.memory_space<hbm>>
      %dma_wait3A_174 = arith.constant 0 : i32
      %dma_wait3A_175 = arith.constant 0 : i32
      %dma_wait3A_176 = tpu.memref_slice %dma_wait3A_173[%dma_wait3A_174, %dma_wait3A_175] : memref<10000x64xf32, #tpu.memory_space<hbm>> -> memref<10000x64xf32, #tpu.memory_space<hbm>>
      tpu.wait_indirect_dma semaphore(%arg20 : memref<!tpu.dma_semaphore, #tpu.memory_space<semaphore_mem>>) src(%dma_wait3A_176 : memref<10000x64xf32, #tpu.memory_space<hbm>>) dst(%arg10 : memref<80x64xf32, #tpu.memory_space<vmem>>)
      %mul3A_177 = arith.constant 80 : i32
      %mul3A_178 = arith.muli %add3A_166, %mul3A_177 : i32
      "tpu.region"() ({
        %run_scoped3A = tpu.sem_alloc : memref<!tpu.dma_semaphore, #tpu.memory_space<semaphore_mem>>
        %dma_start3A_303 = tpu.memref_slice %arg6[%mul3A_178] : memref<20000xi32, #tpu.memory_space<vmem>> -> memref<80xi32, #tpu.memory_space<vmem>>
        %dma_start3A_304 = arith.constant 0 : i32
        %dma_start3A_305 = arith.constant 0 : i32
        %dma_start3A_306 = tpu.memref_slice %arg17[%dma_start3A_304, %dma_start3A_305] : memref<10000x64xf32, #tpu.memory_space<vmem_shared>> -> memref<10000x64xf32, #tpu.memory_space<vmem_shared>>
        tpu.enqueue_indirect_dma source(%arg10 : memref<80x64xf32, #tpu.memory_space<vmem>>) target(%dma_start3A_306 : memref<10000x64xf32, #tpu.memory_space<vmem_shared>>) offsets(%dma_start3A_303 : memref<80xi32, #tpu.memory_space<vmem>>) semaphore(%run_scoped3A : memref<!tpu.dma_semaphore, #tpu.memory_space<semaphore_mem>>) {add = true}
        %dma_wait3A_307 = tpu.memref_slice %arg6[%mul3A_178] : memref<20000xi32, #tpu.memory_space<vmem>> -> memref<80xi32, #tpu.memory_space<vmem>>
        %dma_wait3A_308 = arith.constant 0 : i32
        %dma_wait3A_309 = arith.constant 0 : i32
        %dma_wait3A_310 = tpu.memref_slice %arg17[%dma_wait3A_308, %dma_wait3A_309] : memref<10000x64xf32, #tpu.memory_space<vmem_shared>> -> memref<10000x64xf32, #tpu.memory_space<vmem_shared>>
        tpu.wait_indirect_dma semaphore(%run_scoped3A : memref<!tpu.dma_semaphore, #tpu.memory_space<semaphore_mem>>) src(%arg10 : memref<80x64xf32, #tpu.memory_space<vmem>>) dst(%dma_wait3A_310 : memref<10000x64xf32, #tpu.memory_space<vmem_shared>>)
        tpu.yield
      }) : () -> ()
      %add3A_179 = arith.constant 2 : i32
      %add3A_180 = arith.addi %mul3A_120, %add3A_179 : i32
      %add3A_181 = arith.constant 8 : i32
      %add3A_182 = arith.addi %add3A_180, %add3A_181 : i32
      %lt3A_183 = arith.constant 250 : i32
      %lt3A_184 = arith.cmpi slt, %add3A_182, %lt3A_183 : i32
      %convert_element_type3A_185 = arith.extui %lt3A_184 : i1 to i32
      %cond3A_186 = arith.constant 0 : i32
      %cond3A_187 = arith.cmpi ne, %convert_element_type3A_185, %cond3A_186 : i32
      scf.if %cond3A_187 {
        %add3A_303 = arith.constant 2 : i32
        %add3A_304 = arith.addi %mul3A_120, %add3A_303 : i32
        %add3A_305 = arith.constant 8 : i32
        %add3A_306 = arith.addi %add3A_304, %add3A_305 : i32
        %mul3A_307 = arith.constant 80 : i32
        %mul3A_308 = arith.muli %add3A_306, %mul3A_307 : i32
        %dma_start3A_309 = tpu.memref_slice %arg7[%mul3A_308] : memref<20000xi32, #tpu.memory_space<vmem>> -> memref<80xi32, #tpu.memory_space<vmem>>
        %dma_start3A_310 = arith.constant 0 : i32
        %dma_start3A_311 = arith.constant 0 : i32
        %dma_start3A_312 = tpu.memref_slice %arg2[%arg0, %dma_start3A_310, %dma_start3A_311] : memref<2x10000x64xf32, #tpu.memory_space<hbm>> -> memref<1x10000x64xf32, #tpu.memory_space<hbm>>
        %dma_start3A_313 = tpu.memref_squeeze %dma_start3A_312 : memref<1x10000x64xf32, #tpu.memory_space<hbm>> -> memref<10000x64xf32, #tpu.memory_space<hbm>>
        %dma_start3A_314 = arith.constant 0 : i32
        %dma_start3A_315 = arith.constant 0 : i32
        %dma_start3A_316 = tpu.memref_slice %dma_start3A_313[%dma_start3A_314, %dma_start3A_315] : memref<10000x64xf32, #tpu.memory_space<hbm>> -> memref<10000x64xf32, #tpu.memory_space<hbm>>
        tpu.enqueue_indirect_dma source(%dma_start3A_316 : memref<10000x64xf32, #tpu.memory_space<hbm>>) target(%arg10 : memref<80x64xf32, #tpu.memory_space<vmem>>) offsets(%dma_start3A_309 : memref<80xi32, #tpu.memory_space<vmem>>) semaphore(%arg20 : memref<!tpu.dma_semaphore, #tpu.memory_space<semaphore_mem>>)
      } else {
      }
      %add3A_188 = arith.constant 3 : i32
      %add3A_189 = arith.addi %mul3A_120, %add3A_188 : i32
      %mul3A_190 = arith.constant 80 : i32
      %mul3A_191 = arith.muli %add3A_189, %mul3A_190 : i32
      %dma_wait3A_192 = tpu.memref_slice %arg7[%mul3A_191] : memref<20000xi32, #tpu.memory_space<vmem>> -> memref<80xi32, #tpu.memory_space<vmem>>
      %dma_wait3A_193 = arith.constant 0 : i32
      %dma_wait3A_194 = arith.constant 0 : i32
      %dma_wait3A_195 = tpu.memref_slice %arg2[%arg0, %dma_wait3A_193, %dma_wait3A_194] : memref<2x10000x64xf32, #tpu.memory_space<hbm>> -> memref<1x10000x64xf32, #tpu.memory_space<hbm>>
      %dma_wait3A_196 = tpu.memref_squeeze %dma_wait3A_195 : memref<1x10000x64xf32, #tpu.memory_space<hbm>> -> memref<10000x64xf32, #tpu.memory_space<hbm>>
      %dma_wait3A_197 = arith.constant 0 : i32
      %dma_wait3A_198 = arith.constant 0 : i32
      %dma_wait3A_199 = tpu.memref_slice %dma_wait3A_196[%dma_wait3A_197, %dma_wait3A_198] : memref<10000x64xf32, #tpu.memory_space<hbm>> -> memref<10000x64xf32, #tpu.memory_space<hbm>>
      tpu.wait_indirect_dma semaphore(%arg21 : memref<!tpu.dma_semaphore, #tpu.memory_space<semaphore_mem>>) src(%dma_wait3A_199 : memref<10000x64xf32, #tpu.memory_space<hbm>>) dst(%arg11 : memref<80x64xf32, #tpu.memory_space<vmem>>)
      %mul3A_200 = arith.constant 80 : i32
      %mul3A_201 = arith.muli %add3A_189, %mul3A_200 : i32
      "tpu.region"() ({
        %run_scoped3A = tpu.sem_alloc : memref<!tpu.dma_semaphore, #tpu.memory_space<semaphore_mem>>
        %dma_start3A_303 = tpu.memref_slice %arg6[%mul3A_201] : memref<20000xi32, #tpu.memory_space<vmem>> -> memref<80xi32, #tpu.memory_space<vmem>>
        %dma_start3A_304 = arith.constant 0 : i32
        %dma_start3A_305 = arith.constant 0 : i32
        %dma_start3A_306 = tpu.memref_slice %arg17[%dma_start3A_304, %dma_start3A_305] : memref<10000x64xf32, #tpu.memory_space<vmem_shared>> -> memref<10000x64xf32, #tpu.memory_space<vmem_shared>>
        tpu.enqueue_indirect_dma source(%arg11 : memref<80x64xf32, #tpu.memory_space<vmem>>) target(%dma_start3A_306 : memref<10000x64xf32, #tpu.memory_space<vmem_shared>>) offsets(%dma_start3A_303 : memref<80xi32, #tpu.memory_space<vmem>>) semaphore(%run_scoped3A : memref<!tpu.dma_semaphore, #tpu.memory_space<semaphore_mem>>) {add = true}
        %dma_wait3A_307 = tpu.memref_slice %arg6[%mul3A_201] : memref<20000xi32, #tpu.memory_space<vmem>> -> memref<80xi32, #tpu.memory_space<vmem>>
        %dma_wait3A_308 = arith.constant 0 : i32
        %dma_wait3A_309 = arith.constant 0 : i32
        %dma_wait3A_310 = tpu.memref_slice %arg17[%dma_wait3A_308, %dma_wait3A_309] : memref<10000x64xf32, #tpu.memory_space<vmem_shared>> -> memref<10000x64xf32, #tpu.memory_space<vmem_shared>>
        tpu.wait_indirect_dma semaphore(%run_scoped3A : memref<!tpu.dma_semaphore, #tpu.memory_space<semaphore_mem>>) src(%arg11 : memref<80x64xf32, #tpu.memory_space<vmem>>) dst(%dma_wait3A_310 : memref<10000x64xf32, #tpu.memory_space<vmem_shared>>)
        tpu.yield
      }) : () -> ()
      %add3A_202 = arith.constant 3 : i32
      %add3A_203 = arith.addi %mul3A_120, %add3A_202 : i32
      %add3A_204 = arith.constant 8 : i32
      %add3A_205 = arith.addi %add3A_203, %add3A_204 : i32
      %lt3A_206 = arith.constant 250 : i32
      %lt3A_207 = arith.cmpi slt, %add3A_205, %lt3A_206 : i32
      %convert_element_type3A_208 = arith.extui %lt3A_207 : i1 to i32
      %cond3A_209 = arith.constant 0 : i32
      %cond3A_210 = arith.cmpi ne, %convert_element_type3A_208, %cond3A_209 : i32
      scf.if %cond3A_210 {
        %add3A_303 = arith.constant 3 : i32
        %add3A_304 = arith.addi %mul3A_120, %add3A_303 : i32
        %add3A_305 = arith.constant 8 : i32
        %add3A_306 = arith.addi %add3A_304, %add3A_305 : i32
        %mul3A_307 = arith.constant 80 : i32
        %mul3A_308 = arith.muli %add3A_306, %mul3A_307 : i32
        %dma_start3A_309 = tpu.memref_slice %arg7[%mul3A_308] : memref<20000xi32, #tpu.memory_space<vmem>> -> memref<80xi32, #tpu.memory_space<vmem>>
        %dma_start3A_310 = arith.constant 0 : i32
        %dma_start3A_311 = arith.constant 0 : i32
        %dma_start3A_312 = tpu.memref_slice %arg2[%arg0, %dma_start3A_310, %dma_start3A_311] : memref<2x10000x64xf32, #tpu.memory_space<hbm>> -> memref<1x10000x64xf32, #tpu.memory_space<hbm>>
        %dma_start3A_313 = tpu.memref_squeeze %dma_start3A_312 : memref<1x10000x64xf32, #tpu.memory_space<hbm>> -> memref<10000x64xf32, #tpu.memory_space<hbm>>
        %dma_start3A_314 = arith.constant 0 : i32
        %dma_start3A_315 = arith.constant 0 : i32
        %dma_start3A_316 = tpu.memref_slice %dma_start3A_313[%dma_start3A_314, %dma_start3A_315] : memref<10000x64xf32, #tpu.memory_space<hbm>> -> memref<10000x64xf32, #tpu.memory_space<hbm>>
        tpu.enqueue_indirect_dma source(%dma_start3A_316 : memref<10000x64xf32, #tpu.memory_space<hbm>>) target(%arg11 : memref<80x64xf32, #tpu.memory_space<vmem>>) offsets(%dma_start3A_309 : memref<80xi32, #tpu.memory_space<vmem>>) semaphore(%arg21 : memref<!tpu.dma_semaphore, #tpu.memory_space<semaphore_mem>>)
      } else {
      }
      %add3A_211 = arith.constant 4 : i32
      %add3A_212 = arith.addi %mul3A_120, %add3A_211 : i32
      %mul3A_213 = arith.constant 80 : i32
      %mul3A_214 = arith.muli %add3A_212, %mul3A_213 : i32
      %dma_wait3A_215 = tpu.memref_slice %arg7[%mul3A_214] : memref<20000xi32, #tpu.memory_space<vmem>> -> memref<80xi32, #tpu.memory_space<vmem>>
      %dma_wait3A_216 = arith.constant 0 : i32
      %dma_wait3A_217 = arith.constant 0 : i32
      %dma_wait3A_218 = tpu.memref_slice %arg2[%arg0, %dma_wait3A_216, %dma_wait3A_217] : memref<2x10000x64xf32, #tpu.memory_space<hbm>> -> memref<1x10000x64xf32, #tpu.memory_space<hbm>>
      %dma_wait3A_219 = tpu.memref_squeeze %dma_wait3A_218 : memref<1x10000x64xf32, #tpu.memory_space<hbm>> -> memref<10000x64xf32, #tpu.memory_space<hbm>>
      %dma_wait3A_220 = arith.constant 0 : i32
      %dma_wait3A_221 = arith.constant 0 : i32
      %dma_wait3A_222 = tpu.memref_slice %dma_wait3A_219[%dma_wait3A_220, %dma_wait3A_221] : memref<10000x64xf32, #tpu.memory_space<hbm>> -> memref<10000x64xf32, #tpu.memory_space<hbm>>
      tpu.wait_indirect_dma semaphore(%arg22 : memref<!tpu.dma_semaphore, #tpu.memory_space<semaphore_mem>>) src(%dma_wait3A_222 : memref<10000x64xf32, #tpu.memory_space<hbm>>) dst(%arg12 : memref<80x64xf32, #tpu.memory_space<vmem>>)
      %mul3A_223 = arith.constant 80 : i32
      %mul3A_224 = arith.muli %add3A_212, %mul3A_223 : i32
      "tpu.region"() ({
        %run_scoped3A = tpu.sem_alloc : memref<!tpu.dma_semaphore, #tpu.memory_space<semaphore_mem>>
        %dma_start3A_303 = tpu.memref_slice %arg6[%mul3A_224] : memref<20000xi32, #tpu.memory_space<vmem>> -> memref<80xi32, #tpu.memory_space<vmem>>
        %dma_start3A_304 = arith.constant 0 : i32
        %dma_start3A_305 = arith.constant 0 : i32
        %dma_start3A_306 = tpu.memref_slice %arg17[%dma_start3A_304, %dma_start3A_305] : memref<10000x64xf32, #tpu.memory_space<vmem_shared>> -> memref<10000x64xf32, #tpu.memory_space<vmem_shared>>
        tpu.enqueue_indirect_dma source(%arg12 : memref<80x64xf32, #tpu.memory_space<vmem>>) target(%dma_start3A_306 : memref<10000x64xf32, #tpu.memory_space<vmem_shared>>) offsets(%dma_start3A_303 : memref<80xi32, #tpu.memory_space<vmem>>) semaphore(%run_scoped3A : memref<!tpu.dma_semaphore, #tpu.memory_space<semaphore_mem>>) {add = true}
        %dma_wait3A_307 = tpu.memref_slice %arg6[%mul3A_224] : memref<20000xi32, #tpu.memory_space<vmem>> -> memref<80xi32, #tpu.memory_space<vmem>>
        %dma_wait3A_308 = arith.constant 0 : i32
        %dma_wait3A_309 = arith.constant 0 : i32
        %dma_wait3A_310 = tpu.memref_slice %arg17[%dma_wait3A_308, %dma_wait3A_309] : memref<10000x64xf32, #tpu.memory_space<vmem_shared>> -> memref<10000x64xf32, #tpu.memory_space<vmem_shared>>
        tpu.wait_indirect_dma semaphore(%run_scoped3A : memref<!tpu.dma_semaphore, #tpu.memory_space<semaphore_mem>>) src(%arg12 : memref<80x64xf32, #tpu.memory_space<vmem>>) dst(%dma_wait3A_310 : memref<10000x64xf32, #tpu.memory_space<vmem_shared>>)
        tpu.yield
      }) : () -> ()
      %add3A_225 = arith.constant 4 : i32
      %add3A_226 = arith.addi %mul3A_120, %add3A_225 : i32
      %add3A_227 = arith.constant 8 : i32
      %add3A_228 = arith.addi %add3A_226, %add3A_227 : i32
      %lt3A_229 = arith.constant 250 : i32
      %lt3A_230 = arith.cmpi slt, %add3A_228, %lt3A_229 : i32
      %convert_element_type3A_231 = arith.extui %lt3A_230 : i1 to i32
      %cond3A_232 = arith.constant 0 : i32
      %cond3A_233 = arith.cmpi ne, %convert_element_type3A_231, %cond3A_232 : i32
      scf.if %cond3A_233 {
        %add3A_303 = arith.constant 4 : i32
        %add3A_304 = arith.addi %mul3A_120, %add3A_303 : i32
        %add3A_305 = arith.constant 8 : i32
        %add3A_306 = arith.addi %add3A_304, %add3A_305 : i32
        %mul3A_307 = arith.constant 80 : i32
        %mul3A_308 = arith.muli %add3A_306, %mul3A_307 : i32
        %dma_start3A_309 = tpu.memref_slice %arg7[%mul3A_308] : memref<20000xi32, #tpu.memory_space<vmem>> -> memref<80xi32, #tpu.memory_space<vmem>>
        %dma_start3A_310 = arith.constant 0 : i32
        %dma_start3A_311 = arith.constant 0 : i32
        %dma_start3A_312 = tpu.memref_slice %arg2[%arg0, %dma_start3A_310, %dma_start3A_311] : memref<2x10000x64xf32, #tpu.memory_space<hbm>> -> memref<1x10000x64xf32, #tpu.memory_space<hbm>>
        %dma_start3A_313 = tpu.memref_squeeze %dma_start3A_312 : memref<1x10000x64xf32, #tpu.memory_space<hbm>> -> memref<10000x64xf32, #tpu.memory_space<hbm>>
        %dma_start3A_314 = arith.constant 0 : i32
        %dma_start3A_315 = arith.constant 0 : i32
        %dma_start3A_316 = tpu.memref_slice %dma_start3A_313[%dma_start3A_314, %dma_start3A_315] : memref<10000x64xf32, #tpu.memory_space<hbm>> -> memref<10000x64xf32, #tpu.memory_space<hbm>>
        tpu.enqueue_indirect_dma source(%dma_start3A_316 : memref<10000x64xf32, #tpu.memory_space<hbm>>) target(%arg12 : memref<80x64xf32, #tpu.memory_space<vmem>>) offsets(%dma_start3A_309 : memref<80xi32, #tpu.memory_space<vmem>>) semaphore(%arg22 : memref<!tpu.dma_semaphore, #tpu.memory_space<semaphore_mem>>)
      } else {
      }
      %add3A_234 = arith.constant 5 : i32
      %add3A_235 = arith.addi %mul3A_120, %add3A_234 : i32
      %mul3A_236 = arith.constant 80 : i32
      %mul3A_237 = arith.muli %add3A_235, %mul3A_236 : i32
      %dma_wait3A_238 = tpu.memref_slice %arg7[%mul3A_237] : memref<20000xi32, #tpu.memory_space<vmem>> -> memref<80xi32, #tpu.memory_space<vmem>>
      %dma_wait3A_239 = arith.constant 0 : i32
      %dma_wait3A_240 = arith.constant 0 : i32
      %dma_wait3A_241 = tpu.memref_slice %arg2[%arg0, %dma_wait3A_239, %dma_wait3A_240] : memref<2x10000x64xf32, #tpu.memory_space<hbm>> -> memref<1x10000x64xf32, #tpu.memory_space<hbm>>
      %dma_wait3A_242 = tpu.memref_squeeze %dma_wait3A_241 : memref<1x10000x64xf32, #tpu.memory_space<hbm>> -> memref<10000x64xf32, #tpu.memory_space<hbm>>
      %dma_wait3A_243 = arith.constant 0 : i32
      %dma_wait3A_244 = arith.constant 0 : i32
      %dma_wait3A_245 = tpu.memref_slice %dma_wait3A_242[%dma_wait3A_243, %dma_wait3A_244] : memref<10000x64xf32, #tpu.memory_space<hbm>> -> memref<10000x64xf32, #tpu.memory_space<hbm>>
      tpu.wait_indirect_dma semaphore(%arg23 : memref<!tpu.dma_semaphore, #tpu.memory_space<semaphore_mem>>) src(%dma_wait3A_245 : memref<10000x64xf32, #tpu.memory_space<hbm>>) dst(%arg13 : memref<80x64xf32, #tpu.memory_space<vmem>>)
      %mul3A_246 = arith.constant 80 : i32
      %mul3A_247 = arith.muli %add3A_235, %mul3A_246 : i32
      "tpu.region"() ({
        %run_scoped3A = tpu.sem_alloc : memref<!tpu.dma_semaphore, #tpu.memory_space<semaphore_mem>>
        %dma_start3A_303 = tpu.memref_slice %arg6[%mul3A_247] : memref<20000xi32, #tpu.memory_space<vmem>> -> memref<80xi32, #tpu.memory_space<vmem>>
        %dma_start3A_304 = arith.constant 0 : i32
        %dma_start3A_305 = arith.constant 0 : i32
        %dma_start3A_306 = tpu.memref_slice %arg17[%dma_start3A_304, %dma_start3A_305] : memref<10000x64xf32, #tpu.memory_space<vmem_shared>> -> memref<10000x64xf32, #tpu.memory_space<vmem_shared>>
        tpu.enqueue_indirect_dma source(%arg13 : memref<80x64xf32, #tpu.memory_space<vmem>>) target(%dma_start3A_306 : memref<10000x64xf32, #tpu.memory_space<vmem_shared>>) offsets(%dma_start3A_303 : memref<80xi32, #tpu.memory_space<vmem>>) semaphore(%run_scoped3A : memref<!tpu.dma_semaphore, #tpu.memory_space<semaphore_mem>>) {add = true}
        %dma_wait3A_307 = tpu.memref_slice %arg6[%mul3A_247] : memref<20000xi32, #tpu.memory_space<vmem>> -> memref<80xi32, #tpu.memory_space<vmem>>
        %dma_wait3A_308 = arith.constant 0 : i32
        %dma_wait3A_309 = arith.constant 0 : i32
        %dma_wait3A_310 = tpu.memref_slice %arg17[%dma_wait3A_308, %dma_wait3A_309] : memref<10000x64xf32, #tpu.memory_space<vmem_shared>> -> memref<10000x64xf32, #tpu.memory_space<vmem_shared>>
        tpu.wait_indirect_dma semaphore(%run_scoped3A : memref<!tpu.dma_semaphore, #tpu.memory_space<semaphore_mem>>) src(%arg13 : memref<80x64xf32, #tpu.memory_space<vmem>>) dst(%dma_wait3A_310 : memref<10000x64xf32, #tpu.memory_space<vmem_shared>>)
        tpu.yield
      }) : () -> ()
      %add3A_248 = arith.constant 5 : i32
      %add3A_249 = arith.addi %mul3A_120, %add3A_248 : i32
      %add3A_250 = arith.constant 8 : i32
      %add3A_251 = arith.addi %add3A_249, %add3A_250 : i32
      %lt3A_252 = arith.constant 250 : i32
      %lt3A_253 = arith.cmpi slt, %add3A_251, %lt3A_252 : i32
      %convert_element_type3A_254 = arith.extui %lt3A_253 : i1 to i32
      %cond3A_255 = arith.constant 0 : i32
      %cond3A_256 = arith.cmpi ne, %convert_element_type3A_254, %cond3A_255 : i32
      scf.if %cond3A_256 {
        %add3A_303 = arith.constant 5 : i32
        %add3A_304 = arith.addi %mul3A_120, %add3A_303 : i32
        %add3A_305 = arith.constant 8 : i32
        %add3A_306 = arith.addi %add3A_304, %add3A_305 : i32
        %mul3A_307 = arith.constant 80 : i32
        %mul3A_308 = arith.muli %add3A_306, %mul3A_307 : i32
        %dma_start3A_309 = tpu.memref_slice %arg7[%mul3A_308] : memref<20000xi32, #tpu.memory_space<vmem>> -> memref<80xi32, #tpu.memory_space<vmem>>
        %dma_start3A_310 = arith.constant 0 : i32
        %dma_start3A_311 = arith.constant 0 : i32
        %dma_start3A_312 = tpu.memref_slice %arg2[%arg0, %dma_start3A_310, %dma_start3A_311] : memref<2x10000x64xf32, #tpu.memory_space<hbm>> -> memref<1x10000x64xf32, #tpu.memory_space<hbm>>
        %dma_start3A_313 = tpu.memref_squeeze %dma_start3A_312 : memref<1x10000x64xf32, #tpu.memory_space<hbm>> -> memref<10000x64xf32, #tpu.memory_space<hbm>>
        %dma_start3A_314 = arith.constant 0 : i32
        %dma_start3A_315 = arith.constant 0 : i32
        %dma_start3A_316 = tpu.memref_slice %dma_start3A_313[%dma_start3A_314, %dma_start3A_315] : memref<10000x64xf32, #tpu.memory_space<hbm>> -> memref<10000x64xf32, #tpu.memory_space<hbm>>
        tpu.enqueue_indirect_dma source(%dma_start3A_316 : memref<10000x64xf32, #tpu.memory_space<hbm>>) target(%arg13 : memref<80x64xf32, #tpu.memory_space<vmem>>) offsets(%dma_start3A_309 : memref<80xi32, #tpu.memory_space<vmem>>) semaphore(%arg23 : memref<!tpu.dma_semaphore, #tpu.memory_space<semaphore_mem>>)
      } else {
      }
      %add3A_257 = arith.constant 6 : i32
      %add3A_258 = arith.addi %mul3A_120, %add3A_257 : i32
      %mul3A_259 = arith.constant 80 : i32
      %mul3A_260 = arith.muli %add3A_258, %mul3A_259 : i32
      %dma_wait3A_261 = tpu.memref_slice %arg7[%mul3A_260] : memref<20000xi32, #tpu.memory_space<vmem>> -> memref<80xi32, #tpu.memory_space<vmem>>
      %dma_wait3A_262 = arith.constant 0 : i32
      %dma_wait3A_263 = arith.constant 0 : i32
      %dma_wait3A_264 = tpu.memref_slice %arg2[%arg0, %dma_wait3A_262, %dma_wait3A_263] : memref<2x10000x64xf32, #tpu.memory_space<hbm>> -> memref<1x10000x64xf32, #tpu.memory_space<hbm>>
      %dma_wait3A_265 = tpu.memref_squeeze %dma_wait3A_264 : memref<1x10000x64xf32, #tpu.memory_space<hbm>> -> memref<10000x64xf32, #tpu.memory_space<hbm>>
      %dma_wait3A_266 = arith.constant 0 : i32
      %dma_wait3A_267 = arith.constant 0 : i32
      %dma_wait3A_268 = tpu.memref_slice %dma_wait3A_265[%dma_wait3A_266, %dma_wait3A_267] : memref<10000x64xf32, #tpu.memory_space<hbm>> -> memref<10000x64xf32, #tpu.memory_space<hbm>>
      tpu.wait_indirect_dma semaphore(%arg24 : memref<!tpu.dma_semaphore, #tpu.memory_space<semaphore_mem>>) src(%dma_wait3A_268 : memref<10000x64xf32, #tpu.memory_space<hbm>>) dst(%arg14 : memref<80x64xf32, #tpu.memory_space<vmem>>)
      %mul3A_269 = arith.constant 80 : i32
      %mul3A_270 = arith.muli %add3A_258, %mul3A_269 : i32
      "tpu.region"() ({
        %run_scoped3A = tpu.sem_alloc : memref<!tpu.dma_semaphore, #tpu.memory_space<semaphore_mem>>
        %dma_start3A_303 = tpu.memref_slice %arg6[%mul3A_270] : memref<20000xi32, #tpu.memory_space<vmem>> -> memref<80xi32, #tpu.memory_space<vmem>>
        %dma_start3A_304 = arith.constant 0 : i32
        %dma_start3A_305 = arith.constant 0 : i32
        %dma_start3A_306 = tpu.memref_slice %arg17[%dma_start3A_304, %dma_start3A_305] : memref<10000x64xf32, #tpu.memory_space<vmem_shared>> -> memref<10000x64xf32, #tpu.memory_space<vmem_shared>>
        tpu.enqueue_indirect_dma source(%arg14 : memref<80x64xf32, #tpu.memory_space<vmem>>) target(%dma_start3A_306 : memref<10000x64xf32, #tpu.memory_space<vmem_shared>>) offsets(%dma_start3A_303 : memref<80xi32, #tpu.memory_space<vmem>>) semaphore(%run_scoped3A : memref<!tpu.dma_semaphore, #tpu.memory_space<semaphore_mem>>) {add = true}
        %dma_wait3A_307 = tpu.memref_slice %arg6[%mul3A_270] : memref<20000xi32, #tpu.memory_space<vmem>> -> memref<80xi32, #tpu.memory_space<vmem>>
        %dma_wait3A_308 = arith.constant 0 : i32
        %dma_wait3A_309 = arith.constant 0 : i32
        %dma_wait3A_310 = tpu.memref_slice %arg17[%dma_wait3A_308, %dma_wait3A_309] : memref<10000x64xf32, #tpu.memory_space<vmem_shared>> -> memref<10000x64xf32, #tpu.memory_space<vmem_shared>>
        tpu.wait_indirect_dma semaphore(%run_scoped3A : memref<!tpu.dma_semaphore, #tpu.memory_space<semaphore_mem>>) src(%arg14 : memref<80x64xf32, #tpu.memory_space<vmem>>) dst(%dma_wait3A_310 : memref<10000x64xf32, #tpu.memory_space<vmem_shared>>)
        tpu.yield
      }) : () -> ()
      %add3A_271 = arith.constant 6 : i32
      %add3A_272 = arith.addi %mul3A_120, %add3A_271 : i32
      %add3A_273 = arith.constant 8 : i32
      %add3A_274 = arith.addi %add3A_272, %add3A_273 : i32
      %lt3A_275 = arith.constant 250 : i32
      %lt3A_276 = arith.cmpi slt, %add3A_274, %lt3A_275 : i32
      %convert_element_type3A_277 = arith.extui %lt3A_276 : i1 to i32
      %cond3A_278 = arith.constant 0 : i32
      %cond3A_279 = arith.cmpi ne, %convert_element_type3A_277, %cond3A_278 : i32
      scf.if %cond3A_279 {
        %add3A_303 = arith.constant 6 : i32
        %add3A_304 = arith.addi %mul3A_120, %add3A_303 : i32
        %add3A_305 = arith.constant 8 : i32
        %add3A_306 = arith.addi %add3A_304, %add3A_305 : i32
        %mul3A_307 = arith.constant 80 : i32
        %mul3A_308 = arith.muli %add3A_306, %mul3A_307 : i32
        %dma_start3A_309 = tpu.memref_slice %arg7[%mul3A_308] : memref<20000xi32, #tpu.memory_space<vmem>> -> memref<80xi32, #tpu.memory_space<vmem>>
        %dma_start3A_310 = arith.constant 0 : i32
        %dma_start3A_311 = arith.constant 0 : i32
        %dma_start3A_312 = tpu.memref_slice %arg2[%arg0, %dma_start3A_310, %dma_start3A_311] : memref<2x10000x64xf32, #tpu.memory_space<hbm>> -> memref<1x10000x64xf32, #tpu.memory_space<hbm>>
        %dma_start3A_313 = tpu.memref_squeeze %dma_start3A_312 : memref<1x10000x64xf32, #tpu.memory_space<hbm>> -> memref<10000x64xf32, #tpu.memory_space<hbm>>
        %dma_start3A_314 = arith.constant 0 : i32
        %dma_start3A_315 = arith.constant 0 : i32
        %dma_start3A_316 = tpu.memref_slice %dma_start3A_313[%dma_start3A_314, %dma_start3A_315] : memref<10000x64xf32, #tpu.memory_space<hbm>> -> memref<10000x64xf32, #tpu.memory_space<hbm>>
        tpu.enqueue_indirect_dma source(%dma_start3A_316 : memref<10000x64xf32, #tpu.memory_space<hbm>>) target(%arg14 : memref<80x64xf32, #tpu.memory_space<vmem>>) offsets(%dma_start3A_309 : memref<80xi32, #tpu.memory_space<vmem>>) semaphore(%arg24 : memref<!tpu.dma_semaphore, #tpu.memory_space<semaphore_mem>>)
      } else {
      }
      %add3A_280 = arith.constant 7 : i32
      %add3A_281 = arith.addi %mul3A_120, %add3A_280 : i32
      %mul3A_282 = arith.constant 80 : i32
      %mul3A_283 = arith.muli %add3A_281, %mul3A_282 : i32
      %dma_wait3A_284 = tpu.memref_slice %arg7[%mul3A_283] : memref<20000xi32, #tpu.memory_space<vmem>> -> memref<80xi32, #tpu.memory_space<vmem>>
      %dma_wait3A_285 = arith.constant 0 : i32
      %dma_wait3A_286 = arith.constant 0 : i32
      %dma_wait3A_287 = tpu.memref_slice %arg2[%arg0, %dma_wait3A_285, %dma_wait3A_286] : memref<2x10000x64xf32, #tpu.memory_space<hbm>> -> memref<1x10000x64xf32, #tpu.memory_space<hbm>>
      %dma_wait3A_288 = tpu.memref_squeeze %dma_wait3A_287 : memref<1x10000x64xf32, #tpu.memory_space<hbm>> -> memref<10000x64xf32, #tpu.memory_space<hbm>>
      %dma_wait3A_289 = arith.constant 0 : i32
      %dma_wait3A_290 = arith.constant 0 : i32
      %dma_wait3A_291 = tpu.memref_slice %dma_wait3A_288[%dma_wait3A_289, %dma_wait3A_290] : memref<10000x64xf32, #tpu.memory_space<hbm>> -> memref<10000x64xf32, #tpu.memory_space<hbm>>
      tpu.wait_indirect_dma semaphore(%arg25 : memref<!tpu.dma_semaphore, #tpu.memory_space<semaphore_mem>>) src(%dma_wait3A_291 : memref<10000x64xf32, #tpu.memory_space<hbm>>) dst(%arg15 : memref<80x64xf32, #tpu.memory_space<vmem>>)
      %mul3A_292 = arith.constant 80 : i32
      %mul3A_293 = arith.muli %add3A_281, %mul3A_292 : i32
      "tpu.region"() ({
        %run_scoped3A = tpu.sem_alloc : memref<!tpu.dma_semaphore, #tpu.memory_space<semaphore_mem>>
        %dma_start3A_303 = tpu.memref_slice %arg6[%mul3A_293] : memref<20000xi32, #tpu.memory_space<vmem>> -> memref<80xi32, #tpu.memory_space<vmem>>
        %dma_start3A_304 = arith.constant 0 : i32
        %dma_start3A_305 = arith.constant 0 : i32
        %dma_start3A_306 = tpu.memref_slice %arg17[%dma_start3A_304, %dma_start3A_305] : memref<10000x64xf32, #tpu.memory_space<vmem_shared>> -> memref<10000x64xf32, #tpu.memory_space<vmem_shared>>
        tpu.enqueue_indirect_dma source(%arg15 : memref<80x64xf32, #tpu.memory_space<vmem>>) target(%dma_start3A_306 : memref<10000x64xf32, #tpu.memory_space<vmem_shared>>) offsets(%dma_start3A_303 : memref<80xi32, #tpu.memory_space<vmem>>) semaphore(%run_scoped3A : memref<!tpu.dma_semaphore, #tpu.memory_space<semaphore_mem>>) {add = true}
        %dma_wait3A_307 = tpu.memref_slice %arg6[%mul3A_293] : memref<20000xi32, #tpu.memory_space<vmem>> -> memref<80xi32, #tpu.memory_space<vmem>>
        %dma_wait3A_308 = arith.constant 0 : i32
        %dma_wait3A_309 = arith.constant 0 : i32
        %dma_wait3A_310 = tpu.memref_slice %arg17[%dma_wait3A_308, %dma_wait3A_309] : memref<10000x64xf32, #tpu.memory_space<vmem_shared>> -> memref<10000x64xf32, #tpu.memory_space<vmem_shared>>
        tpu.wait_indirect_dma semaphore(%run_scoped3A : memref<!tpu.dma_semaphore, #tpu.memory_space<semaphore_mem>>) src(%arg15 : memref<80x64xf32, #tpu.memory_space<vmem>>) dst(%dma_wait3A_310 : memref<10000x64xf32, #tpu.memory_space<vmem_shared>>)
        tpu.yield
      }) : () -> ()
      %add3A_294 = arith.constant 7 : i32
      %add3A_295 = arith.addi %mul3A_120, %add3A_294 : i32
      %add3A_296 = arith.constant 8 : i32
      %add3A_297 = arith.addi %add3A_295, %add3A_296 : i32
      %lt3A_298 = arith.constant 250 : i32
      %lt3A_299 = arith.cmpi slt, %add3A_297, %lt3A_298 : i32
      %convert_element_type3A_300 = arith.extui %lt3A_299 : i1 to i32
      %cond3A_301 = arith.constant 0 : i32
      %cond3A_302 = arith.cmpi ne, %convert_element_type3A_300, %cond3A_301 : i32
      scf.if %cond3A_302 {
        %add3A_303 = arith.constant 7 : i32
        %add3A_304 = arith.addi %mul3A_120, %add3A_303 : i32
        %add3A_305 = arith.constant 8 : i32
        %add3A_306 = arith.addi %add3A_304, %add3A_305 : i32
        %mul3A_307 = arith.constant 80 : i32
        %mul3A_308 = arith.muli %add3A_306, %mul3A_307 : i32
        %dma_start3A_309 = tpu.memref_slice %arg7[%mul3A_308] : memref<20000xi32, #tpu.memory_space<vmem>> -> memref<80xi32, #tpu.memory_space<vmem>>
        %dma_start3A_310 = arith.constant 0 : i32
        %dma_start3A_311 = arith.constant 0 : i32
        %dma_start3A_312 = tpu.memref_slice %arg2[%arg0, %dma_start3A_310, %dma_start3A_311] : memref<2x10000x64xf32, #tpu.memory_space<hbm>> -> memref<1x10000x64xf32, #tpu.memory_space<hbm>>
        %dma_start3A_313 = tpu.memref_squeeze %dma_start3A_312 : memref<1x10000x64xf32, #tpu.memory_space<hbm>> -> memref<10000x64xf32, #tpu.memory_space<hbm>>
        %dma_start3A_314 = arith.constant 0 : i32
        %dma_start3A_315 = arith.constant 0 : i32
        %dma_start3A_316 = tpu.memref_slice %dma_start3A_313[%dma_start3A_314, %dma_start3A_315] : memref<10000x64xf32, #tpu.memory_space<hbm>> -> memref<10000x64xf32, #tpu.memory_space<hbm>>
        tpu.enqueue_indirect_dma source(%dma_start3A_316 : memref<10000x64xf32, #tpu.memory_space<hbm>>) target(%arg15 : memref<80x64xf32, #tpu.memory_space<vmem>>) offsets(%dma_start3A_309 : memref<80xi32, #tpu.memory_space<vmem>>) semaphore(%arg25 : memref<!tpu.dma_semaphore, #tpu.memory_space<semaphore_mem>>)
      } else {
      }
    }
    %scan3A_91 = arith.constant 31 : i32
    %dma_wait3A = arith.constant 19840 : i32
    %dma_wait3A_92 = tpu.memref_slice %arg7[%dma_wait3A] : memref<20000xi32, #tpu.memory_space<vmem>> -> memref<80xi32, #tpu.memory_space<vmem>>
    %dma_wait3A_93 = arith.constant 0 : i32
    %dma_wait3A_94 = arith.constant 0 : i32
    %dma_wait3A_95 = tpu.memref_slice %arg2[%arg0, %dma_wait3A_93, %dma_wait3A_94] : memref<2x10000x64xf32, #tpu.memory_space<hbm>> -> memref<1x10000x64xf32, #tpu.memory_space<hbm>>
    %dma_wait3A_96 = tpu.memref_squeeze %dma_wait3A_95 : memref<1x10000x64xf32, #tpu.memory_space<hbm>> -> memref<10000x64xf32, #tpu.memory_space<hbm>>
    %dma_wait3A_97 = arith.constant 0 : i32
    %dma_wait3A_98 = arith.constant 0 : i32
    %dma_wait3A_99 = tpu.memref_slice %dma_wait3A_96[%dma_wait3A_97, %dma_wait3A_98] : memref<10000x64xf32, #tpu.memory_space<hbm>> -> memref<10000x64xf32, #tpu.memory_space<hbm>>
    tpu.wait_indirect_dma semaphore(%arg18 : memref<!tpu.dma_semaphore, #tpu.memory_space<semaphore_mem>>) src(%dma_wait3A_99 : memref<10000x64xf32, #tpu.memory_space<hbm>>) dst(%arg8 : memref<80x64xf32, #tpu.memory_space<vmem>>)
    "tpu.region"() ({
      %run_scoped3A = tpu.sem_alloc : memref<!tpu.dma_semaphore, #tpu.memory_space<semaphore_mem>>
      %dma_start3A_118 = arith.constant 19840 : i32
      %dma_start3A_119 = tpu.memref_slice %arg6[%dma_start3A_118] : memref<20000xi32, #tpu.memory_space<vmem>> -> memref<80xi32, #tpu.memory_space<vmem>>
      %dma_start3A_120 = arith.constant 0 : i32
      %dma_start3A_121 = arith.constant 0 : i32
      %dma_start3A_122 = tpu.memref_slice %arg17[%dma_start3A_120, %dma_start3A_121] : memref<10000x64xf32, #tpu.memory_space<vmem_shared>> -> memref<10000x64xf32, #tpu.memory_space<vmem_shared>>
      tpu.enqueue_indirect_dma source(%arg8 : memref<80x64xf32, #tpu.memory_space<vmem>>) target(%dma_start3A_122 : memref<10000x64xf32, #tpu.memory_space<vmem_shared>>) offsets(%dma_start3A_119 : memref<80xi32, #tpu.memory_space<vmem>>) semaphore(%run_scoped3A : memref<!tpu.dma_semaphore, #tpu.memory_space<semaphore_mem>>) {add = true}
      %dma_wait3A_123 = arith.constant 19840 : i32
      %dma_wait3A_124 = tpu.memref_slice %arg6[%dma_wait3A_123] : memref<20000xi32, #tpu.memory_space<vmem>> -> memref<80xi32, #tpu.memory_space<vmem>>
      %dma_wait3A_125 = arith.constant 0 : i32
      %dma_wait3A_126 = arith.constant 0 : i32
      %dma_wait3A_127 = tpu.memref_slice %arg17[%dma_wait3A_125, %dma_wait3A_126] : memref<10000x64xf32, #tpu.memory_space<vmem_shared>> -> memref<10000x64xf32, #tpu.memory_space<vmem_shared>>
      tpu.wait_indirect_dma semaphore(%run_scoped3A : memref<!tpu.dma_semaphore, #tpu.memory_space<semaphore_mem>>) src(%arg8 : memref<80x64xf32, #tpu.memory_space<vmem>>) dst(%dma_wait3A_127 : memref<10000x64xf32, #tpu.memory_space<vmem_shared>>)
      tpu.yield
    }) : () -> ()
    %dma_wait3A_100 = arith.constant 19920 : i32
    %dma_wait3A_101 = tpu.memref_slice %arg7[%dma_wait3A_100] : memref<20000xi32, #tpu.memory_space<vmem>> -> memref<80xi32, #tpu.memory_space<vmem>>
    %dma_wait3A_102 = arith.constant 0 : i32
    %dma_wait3A_103 = arith.constant 0 : i32
    %dma_wait3A_104 = tpu.memref_slice %arg2[%arg0, %dma_wait3A_102, %dma_wait3A_103] : memref<2x10000x64xf32, #tpu.memory_space<hbm>> -> memref<1x10000x64xf32, #tpu.memory_space<hbm>>
    %dma_wait3A_105 = tpu.memref_squeeze %dma_wait3A_104 : memref<1x10000x64xf32, #tpu.memory_space<hbm>> -> memref<10000x64xf32, #tpu.memory_space<hbm>>
    %dma_wait3A_106 = arith.constant 0 : i32
    %dma_wait3A_107 = arith.constant 0 : i32
    %dma_wait3A_108 = tpu.memref_slice %dma_wait3A_105[%dma_wait3A_106, %dma_wait3A_107] : memref<10000x64xf32, #tpu.memory_space<hbm>> -> memref<10000x64xf32, #tpu.memory_space<hbm>>
    tpu.wait_indirect_dma semaphore(%arg19 : memref<!tpu.dma_semaphore, #tpu.memory_space<semaphore_mem>>) src(%dma_wait3A_108 : memref<10000x64xf32, #tpu.memory_space<hbm>>) dst(%arg9 : memref<80x64xf32, #tpu.memory_space<vmem>>)
    "tpu.region"() ({
      %run_scoped3A = tpu.sem_alloc : memref<!tpu.dma_semaphore, #tpu.memory_space<semaphore_mem>>
      %dma_start3A_118 = arith.constant 19920 : i32
      %dma_start3A_119 = tpu.memref_slice %arg6[%dma_start3A_118] : memref<20000xi32, #tpu.memory_space<vmem>> -> memref<80xi32, #tpu.memory_space<vmem>>
      %dma_start3A_120 = arith.constant 0 : i32
      %dma_start3A_121 = arith.constant 0 : i32
      %dma_start3A_122 = tpu.memref_slice %arg17[%dma_start3A_120, %dma_start3A_121] : memref<10000x64xf32, #tpu.memory_space<vmem_shared>> -> memref<10000x64xf32, #tpu.memory_space<vmem_shared>>
      tpu.enqueue_indirect_dma source(%arg9 : memref<80x64xf32, #tpu.memory_space<vmem>>) target(%dma_start3A_122 : memref<10000x64xf32, #tpu.memory_space<vmem_shared>>) offsets(%dma_start3A_119 : memref<80xi32, #tpu.memory_space<vmem>>) semaphore(%run_scoped3A : memref<!tpu.dma_semaphore, #tpu.memory_space<semaphore_mem>>) {add = true}
      %dma_wait3A_123 = arith.constant 19920 : i32
      %dma_wait3A_124 = tpu.memref_slice %arg6[%dma_wait3A_123] : memref<20000xi32, #tpu.memory_space<vmem>> -> memref<80xi32, #tpu.memory_space<vmem>>
      %dma_wait3A_125 = arith.constant 0 : i32
      %dma_wait3A_126 = arith.constant 0 : i32
      %dma_wait3A_127 = tpu.memref_slice %arg17[%dma_wait3A_125, %dma_wait3A_126] : memref<10000x64xf32, #tpu.memory_space<vmem_shared>> -> memref<10000x64xf32, #tpu.memory_space<vmem_shared>>
      tpu.wait_indirect_dma semaphore(%run_scoped3A : memref<!tpu.dma_semaphore, #tpu.memory_space<semaphore_mem>>) src(%arg9 : memref<80x64xf32, #tpu.memory_space<vmem>>) dst(%dma_wait3A_127 : memref<10000x64xf32, #tpu.memory_space<vmem_shared>>)
      tpu.yield
    }) : () -> ()
    %barrier3A_109 = arith.constant 0 : index
    tpu.barrier barrier_id(%barrier3A_109)
    %mul3A_110 = arith.constant 624 : i32
    %mul3A_111 = arith.muli %arg1, %mul3A_110 : i32
    %mul3A_112 = arith.constant 624 : i32
    %mul3A_113 = arith.muli %arg1, %mul3A_112 : i32
    %mul3A_114 = arith.constant 64 : i32
    %mul3A_115 = arith.muli %arg0, %mul3A_114 : i32
    "tpu.region"() ({
      %run_scoped3A = tpu.sem_alloc : memref<!tpu.dma_semaphore, #tpu.memory_space<semaphore_mem>>
      %dma_start3A_118 = tpu.memref_slice %arg5[%mul3A_113, %mul3A_115] : memref<10000x128xf32, #tpu.memory_space<hbm>> -> memref<624x64xf32, #tpu.memory_space<hbm>>
      %dma_start3A_119 = arith.constant 0 : i32
      %dma_start3A_120 = tpu.memref_slice %arg17[%mul3A_111, %dma_start3A_119] : memref<10000x64xf32, #tpu.memory_space<vmem_shared>> -> memref<624x64xf32, #tpu.memory_space<vmem_shared>>
      tpu.enqueue_dma source(%dma_start3A_120 : memref<624x64xf32, #tpu.memory_space<vmem_shared>>) target(%dma_start3A_118 : memref<624x64xf32, #tpu.memory_space<hbm>>) target_semaphore(%run_scoped3A : memref<!tpu.dma_semaphore, #tpu.memory_space<semaphore_mem>>)
      %dma_wait3A_121 = tpu.memref_slice %arg5[%mul3A_113, %mul3A_115] : memref<10000x128xf32, #tpu.memory_space<hbm>> -> memref<624x64xf32, #tpu.memory_space<hbm>>
      %dma_wait3A_122 = arith.constant 0 : i32
      %dma_wait3A_123 = tpu.memref_slice %arg17[%mul3A_111, %dma_wait3A_122] : memref<10000x64xf32, #tpu.memory_space<vmem_shared>> -> memref<624x64xf32, #tpu.memory_space<vmem_shared>>
      tpu.wait_dma2 semaphore(%run_scoped3A : memref<!tpu.dma_semaphore, #tpu.memory_space<semaphore_mem>>) src(%dma_wait3A_123 : memref<624x64xf32, #tpu.memory_space<vmem_shared>>) dst(%dma_wait3A_121 : memref<624x64xf32, #tpu.memory_space<hbm>>)
      tpu.yield
    }) : () -> ()
    %eq3A = arith.constant 0 : i32
    %eq3A_116 = arith.cmpi eq, %arg1, %eq3A : i32
    %convert_element_type3A = arith.extui %eq3A_116 : i1 to i32
    %cond3A = arith.constant 0 : i32
    %cond3A_117 = arith.cmpi ne, %convert_element_type3A, %cond3A : i32
    scf.if %cond3A_117 {
      %mul3A_118 = arith.constant 64 : i32
      %mul3A_119 = arith.muli %arg0, %mul3A_118 : i32
      "tpu.region"() ({
        %run_scoped3A = tpu.sem_alloc : memref<!tpu.dma_semaphore, #tpu.memory_space<semaphore_mem>>
        %dma_start3A_120 = arith.constant 9984 : i32
        %dma_start3A_121 = tpu.memref_slice %arg5[%dma_start3A_120, %mul3A_119] : memref<10000x128xf32, #tpu.memory_space<hbm>> -> memref<16x64xf32, #tpu.memory_space<hbm>>
        %dma_start3A_122 = arith.constant 9984 : i32
        %dma_start3A_123 = arith.constant 0 : i32
        %dma_start3A_124 = tpu.memref_slice %arg17[%dma_start3A_122, %dma_start3A_123] : memref<10000x64xf32, #tpu.memory_space<vmem_shared>> -> memref<16x64xf32, #tpu.memory_space<vmem_shared>>
        tpu.enqueue_dma source(%dma_start3A_124 : memref<16x64xf32, #tpu.memory_space<vmem_shared>>) target(%dma_start3A_121 : memref<16x64xf32, #tpu.memory_space<hbm>>) target_semaphore(%run_scoped3A : memref<!tpu.dma_semaphore, #tpu.memory_space<semaphore_mem>>)
        %dma_wait3A_125 = arith.constant 9984 : i32
        %dma_wait3A_126 = tpu.memref_slice %arg5[%dma_wait3A_125, %mul3A_119] : memref<10000x128xf32, #tpu.memory_space<hbm>> -> memref<16x64xf32, #tpu.memory_space<hbm>>
        %dma_wait3A_127 = arith.constant 9984 : i32
        %dma_wait3A_128 = arith.constant 0 : i32
        %dma_wait3A_129 = tpu.memref_slice %arg17[%dma_wait3A_127, %dma_wait3A_128] : memref<10000x64xf32, #tpu.memory_space<vmem_shared>> -> memref<16x64xf32, #tpu.memory_space<vmem_shared>>
        tpu.wait_dma2 semaphore(%run_scoped3A : memref<!tpu.dma_semaphore, #tpu.memory_space<semaphore_mem>>) src(%dma_wait3A_129 : memref<16x64xf32, #tpu.memory_space<vmem_shared>>) dst(%dma_wait3A_126 : memref<16x64xf32, #tpu.memory_space<hbm>>)
        tpu.yield
      }) : () -> ()
    } else {
    }
    return
  }
}

#map = affine_map<(d0, d1) -> (0, 0, 0)>
#map1 = affine_map<(d0, d1) -> (0)>
#map2 = affine_map<(d0, d1) -> (0, 0)>
module attributes {stable_mosaic.version = 14 : i64} {
  func.func @spmm_k(%arg0: i32, %arg1: i32, %arg2: memref<2x10000x64xf32, #tpu.memory_space<hbm>>, %arg3: memref<320000xi32, #tpu.memory_space<hbm>>, %arg4: memref<320000xi32, #tpu.memory_space<hbm>>, %arg5: memref<10000x128xf32, #tpu.memory_space<hbm>>, %arg6: memref<20000xi32, #tpu.memory_space<vmem>>, %arg7: memref<20000xi32, #tpu.memory_space<vmem>>, %arg8: memref<80x64xf32, #tpu.memory_space<vmem>>, %arg9: memref<80x64xf32, #tpu.memory_space<vmem>>, %arg10: memref<80x64xf32, #tpu.memory_space<vmem>>, %arg11: memref<80x64xf32, #tpu.memory_space<vmem>>, %arg12: memref<80x64xf32, #tpu.memory_space<vmem>>, %arg13: memref<80x64xf32, #tpu.memory_space<vmem>>, %arg14: memref<80x64xf32, #tpu.memory_space<vmem>>, %arg15: memref<80x64xf32, #tpu.memory_space<vmem>>, %arg16: memref<125x64xf32, #tpu.memory_space<vmem>>, %arg17: memref<10000x64xf32, #tpu.memory_space<vmem_shared>>, %arg18: memref<!tpu.dma_semaphore, #tpu.memory_space<semaphore_mem>>, %arg19: memref<!tpu.dma_semaphore, #tpu.memory_space<semaphore_mem>>, %arg20: memref<!tpu.dma_semaphore, #tpu.memory_space<semaphore_mem>>, %arg21: memref<!tpu.dma_semaphore, #tpu.memory_space<semaphore_mem>>, %arg22: memref<!tpu.dma_semaphore, #tpu.memory_space<semaphore_mem>>, %arg23: memref<!tpu.dma_semaphore, #tpu.memory_space<semaphore_mem>>, %arg24: memref<!tpu.dma_semaphore, #tpu.memory_space<semaphore_mem>>, %arg25: memref<!tpu.dma_semaphore, #tpu.memory_space<semaphore_mem>>) attributes {dimension_semantics = [#tpu.dimension_semantics<core_parallel>, #tpu.dimension_semantics<subcore_parallel>], iteration_bounds = array<i64: 2, 16>, scalar_prefetch = 0 : i64, scratch_operands = 20 : i64, tpu.core_type = #tpu.core_type<sc_vector_subcore>, window_params = [{transform_indices = #map}, {transform_indices = #map1}, {transform_indices = #map1}, {transform_indices = #map2}]} {
    %mul3A = arith.constant 20000 : i32
    %mul3A_0 = arith.muli %arg1, %mul3A : i32
    "tpu.region"() ({
      %run_scoped3A = tpu.sem_alloc : memref<!tpu.dma_semaphore, #tpu.memory_space<semaphore_mem>>
      %dma_start3A_118 = tpu.memref_slice %arg3[%mul3A_0] : memref<320000xi32, #tpu.memory_space<hbm>> -> memref<20000xi32, #tpu.memory_space<hbm>>
      %dma_start3A_119 = tpu.memref_slice %arg3[%mul3A_0] : memref<320000xi32, #tpu.memory_space<hbm>> -> memref<20000xi32, #tpu.memory_space<hbm>>
      tpu.enqueue_dma source(%dma_start3A_119 : memref<20000xi32, #tpu.memory_space<hbm>>) target(%arg6 : memref<20000xi32, #tpu.memory_space<vmem>>) target_semaphore(%run_scoped3A : memref<!tpu.dma_semaphore, #tpu.memory_space<semaphore_mem>>)
      %dma_wait3A_120 = tpu.memref_slice %arg3[%mul3A_0] : memref<320000xi32, #tpu.memory_space<hbm>> -> memref<20000xi32, #tpu.memory_space<hbm>>
      %dma_wait3A_121 = tpu.memref_slice %arg3[%mul3A_0] : memref<320000xi32, #tpu.memory_space<hbm>> -> memref<20000xi32, #tpu.memory_space<hbm>>
      tpu.wait_dma2 semaphore(%run_scoped3A : memref<!tpu.dma_semaphore, #tpu.memory_space<semaphore_mem>>) src(%dma_wait3A_121 : memref<20000xi32, #tpu.memory_space<hbm>>) dst(%arg6 : memref<20000xi32, #tpu.memory_space<vmem>>)
      tpu.yield
    }) : () -> ()
    %mul3A_1 = arith.constant 20000 : i32
    %mul3A_2 = arith.muli %arg1, %mul3A_1 : i32
    "tpu.region"() ({
      %run_scoped3A = tpu.sem_alloc : memref<!tpu.dma_semaphore, #tpu.memory_space<semaphore_mem>>
      %dma_start3A_118 = tpu.memref_slice %arg4[%mul3A_2] : memref<320000xi32, #tpu.memory_space<hbm>> -> memref<20000xi32, #tpu.memory_space<hbm>>
      %dma_start3A_119 = tpu.memref_slice %arg4[%mul3A_2] : memref<320000xi32, #tpu.memory_space<hbm>> -> memref<20000xi32, #tpu.memory_space<hbm>>
      tpu.enqueue_dma source(%dma_start3A_119 : memref<20000xi32, #tpu.memory_space<hbm>>) target(%arg7 : memref<20000xi32, #tpu.memory_space<vmem>>) target_semaphore(%run_scoped3A : memref<!tpu.dma_semaphore, #tpu.memory_space<semaphore_mem>>)
      %dma_wait3A_120 = tpu.memref_slice %arg4[%mul3A_2] : memref<320000xi32, #tpu.memory_space<hbm>> -> memref<20000xi32, #tpu.memory_space<hbm>>
      %dma_wait3A_121 = tpu.memref_slice %arg4[%mul3A_2] : memref<320000xi32, #tpu.memory_space<hbm>> -> memref<20000xi32, #tpu.memory_space<hbm>>
      tpu.wait_dma2 semaphore(%run_scoped3A : memref<!tpu.dma_semaphore, #tpu.memory_space<semaphore_mem>>) src(%dma_wait3A_121 : memref<20000xi32, #tpu.memory_space<hbm>>) dst(%arg7 : memref<20000xi32, #tpu.memory_space<vmem>>)
      tpu.yield
    }) : () -> ()
    %broadcast_in_dim3A = arith.constant 0.000000e+00 : f32
    %broadcast_in_dim3A_3 = vector.broadcast %broadcast_in_dim3A : f32 to vector<16xf32>
    %scan3A = arith.constant 0 : i32
    %scan3A_4 = arith.constant 0 : i32
    %scan3A_5 = arith.constant 125 : i32
    %scan3A_6 = arith.addi %scan3A_4, %scan3A_5 : i32
    %scan3A_7 = arith.constant 1 : i32
    scf.for %scan3A_118 = %scan3A_4 to %scan3A_6 step %scan3A_7  : i32 {
      %scan3A_119 = arith.constant 0 : i32
      %scan3A_120 = arith.constant 4 : i32
      %scan3A_121 = arith.addi %scan3A_119, %scan3A_120 : i32
      %scan3A_122 = arith.constant 1 : i32
      scf.for %scan3A_124 = %scan3A_119 to %scan3A_121 step %scan3A_122  : i32 {
        %mul3A_125 = arith.constant 16 : i32
        %mul3A_126 = arith.muli %scan3A_124, %mul3A_125 : i32
        %swap3A = arith.index_cast %scan3A_118 : i32 to index
        %swap3A_127 = arith.index_cast %mul3A_126 : i32 to index
        %swap3A_128 = tpu.vector_load %arg16[%swap3A, %swap3A_127] {strides = array<i32>} : memref<125x64xf32, #tpu.memory_space<vmem>>, vector<16xf32>,
        tpu.vector_store %arg16[%swap3A, %swap3A_127], %broadcast_in_dim3A_3 {strides = array<i32>} : memref<125x64xf32, #tpu.memory_space<vmem>>, vector<16xf32>,
      }
      %scan3A_123 = arith.constant 4 : i32
    }
    %scan3A_8 = arith.constant 125 : i32
    %scan3A_9 = arith.constant 0 : i32
    %scan3A_10 = arith.constant 0 : i32
    %scan3A_11 = arith.constant 5 : i32
    %scan3A_12 = arith.addi %scan3A_10, %scan3A_11 : i32
    %scan3A_13 = arith.constant 1 : i32
    scf.for %scan3A_118 = %scan3A_10 to %scan3A_12 step %scan3A_13  : i32 {
      %mul3A_119 = arith.constant 625 : i32
      %mul3A_120 = arith.muli %arg1, %mul3A_119 : i32
      %mul3A_121 = arith.constant 125 : i32
      %mul3A_122 = arith.muli %scan3A_118, %mul3A_121 : i32
      %add3A = arith.addi %mul3A_120, %mul3A_122 : i32
      "tpu.region"() ({
        %run_scoped3A = tpu.sem_alloc : memref<!tpu.dma_semaphore, #tpu.memory_space<semaphore_mem>>
        %dma_start3A_123 = arith.constant 0 : i32
        %dma_start3A_124 = tpu.memref_slice %arg17[%add3A, %dma_start3A_123] : memref<10000x64xf32, #tpu.memory_space<vmem_shared>> -> memref<125x64xf32, #tpu.memory_space<vmem_shared>>
        %dma_start3A_125 = arith.constant 0 : i32
        %dma_start3A_126 = tpu.memref_slice %arg17[%add3A, %dma_start3A_125] : memref<10000x64xf32, #tpu.memory_space<vmem_shared>> -> memref<125x64xf32, #tpu.memory_space<vmem_shared>>
        tpu.enqueue_dma source(%arg16 : memref<125x64xf32, #tpu.memory_space<vmem>>) target(%dma_start3A_126 : memref<125x64xf32, #tpu.memory_space<vmem_shared>>) target_semaphore(%run_scoped3A : memref<!tpu.dma_semaphore, #tpu.memory_space<semaphore_mem>>)
        %dma_wait3A_127 = arith.constant 0 : i32
        %dma_wait3A_128 = tpu.memref_slice %arg17[%add3A, %dma_wait3A_127] : memref<10000x64xf32, #tpu.memory_space<vmem_shared>> -> memref<125x64xf32, #tpu.memory_space<vmem_shared>>
        %dma_wait3A_129 = arith.constant 0 : i32
        %dma_wait3A_130 = tpu.memref_slice %arg17[%add3A, %dma_wait3A_129] : memref<10000x64xf32, #tpu.memory_space<vmem_shared>> -> memref<125x64xf32, #tpu.memory_space<vmem_shared>>
        tpu.wait_dma2 semaphore(%run_scoped3A : memref<!tpu.dma_semaphore, #tpu.memory_space<semaphore_mem>>) src(%arg16 : memref<125x64xf32, #tpu.memory_space<vmem>>) dst(%dma_wait3A_130 : memref<125x64xf32, #tpu.memory_space<vmem_shared>>)
        tpu.yield
      }) : () -> ()
    }
    %scan3A_14 = arith.constant 5 : i32
    %barrier3A = arith.constant 0 : index
    tpu.barrier barrier_id(%barrier3A)
    %dma_start3A = arith.constant 0 : i32
    %dma_start3A_15 = tpu.memref_slice %arg7[%dma_start3A] : memref<20000xi32, #tpu.memory_space<vmem>> -> memref<80xi32, #tpu.memory_space<vmem>>
    %dma_start3A_16 = arith.constant 0 : i32
    %dma_start3A_17 = arith.constant 0 : i32
    %dma_start3A_18 = tpu.memref_slice %arg2[%arg0, %dma_start3A_16, %dma_start3A_17] : memref<2x10000x64xf32, #tpu.memory_space<hbm>> -> memref<1x10000x64xf32, #tpu.memory_space<hbm>>
    %dma_start3A_19 = tpu.memref_squeeze %dma_start3A_18 : memref<1x10000x64xf32, #tpu.memory_space<hbm>> -> memref<10000x64xf32, #tpu.memory_space<hbm>>
    %dma_start3A_20 = arith.constant 0 : i32
    %dma_start3A_21 = arith.constant 0 : i32
    %dma_start3A_22 = tpu.memref_slice %dma_start3A_19[%dma_start3A_20, %dma_start3A_21] : memref<10000x64xf32, #tpu.memory_space<hbm>> -> memref<10000x64xf32, #tpu.memory_space<hbm>>
    tpu.enqueue_indirect_dma source(%dma_start3A_22 : memref<10000x64xf32, #tpu.memory_space<hbm>>) target(%arg8 : memref<80x64xf32, #tpu.memory_space<vmem>>) offsets(%dma_start3A_15 : memref<80xi32, #tpu.memory_space<vmem>>) semaphore(%arg18 : memref<!tpu.dma_semaphore, #tpu.memory_space<semaphore_mem>>)
    %dma_start3A_23 = arith.constant 80 : i32
    %dma_start3A_24 = tpu.memref_slice %arg7[%dma_start3A_23] : memref<20000xi32, #tpu.memory_space<vmem>> -> memref<80xi32, #tpu.memory_space<vmem>>
    %dma_start3A_25 = arith.constant 0 : i32
    %dma_start3A_26 = arith.constant 0 : i32
    %dma_start3A_27 = tpu.memref_slice %arg2[%arg0, %dma_start3A_25, %dma_start3A_26] : memref<2x10000x64xf32, #tpu.memory_space<hbm>> -> memref<1x10000x64xf32, #tpu.memory_space<hbm>>
    %dma_start3A_28 = tpu.memref_squeeze %dma_start3A_27 : memref<1x10000x64xf32, #tpu.memory_space<hbm>> -> memref<10000x64xf32, #tpu.memory_space<hbm>>
    %dma_start3A_29 = arith.constant 0 : i32
    %dma_start3A_30 = arith.constant 0 : i32
    %dma_start3A_31 = tpu.memref_slice %dma_start3A_28[%dma_start3A_29, %dma_start3A_30] : memref<10000x64xf32, #tpu.memory_space<hbm>> -> memref<10000x64xf32, #tpu.memory_space<hbm>>
    tpu.enqueue_indirect_dma source(%dma_start3A_31 : memref<10000x64xf32, #tpu.memory_space<hbm>>) target(%arg9 : memref<80x64xf32, #tpu.memory_space<vmem>>) offsets(%dma_start3A_24 : memref<80xi32, #tpu.memory_space<vmem>>) semaphore(%arg19 : memref<!tpu.dma_semaphore, #tpu.memory_space<semaphore_mem>>)
    %dma_start3A_32 = arith.constant 160 : i32
    %dma_start3A_33 = tpu.memref_slice %arg7[%dma_start3A_32] : memref<20000xi32, #tpu.memory_space<vmem>> -> memref<80xi32, #tpu.memory_space<vmem>>
    %dma_start3A_34 = arith.constant 0 : i32
    %dma_start3A_35 = arith.constant 0 : i32
    %dma_start3A_36 = tpu.memref_slice %arg2[%arg0, %dma_start3A_34, %dma_start3A_35] : memref<2x10000x64xf32, #tpu.memory_space<hbm>> -> memref<1x10000x64xf32, #tpu.memory_space<hbm>>
    %dma_start3A_37 = tpu.memref_squeeze %dma_start3A_36 : memref<1x10000x64xf32, #tpu.memory_space<hbm>> -> memref<10000x64xf32, #tpu.memory_space<hbm>>
    %dma_start3A_38 = arith.constant 0 : i32
    %dma_start3A_39 = arith.constant 0 : i32
    %dma_start3A_40 = tpu.memref_slice %dma_start3A_37[%dma_start3A_38, %dma_start3A_39] : memref<10000x64xf32, #tpu.memory_space<hbm>> -> memref<10000x64xf32, #tpu.memory_space<hbm>>
    tpu.enqueue_indirect_dma source(%dma_start3A_40 : memref<10000x64xf32, #tpu.memory_space<hbm>>) target(%arg10 : memref<80x64xf32, #tpu.memory_space<vmem>>) offsets(%dma_start3A_33 : memref<80xi32, #tpu.memory_space<vmem>>) semaphore(%arg20 : memref<!tpu.dma_semaphore, #tpu.memory_space<semaphore_mem>>)
    %dma_start3A_41 = arith.constant 240 : i32
    %dma_start3A_42 = tpu.memref_slice %arg7[%dma_start3A_41] : memref<20000xi32, #tpu.memory_space<vmem>> -> memref<80xi32, #tpu.memory_space<vmem>>
    %dma_start3A_43 = arith.constant 0 : i32
    %dma_start3A_44 = arith.constant 0 : i32
    %dma_start3A_45 = tpu.memref_slice %arg2[%arg0, %dma_start3A_43, %dma_start3A_44] : memref<2x10000x64xf32, #tpu.memory_space<hbm>> -> memref<1x10000x64xf32, #tpu.memory_space<hbm>>
    %dma_start3A_46 = tpu.memref_squeeze %dma_start3A_45 : memref<1x10000x64xf32, #tpu.memory_space<hbm>> -> memref<10000x64xf32, #tpu.memory_space<hbm>>
    %dma_start3A_47 = arith.constant 0 : i32
    %dma_start3A_48 = arith.constant 0 : i32
    %dma_start3A_49 = tpu.memref_slice %dma_start3A_46[%dma_start3A_47, %dma_start3A_48] : memref<10000x64xf32, #tpu.memory_space<hbm>> -> memref<10000x64xf32, #tpu.memory_space<hbm>>
    tpu.enqueue_indirect_dma source(%dma_start3A_49 : memref<10000x64xf32, #tpu.memory_space<hbm>>) target(%arg11 : memref<80x64xf32, #tpu.memory_space<vmem>>) offsets(%dma_start3A_42 : memref<80xi32, #tpu.memory_space<vmem>>) semaphore(%arg21 : memref<!tpu.dma_semaphore, #tpu.memory_space<semaphore_mem>>)
    %dma_start3A_50 = arith.constant 320 : i32
    %dma_start3A_51 = tpu.memref_slice %arg7[%dma_start3A_50] : memref<20000xi32, #tpu.memory_space<vmem>> -> memref<80xi32, #tpu.memory_space<vmem>>
    %dma_start3A_52 = arith.constant 0 : i32
    %dma_start3A_53 = arith.constant 0 : i32
    %dma_start3A_54 = tpu.memref_slice %arg2[%arg0, %dma_start3A_52, %dma_start3A_53] : memref<2x10000x64xf32, #tpu.memory_space<hbm>> -> memref<1x10000x64xf32, #tpu.memory_space<hbm>>
    %dma_start3A_55 = tpu.memref_squeeze %dma_start3A_54 : memref<1x10000x64xf32, #tpu.memory_space<hbm>> -> memref<10000x64xf32, #tpu.memory_space<hbm>>
    %dma_start3A_56 = arith.constant 0 : i32
    %dma_start3A_57 = arith.constant 0 : i32
    %dma_start3A_58 = tpu.memref_slice %dma_start3A_55[%dma_start3A_56, %dma_start3A_57] : memref<10000x64xf32, #tpu.memory_space<hbm>> -> memref<10000x64xf32, #tpu.memory_space<hbm>>
    tpu.enqueue_indirect_dma source(%dma_start3A_58 : memref<10000x64xf32, #tpu.memory_space<hbm>>) target(%arg12 : memref<80x64xf32, #tpu.memory_space<vmem>>) offsets(%dma_start3A_51 : memref<80xi32, #tpu.memory_space<vmem>>) semaphore(%arg22 : memref<!tpu.dma_semaphore, #tpu.memory_space<semaphore_mem>>)
    %dma_start3A_59 = arith.constant 400 : i32
    %dma_start3A_60 = tpu.memref_slice %arg7[%dma_start3A_59] : memref<20000xi32, #tpu.memory_space<vmem>> -> memref<80xi32, #tpu.memory_space<vmem>>
    %dma_start3A_61 = arith.constant 0 : i32
    %dma_start3A_62 = arith.constant 0 : i32
    %dma_start3A_63 = tpu.memref_slice %arg2[%arg0, %dma_start3A_61, %dma_start3A_62] : memref<2x10000x64xf32, #tpu.memory_space<hbm>> -> memref<1x10000x64xf32, #tpu.memory_space<hbm>>
    %dma_start3A_64 = tpu.memref_squeeze %dma_start3A_63 : memref<1x10000x64xf32, #tpu.memory_space<hbm>> -> memref<10000x64xf32, #tpu.memory_space<hbm>>
    %dma_start3A_65 = arith.constant 0 : i32
    %dma_start3A_66 = arith.constant 0 : i32
    %dma_start3A_67 = tpu.memref_slice %dma_start3A_64[%dma_start3A_65, %dma_start3A_66] : memref<10000x64xf32, #tpu.memory_space<hbm>> -> memref<10000x64xf32, #tpu.memory_space<hbm>>
    tpu.enqueue_indirect_dma source(%dma_start3A_67 : memref<10000x64xf32, #tpu.memory_space<hbm>>) target(%arg13 : memref<80x64xf32, #tpu.memory_space<vmem>>) offsets(%dma_start3A_60 : memref<80xi32, #tpu.memory_space<vmem>>) semaphore(%arg23 : memref<!tpu.dma_semaphore, #tpu.memory_space<semaphore_mem>>)
    %dma_start3A_68 = arith.constant 480 : i32
    %dma_start3A_69 = tpu.memref_slice %arg7[%dma_start3A_68] : memref<20000xi32, #tpu.memory_space<vmem>> -> memref<80xi32, #tpu.memory_space<vmem>>
    %dma_start3A_70 = arith.constant 0 : i32
    %dma_start3A_71 = arith.constant 0 : i32
    %dma_start3A_72 = tpu.memref_slice %arg2[%arg0, %dma_start3A_70, %dma_start3A_71] : memref<2x10000x64xf32, #tpu.memory_space<hbm>> -> memref<1x10000x64xf32, #tpu.memory_space<hbm>>
    %dma_start3A_73 = tpu.memref_squeeze %dma_start3A_72 : memref<1x10000x64xf32, #tpu.memory_space<hbm>> -> memref<10000x64xf32, #tpu.memory_space<hbm>>
    %dma_start3A_74 = arith.constant 0 : i32
    %dma_start3A_75 = arith.constant 0 : i32
    %dma_start3A_76 = tpu.memref_slice %dma_start3A_73[%dma_start3A_74, %dma_start3A_75] : memref<10000x64xf32, #tpu.memory_space<hbm>> -> memref<10000x64xf32, #tpu.memory_space<hbm>>
    tpu.enqueue_indirect_dma source(%dma_start3A_76 : memref<10000x64xf32, #tpu.memory_space<hbm>>) target(%arg14 : memref<80x64xf32, #tpu.memory_space<vmem>>) offsets(%dma_start3A_69 : memref<80xi32, #tpu.memory_space<vmem>>) semaphore(%arg24 : memref<!tpu.dma_semaphore, #tpu.memory_space<semaphore_mem>>)
    %dma_start3A_77 = arith.constant 560 : i32
    %dma_start3A_78 = tpu.memref_slice %arg7[%dma_start3A_77] : memref<20000xi32, #tpu.memory_space<vmem>> -> memref<80xi32, #tpu.memory_space<vmem>>
    %dma_start3A_79 = arith.constant 0 : i32
    %dma_start3A_80 = arith.constant 0 : i32
    %dma_start3A_81 = tpu.memref_slice %arg2[%arg0, %dma_start3A_79, %dma_start3A_80] : memref<2x10000x64xf32, #tpu.memory_space<hbm>> -> memref<1x10000x64xf32, #tpu.memory_space<hbm>>
    %dma_start3A_82 = tpu.memref_squeeze %dma_start3A_81 : memref<1x10000x64xf32, #tpu.memory_space<hbm>> -> memref<10000x64xf32, #tpu.memory_space<hbm>>
    %dma_start3A_83 = arith.constant 0 : i32
    %dma_start3A_84 = arith.constant 0 : i32
    %dma_start3A_85 = tpu.memref_slice %dma_start3A_82[%dma_start3A_83, %dma_start3A_84] : memref<10000x64xf32, #tpu.memory_space<hbm>> -> memref<10000x64xf32, #tpu.memory_space<hbm>>
    tpu.enqueue_indirect_dma source(%dma_start3A_85 : memref<10000x64xf32, #tpu.memory_space<hbm>>) target(%arg15 : memref<80x64xf32, #tpu.memory_space<vmem>>) offsets(%dma_start3A_78 : memref<80xi32, #tpu.memory_space<vmem>>) semaphore(%arg25 : memref<!tpu.dma_semaphore, #tpu.memory_space<semaphore_mem>>)
    %scan3A_86 = arith.constant 0 : i32
    %scan3A_87 = arith.constant 0 : i32
    %scan3A_88 = arith.constant 31 : i32
    %scan3A_89 = arith.addi %scan3A_87, %scan3A_88 : i32
    %scan3A_90 = arith.constant 1 : i32
    scf.for %scan3A_118 = %scan3A_87 to %scan3A_89 step %scan3A_90  : i32 {
      %mul3A_119 = arith.constant 8 : i32
      %mul3A_120 = arith.muli %mul3A_119, %scan3A_118 : i32
      %add3A = arith.constant 0 : i32
      %add3A_121 = arith.addi %mul3A_120, %add3A : i32
      %mul3A_122 = arith.constant 80 : i32
      %mul3A_123 = arith.muli %add3A_121, %mul3A_122 : i32
      %dma_wait3A_124 = tpu.memref_slice %arg7[%mul3A_123] : memref<20000xi32, #tpu.memory_space<vmem>> -> memref<80xi32, #tpu.memory_space<vmem>>
      %dma_wait3A_125 = arith.constant 0 : i32
      %dma_wait3A_126 = arith.constant 0 : i32
      %dma_wait3A_127 = tpu.memref_slice %arg2[%arg0, %dma_wait3A_125, %dma_wait3A_126] : memref<2x10000x64xf32, #tpu.memory_space<hbm>> -> memref<1x10000x64xf32, #tpu.memory_space<hbm>>
      %dma_wait3A_128 = tpu.memref_squeeze %dma_wait3A_127 : memref<1x10000x64xf32, #tpu.memory_space<hbm>> -> memref<10000x64xf32, #tpu.memory_space<hbm>>
      %dma_wait3A_129 = arith.constant 0 : i32
      %dma_wait3A_130 = arith.constant 0 : i32
      %dma_wait3A_131 = tpu.memref_slice %dma_wait3A_128[%dma_wait3A_129, %dma_wait3A_130] : memref<10000x64xf32, #tpu.memory_space<hbm>> -> memref<10000x64xf32, #tpu.memory_space<hbm>>
      tpu.wait_indirect_dma semaphore(%arg18 : memref<!tpu.dma_semaphore, #tpu.memory_space<semaphore_mem>>) src(%dma_wait3A_131 : memref<10000x64xf32, #tpu.memory_space<hbm>>) dst(%arg8 : memref<80x64xf32, #tpu.memory_space<vmem>>)
      %mul3A_132 = arith.constant 80 : i32
      %mul3A_133 = arith.muli %add3A_121, %mul3A_132 : i32
      "tpu.region"() ({
        %run_scoped3A = tpu.sem_alloc : memref<!tpu.dma_semaphore, #tpu.memory_space<semaphore_mem>>
        %dma_start3A_303 = tpu.memref_slice %arg6[%mul3A_133] : memref<20000xi32, #tpu.memory_space<vmem>> -> memref<80xi32, #tpu.memory_space<vmem>>
        %dma_start3A_304 = arith.constant 0 : i32
        %dma_start3A_305 = arith.constant 0 : i32
        %dma_start3A_306 = tpu.memref_slice %arg17[%dma_start3A_304, %dma_start3A_305] : memref<10000x64xf32, #tpu.memory_space<vmem_shared>> -> memref<10000x64xf32, #tpu.memory_space<vmem_shared>>
        tpu.enqueue_indirect_dma source(%arg8 : memref<80x64xf32, #tpu.memory_space<vmem>>) target(%dma_start3A_306 : memref<10000x64xf32, #tpu.memory_space<vmem_shared>>) offsets(%dma_start3A_303 : memref<80xi32, #tpu.memory_space<vmem>>) semaphore(%run_scoped3A : memref<!tpu.dma_semaphore, #tpu.memory_space<semaphore_mem>>) {add = true}
        %dma_wait3A_307 = tpu.memref_slice %arg6[%mul3A_133] : memref<20000xi32, #tpu.memory_space<vmem>> -> memref<80xi32, #tpu.memory_space<vmem>>
        %dma_wait3A_308 = arith.constant 0 : i32
        %dma_wait3A_309 = arith.constant 0 : i32
        %dma_wait3A_310 = tpu.memref_slice %arg17[%dma_wait3A_308, %dma_wait3A_309] : memref<10000x64xf32, #tpu.memory_space<vmem_shared>> -> memref<10000x64xf32, #tpu.memory_space<vmem_shared>>
        tpu.wait_indirect_dma semaphore(%run_scoped3A : memref<!tpu.dma_semaphore, #tpu.memory_space<semaphore_mem>>) src(%arg8 : memref<80x64xf32, #tpu.memory_space<vmem>>) dst(%dma_wait3A_310 : memref<10000x64xf32, #tpu.memory_space<vmem_shared>>)
        tpu.yield
      }) : () -> ()
      %add3A_134 = arith.constant 0 : i32
      %add3A_135 = arith.addi %mul3A_120, %add3A_134 : i32
      %add3A_136 = arith.constant 8 : i32
      %add3A_137 = arith.addi %add3A_135, %add3A_136 : i32
      %lt3A = arith.constant 250 : i32
      %lt3A_138 = arith.cmpi slt, %add3A_137, %lt3A : i32
      %convert_element_type3A_139 = arith.extui %lt3A_138 : i1 to i32
      %cond3A_140 = arith.constant 0 : i32
      %cond3A_141 = arith.cmpi ne, %convert_element_type3A_139, %cond3A_140 : i32
      scf.if %cond3A_141 {
        %add3A_303 = arith.constant 0 : i32
        %add3A_304 = arith.addi %mul3A_120, %add3A_303 : i32
        %add3A_305 = arith.constant 8 : i32
        %add3A_306 = arith.addi %add3A_304, %add3A_305 : i32
        %mul3A_307 = arith.constant 80 : i32
        %mul3A_308 = arith.muli %add3A_306, %mul3A_307 : i32
        %dma_start3A_309 = tpu.memref_slice %arg7[%mul3A_308] : memref<20000xi32, #tpu.memory_space<vmem>> -> memref<80xi32, #tpu.memory_space<vmem>>
        %dma_start3A_310 = arith.constant 0 : i32
        %dma_start3A_311 = arith.constant 0 : i32
        %dma_start3A_312 = tpu.memref_slice %arg2[%arg0, %dma_start3A_310, %dma_start3A_311] : memref<2x10000x64xf32, #tpu.memory_space<hbm>> -> memref<1x10000x64xf32, #tpu.memory_space<hbm>>
        %dma_start3A_313 = tpu.memref_squeeze %dma_start3A_312 : memref<1x10000x64xf32, #tpu.memory_space<hbm>> -> memref<10000x64xf32, #tpu.memory_space<hbm>>
        %dma_start3A_314 = arith.constant 0 : i32
        %dma_start3A_315 = arith.constant 0 : i32
        %dma_start3A_316 = tpu.memref_slice %dma_start3A_313[%dma_start3A_314, %dma_start3A_315] : memref<10000x64xf32, #tpu.memory_space<hbm>> -> memref<10000x64xf32, #tpu.memory_space<hbm>>
        tpu.enqueue_indirect_dma source(%dma_start3A_316 : memref<10000x64xf32, #tpu.memory_space<hbm>>) target(%arg8 : memref<80x64xf32, #tpu.memory_space<vmem>>) offsets(%dma_start3A_309 : memref<80xi32, #tpu.memory_space<vmem>>) semaphore(%arg18 : memref<!tpu.dma_semaphore, #tpu.memory_space<semaphore_mem>>)
      } else {
      }
      %add3A_142 = arith.constant 1 : i32
      %add3A_143 = arith.addi %mul3A_120, %add3A_142 : i32
      %mul3A_144 = arith.constant 80 : i32
      %mul3A_145 = arith.muli %add3A_143, %mul3A_144 : i32
      %dma_wait3A_146 = tpu.memref_slice %arg7[%mul3A_145] : memref<20000xi32, #tpu.memory_space<vmem>> -> memref<80xi32, #tpu.memory_space<vmem>>
      %dma_wait3A_147 = arith.constant 0 : i32
      %dma_wait3A_148 = arith.constant 0 : i32
      %dma_wait3A_149 = tpu.memref_slice %arg2[%arg0, %dma_wait3A_147, %dma_wait3A_148] : memref<2x10000x64xf32, #tpu.memory_space<hbm>> -> memref<1x10000x64xf32, #tpu.memory_space<hbm>>
      %dma_wait3A_150 = tpu.memref_squeeze %dma_wait3A_149 : memref<1x10000x64xf32, #tpu.memory_space<hbm>> -> memref<10000x64xf32, #tpu.memory_space<hbm>>
      %dma_wait3A_151 = arith.constant 0 : i32
      %dma_wait3A_152 = arith.constant 0 : i32
      %dma_wait3A_153 = tpu.memref_slice %dma_wait3A_150[%dma_wait3A_151, %dma_wait3A_152] : memref<10000x64xf32, #tpu.memory_space<hbm>> -> memref<10000x64xf32, #tpu.memory_space<hbm>>
      tpu.wait_indirect_dma semaphore(%arg19 : memref<!tpu.dma_semaphore, #tpu.memory_space<semaphore_mem>>) src(%dma_wait3A_153 : memref<10000x64xf32, #tpu.memory_space<hbm>>) dst(%arg9 : memref<80x64xf32, #tpu.memory_space<vmem>>)
      %mul3A_154 = arith.constant 80 : i32
      %mul3A_155 = arith.muli %add3A_143, %mul3A_154 : i32
      "tpu.region"() ({
        %run_scoped3A = tpu.sem_alloc : memref<!tpu.dma_semaphore, #tpu.memory_space<semaphore_mem>>
        %dma_start3A_303 = tpu.memref_slice %arg6[%mul3A_155] : memref<20000xi32, #tpu.memory_space<vmem>> -> memref<80xi32, #tpu.memory_space<vmem>>
        %dma_start3A_304 = arith.constant 0 : i32
        %dma_start3A_305 = arith.constant 0 : i32
        %dma_start3A_306 = tpu.memref_slice %arg17[%dma_start3A_304, %dma_start3A_305] : memref<10000x64xf32, #tpu.memory_space<vmem_shared>> -> memref<10000x64xf32, #tpu.memory_space<vmem_shared>>
        tpu.enqueue_indirect_dma source(%arg9 : memref<80x64xf32, #tpu.memory_space<vmem>>) target(%dma_start3A_306 : memref<10000x64xf32, #tpu.memory_space<vmem_shared>>) offsets(%dma_start3A_303 : memref<80xi32, #tpu.memory_space<vmem>>) semaphore(%run_scoped3A : memref<!tpu.dma_semaphore, #tpu.memory_space<semaphore_mem>>) {add = true}
        %dma_wait3A_307 = tpu.memref_slice %arg6[%mul3A_155] : memref<20000xi32, #tpu.memory_space<vmem>> -> memref<80xi32, #tpu.memory_space<vmem>>
        %dma_wait3A_308 = arith.constant 0 : i32
        %dma_wait3A_309 = arith.constant 0 : i32
        %dma_wait3A_310 = tpu.memref_slice %arg17[%dma_wait3A_308, %dma_wait3A_309] : memref<10000x64xf32, #tpu.memory_space<vmem_shared>> -> memref<10000x64xf32, #tpu.memory_space<vmem_shared>>
        tpu.wait_indirect_dma semaphore(%run_scoped3A : memref<!tpu.dma_semaphore, #tpu.memory_space<semaphore_mem>>) src(%arg9 : memref<80x64xf32, #tpu.memory_space<vmem>>) dst(%dma_wait3A_310 : memref<10000x64xf32, #tpu.memory_space<vmem_shared>>)
        tpu.yield
      }) : () -> ()
      %add3A_156 = arith.constant 1 : i32
      %add3A_157 = arith.addi %mul3A_120, %add3A_156 : i32
      %add3A_158 = arith.constant 8 : i32
      %add3A_159 = arith.addi %add3A_157, %add3A_158 : i32
      %lt3A_160 = arith.constant 250 : i32
      %lt3A_161 = arith.cmpi slt, %add3A_159, %lt3A_160 : i32
      %convert_element_type3A_162 = arith.extui %lt3A_161 : i1 to i32
      %cond3A_163 = arith.constant 0 : i32
      %cond3A_164 = arith.cmpi ne, %convert_element_type3A_162, %cond3A_163 : i32
      scf.if %cond3A_164 {
        %add3A_303 = arith.constant 1 : i32
        %add3A_304 = arith.addi %mul3A_120, %add3A_303 : i32
        %add3A_305 = arith.constant 8 : i32
        %add3A_306 = arith.addi %add3A_304, %add3A_305 : i32
        %mul3A_307 = arith.constant 80 : i32
        %mul3A_308 = arith.muli %add3A_306, %mul3A_307 : i32
        %dma_start3A_309 = tpu.memref_slice %arg7[%mul3A_308] : memref<20000xi32, #tpu.memory_space<vmem>> -> memref<80xi32, #tpu.memory_space<vmem>>
        %dma_start3A_310 = arith.constant 0 : i32
        %dma_start3A_311 = arith.constant 0 : i32
        %dma_start3A_312 = tpu.memref_slice %arg2[%arg0, %dma_start3A_310, %dma_start3A_311] : memref<2x10000x64xf32, #tpu.memory_space<hbm>> -> memref<1x10000x64xf32, #tpu.memory_space<hbm>>
        %dma_start3A_313 = tpu.memref_squeeze %dma_start3A_312 : memref<1x10000x64xf32, #tpu.memory_space<hbm>> -> memref<10000x64xf32, #tpu.memory_space<hbm>>
        %dma_start3A_314 = arith.constant 0 : i32
        %dma_start3A_315 = arith.constant 0 : i32
        %dma_start3A_316 = tpu.memref_slice %dma_start3A_313[%dma_start3A_314, %dma_start3A_315] : memref<10000x64xf32, #tpu.memory_space<hbm>> -> memref<10000x64xf32, #tpu.memory_space<hbm>>
        tpu.enqueue_indirect_dma source(%dma_start3A_316 : memref<10000x64xf32, #tpu.memory_space<hbm>>) target(%arg9 : memref<80x64xf32, #tpu.memory_space<vmem>>) offsets(%dma_start3A_309 : memref<80xi32, #tpu.memory_space<vmem>>) semaphore(%arg19 : memref<!tpu.dma_semaphore, #tpu.memory_space<semaphore_mem>>)
      } else {
      }
      %add3A_165 = arith.constant 2 : i32
      %add3A_166 = arith.addi %mul3A_120, %add3A_165 : i32
      %mul3A_167 = arith.constant 80 : i32
      %mul3A_168 = arith.muli %add3A_166, %mul3A_167 : i32
      %dma_wait3A_169 = tpu.memref_slice %arg7[%mul3A_168] : memref<20000xi32, #tpu.memory_space<vmem>> -> memref<80xi32, #tpu.memory_space<vmem>>
      %dma_wait3A_170 = arith.constant 0 : i32
      %dma_wait3A_171 = arith.constant 0 : i32
      %dma_wait3A_172 = tpu.memref_slice %arg2[%arg0, %dma_wait3A_170, %dma_wait3A_171] : memref<2x10000x64xf32, #tpu.memory_space<hbm>> -> memref<1x10000x64xf32, #tpu.memory_space<hbm>>
      %dma_wait3A_173 = tpu.memref_squeeze %dma_wait3A_172 : memref<1x10000x64xf32, #tpu.memory_space<hbm>> -> memref<10000x64xf32, #tpu.memory_space<hbm>>
      %dma_wait3A_174 = arith.constant 0 : i32
      %dma_wait3A_175 = arith.constant 0 : i32
      %dma_wait3A_176 = tpu.memref_slice %dma_wait3A_173[%dma_wait3A_174, %dma_wait3A_175] : memref<10000x64xf32, #tpu.memory_space<hbm>> -> memref<10000x64xf32, #tpu.memory_space<hbm>>
      tpu.wait_indirect_dma semaphore(%arg20 : memref<!tpu.dma_semaphore, #tpu.memory_space<semaphore_mem>>) src(%dma_wait3A_176 : memref<10000x64xf32, #tpu.memory_space<hbm>>) dst(%arg10 : memref<80x64xf32, #tpu.memory_space<vmem>>)
      %mul3A_177 = arith.constant 80 : i32
      %mul3A_178 = arith.muli %add3A_166, %mul3A_177 : i32
      "tpu.region"() ({
        %run_scoped3A = tpu.sem_alloc : memref<!tpu.dma_semaphore, #tpu.memory_space<semaphore_mem>>
        %dma_start3A_303 = tpu.memref_slice %arg6[%mul3A_178] : memref<20000xi32, #tpu.memory_space<vmem>> -> memref<80xi32, #tpu.memory_space<vmem>>
        %dma_start3A_304 = arith.constant 0 : i32
        %dma_start3A_305 = arith.constant 0 : i32
        %dma_start3A_306 = tpu.memref_slice %arg17[%dma_start3A_304, %dma_start3A_305] : memref<10000x64xf32, #tpu.memory_space<vmem_shared>> -> memref<10000x64xf32, #tpu.memory_space<vmem_shared>>
        tpu.enqueue_indirect_dma source(%arg10 : memref<80x64xf32, #tpu.memory_space<vmem>>) target(%dma_start3A_306 : memref<10000x64xf32, #tpu.memory_space<vmem_shared>>) offsets(%dma_start3A_303 : memref<80xi32, #tpu.memory_space<vmem>>) semaphore(%run_scoped3A : memref<!tpu.dma_semaphore, #tpu.memory_space<semaphore_mem>>) {add = true}
        %dma_wait3A_307 = tpu.memref_slice %arg6[%mul3A_178] : memref<20000xi32, #tpu.memory_space<vmem>> -> memref<80xi32, #tpu.memory_space<vmem>>
        %dma_wait3A_308 = arith.constant 0 : i32
        %dma_wait3A_309 = arith.constant 0 : i32
        %dma_wait3A_310 = tpu.memref_slice %arg17[%dma_wait3A_308, %dma_wait3A_309] : memref<10000x64xf32, #tpu.memory_space<vmem_shared>> -> memref<10000x64xf32, #tpu.memory_space<vmem_shared>>
        tpu.wait_indirect_dma semaphore(%run_scoped3A : memref<!tpu.dma_semaphore, #tpu.memory_space<semaphore_mem>>) src(%arg10 : memref<80x64xf32, #tpu.memory_space<vmem>>) dst(%dma_wait3A_310 : memref<10000x64xf32, #tpu.memory_space<vmem_shared>>)
        tpu.yield
      }) : () -> ()
      %add3A_179 = arith.constant 2 : i32
      %add3A_180 = arith.addi %mul3A_120, %add3A_179 : i32
      %add3A_181 = arith.constant 8 : i32
      %add3A_182 = arith.addi %add3A_180, %add3A_181 : i32
      %lt3A_183 = arith.constant 250 : i32
      %lt3A_184 = arith.cmpi slt, %add3A_182, %lt3A_183 : i32
      %convert_element_type3A_185 = arith.extui %lt3A_184 : i1 to i32
      %cond3A_186 = arith.constant 0 : i32
      %cond3A_187 = arith.cmpi ne, %convert_element_type3A_185, %cond3A_186 : i32
      scf.if %cond3A_187 {
        %add3A_303 = arith.constant 2 : i32
        %add3A_304 = arith.addi %mul3A_120, %add3A_303 : i32
        %add3A_305 = arith.constant 8 : i32
        %add3A_306 = arith.addi %add3A_304, %add3A_305 : i32
        %mul3A_307 = arith.constant 80 : i32
        %mul3A_308 = arith.muli %add3A_306, %mul3A_307 : i32
        %dma_start3A_309 = tpu.memref_slice %arg7[%mul3A_308] : memref<20000xi32, #tpu.memory_space<vmem>> -> memref<80xi32, #tpu.memory_space<vmem>>
        %dma_start3A_310 = arith.constant 0 : i32
        %dma_start3A_311 = arith.constant 0 : i32
        %dma_start3A_312 = tpu.memref_slice %arg2[%arg0, %dma_start3A_310, %dma_start3A_311] : memref<2x10000x64xf32, #tpu.memory_space<hbm>> -> memref<1x10000x64xf32, #tpu.memory_space<hbm>>
        %dma_start3A_313 = tpu.memref_squeeze %dma_start3A_312 : memref<1x10000x64xf32, #tpu.memory_space<hbm>> -> memref<10000x64xf32, #tpu.memory_space<hbm>>
        %dma_start3A_314 = arith.constant 0 : i32
        %dma_start3A_315 = arith.constant 0 : i32
        %dma_start3A_316 = tpu.memref_slice %dma_start3A_313[%dma_start3A_314, %dma_start3A_315] : memref<10000x64xf32, #tpu.memory_space<hbm>> -> memref<10000x64xf32, #tpu.memory_space<hbm>>
        tpu.enqueue_indirect_dma source(%dma_start3A_316 : memref<10000x64xf32, #tpu.memory_space<hbm>>) target(%arg10 : memref<80x64xf32, #tpu.memory_space<vmem>>) offsets(%dma_start3A_309 : memref<80xi32, #tpu.memory_space<vmem>>) semaphore(%arg20 : memref<!tpu.dma_semaphore, #tpu.memory_space<semaphore_mem>>)
      } else {
      }
      %add3A_188 = arith.constant 3 : i32
      %add3A_189 = arith.addi %mul3A_120, %add3A_188 : i32
      %mul3A_190 = arith.constant 80 : i32
      %mul3A_191 = arith.muli %add3A_189, %mul3A_190 : i32
      %dma_wait3A_192 = tpu.memref_slice %arg7[%mul3A_191] : memref<20000xi32, #tpu.memory_space<vmem>> -> memref<80xi32, #tpu.memory_space<vmem>>
      %dma_wait3A_193 = arith.constant 0 : i32
      %dma_wait3A_194 = arith.constant 0 : i32
      %dma_wait3A_195 = tpu.memref_slice %arg2[%arg0, %dma_wait3A_193, %dma_wait3A_194] : memref<2x10000x64xf32, #tpu.memory_space<hbm>> -> memref<1x10000x64xf32, #tpu.memory_space<hbm>>
      %dma_wait3A_196 = tpu.memref_squeeze %dma_wait3A_195 : memref<1x10000x64xf32, #tpu.memory_space<hbm>> -> memref<10000x64xf32, #tpu.memory_space<hbm>>
      %dma_wait3A_197 = arith.constant 0 : i32
      %dma_wait3A_198 = arith.constant 0 : i32
      %dma_wait3A_199 = tpu.memref_slice %dma_wait3A_196[%dma_wait3A_197, %dma_wait3A_198] : memref<10000x64xf32, #tpu.memory_space<hbm>> -> memref<10000x64xf32, #tpu.memory_space<hbm>>
      tpu.wait_indirect_dma semaphore(%arg21 : memref<!tpu.dma_semaphore, #tpu.memory_space<semaphore_mem>>) src(%dma_wait3A_199 : memref<10000x64xf32, #tpu.memory_space<hbm>>) dst(%arg11 : memref<80x64xf32, #tpu.memory_space<vmem>>)
      %mul3A_200 = arith.constant 80 : i32
      %mul3A_201 = arith.muli %add3A_189, %mul3A_200 : i32
      "tpu.region"() ({
        %run_scoped3A = tpu.sem_alloc : memref<!tpu.dma_semaphore, #tpu.memory_space<semaphore_mem>>
        %dma_start3A_303 = tpu.memref_slice %arg6[%mul3A_201] : memref<20000xi32, #tpu.memory_space<vmem>> -> memref<80xi32, #tpu.memory_space<vmem>>
        %dma_start3A_304 = arith.constant 0 : i32
        %dma_start3A_305 = arith.constant 0 : i32
        %dma_start3A_306 = tpu.memref_slice %arg17[%dma_start3A_304, %dma_start3A_305] : memref<10000x64xf32, #tpu.memory_space<vmem_shared>> -> memref<10000x64xf32, #tpu.memory_space<vmem_shared>>
        tpu.enqueue_indirect_dma source(%arg11 : memref<80x64xf32, #tpu.memory_space<vmem>>) target(%dma_start3A_306 : memref<10000x64xf32, #tpu.memory_space<vmem_shared>>) offsets(%dma_start3A_303 : memref<80xi32, #tpu.memory_space<vmem>>) semaphore(%run_scoped3A : memref<!tpu.dma_semaphore, #tpu.memory_space<semaphore_mem>>) {add = true}
        %dma_wait3A_307 = tpu.memref_slice %arg6[%mul3A_201] : memref<20000xi32, #tpu.memory_space<vmem>> -> memref<80xi32, #tpu.memory_space<vmem>>
        %dma_wait3A_308 = arith.constant 0 : i32
        %dma_wait3A_309 = arith.constant 0 : i32
        %dma_wait3A_310 = tpu.memref_slice %arg17[%dma_wait3A_308, %dma_wait3A_309] : memref<10000x64xf32, #tpu.memory_space<vmem_shared>> -> memref<10000x64xf32, #tpu.memory_space<vmem_shared>>
        tpu.wait_indirect_dma semaphore(%run_scoped3A : memref<!tpu.dma_semaphore, #tpu.memory_space<semaphore_mem>>) src(%arg11 : memref<80x64xf32, #tpu.memory_space<vmem>>) dst(%dma_wait3A_310 : memref<10000x64xf32, #tpu.memory_space<vmem_shared>>)
        tpu.yield
      }) : () -> ()
      %add3A_202 = arith.constant 3 : i32
      %add3A_203 = arith.addi %mul3A_120, %add3A_202 : i32
      %add3A_204 = arith.constant 8 : i32
      %add3A_205 = arith.addi %add3A_203, %add3A_204 : i32
      %lt3A_206 = arith.constant 250 : i32
      %lt3A_207 = arith.cmpi slt, %add3A_205, %lt3A_206 : i32
      %convert_element_type3A_208 = arith.extui %lt3A_207 : i1 to i32
      %cond3A_209 = arith.constant 0 : i32
      %cond3A_210 = arith.cmpi ne, %convert_element_type3A_208, %cond3A_209 : i32
      scf.if %cond3A_210 {
        %add3A_303 = arith.constant 3 : i32
        %add3A_304 = arith.addi %mul3A_120, %add3A_303 : i32
        %add3A_305 = arith.constant 8 : i32
        %add3A_306 = arith.addi %add3A_304, %add3A_305 : i32
        %mul3A_307 = arith.constant 80 : i32
        %mul3A_308 = arith.muli %add3A_306, %mul3A_307 : i32
        %dma_start3A_309 = tpu.memref_slice %arg7[%mul3A_308] : memref<20000xi32, #tpu.memory_space<vmem>> -> memref<80xi32, #tpu.memory_space<vmem>>
        %dma_start3A_310 = arith.constant 0 : i32
        %dma_start3A_311 = arith.constant 0 : i32
        %dma_start3A_312 = tpu.memref_slice %arg2[%arg0, %dma_start3A_310, %dma_start3A_311] : memref<2x10000x64xf32, #tpu.memory_space<hbm>> -> memref<1x10000x64xf32, #tpu.memory_space<hbm>>
        %dma_start3A_313 = tpu.memref_squeeze %dma_start3A_312 : memref<1x10000x64xf32, #tpu.memory_space<hbm>> -> memref<10000x64xf32, #tpu.memory_space<hbm>>
        %dma_start3A_314 = arith.constant 0 : i32
        %dma_start3A_315 = arith.constant 0 : i32
        %dma_start3A_316 = tpu.memref_slice %dma_start3A_313[%dma_start3A_314, %dma_start3A_315] : memref<10000x64xf32, #tpu.memory_space<hbm>> -> memref<10000x64xf32, #tpu.memory_space<hbm>>
        tpu.enqueue_indirect_dma source(%dma_start3A_316 : memref<10000x64xf32, #tpu.memory_space<hbm>>) target(%arg11 : memref<80x64xf32, #tpu.memory_space<vmem>>) offsets(%dma_start3A_309 : memref<80xi32, #tpu.memory_space<vmem>>) semaphore(%arg21 : memref<!tpu.dma_semaphore, #tpu.memory_space<semaphore_mem>>)
      } else {
      }
      %add3A_211 = arith.constant 4 : i32
      %add3A_212 = arith.addi %mul3A_120, %add3A_211 : i32
      %mul3A_213 = arith.constant 80 : i32
      %mul3A_214 = arith.muli %add3A_212, %mul3A_213 : i32
      %dma_wait3A_215 = tpu.memref_slice %arg7[%mul3A_214] : memref<20000xi32, #tpu.memory_space<vmem>> -> memref<80xi32, #tpu.memory_space<vmem>>
      %dma_wait3A_216 = arith.constant 0 : i32
      %dma_wait3A_217 = arith.constant 0 : i32
      %dma_wait3A_218 = tpu.memref_slice %arg2[%arg0, %dma_wait3A_216, %dma_wait3A_217] : memref<2x10000x64xf32, #tpu.memory_space<hbm>> -> memref<1x10000x64xf32, #tpu.memory_space<hbm>>
      %dma_wait3A_219 = tpu.memref_squeeze %dma_wait3A_218 : memref<1x10000x64xf32, #tpu.memory_space<hbm>> -> memref<10000x64xf32, #tpu.memory_space<hbm>>
      %dma_wait3A_220 = arith.constant 0 : i32
      %dma_wait3A_221 = arith.constant 0 : i32
      %dma_wait3A_222 = tpu.memref_slice %dma_wait3A_219[%dma_wait3A_220, %dma_wait3A_221] : memref<10000x64xf32, #tpu.memory_space<hbm>> -> memref<10000x64xf32, #tpu.memory_space<hbm>>
      tpu.wait_indirect_dma semaphore(%arg22 : memref<!tpu.dma_semaphore, #tpu.memory_space<semaphore_mem>>) src(%dma_wait3A_222 : memref<10000x64xf32, #tpu.memory_space<hbm>>) dst(%arg12 : memref<80x64xf32, #tpu.memory_space<vmem>>)
      %mul3A_223 = arith.constant 80 : i32
      %mul3A_224 = arith.muli %add3A_212, %mul3A_223 : i32
      "tpu.region"() ({
        %run_scoped3A = tpu.sem_alloc : memref<!tpu.dma_semaphore, #tpu.memory_space<semaphore_mem>>
        %dma_start3A_303 = tpu.memref_slice %arg6[%mul3A_224] : memref<20000xi32, #tpu.memory_space<vmem>> -> memref<80xi32, #tpu.memory_space<vmem>>
        %dma_start3A_304 = arith.constant 0 : i32
        %dma_start3A_305 = arith.constant 0 : i32
        %dma_start3A_306 = tpu.memref_slice %arg17[%dma_start3A_304, %dma_start3A_305] : memref<10000x64xf32, #tpu.memory_space<vmem_shared>> -> memref<10000x64xf32, #tpu.memory_space<vmem_shared>>
        tpu.enqueue_indirect_dma source(%arg12 : memref<80x64xf32, #tpu.memory_space<vmem>>) target(%dma_start3A_306 : memref<10000x64xf32, #tpu.memory_space<vmem_shared>>) offsets(%dma_start3A_303 : memref<80xi32, #tpu.memory_space<vmem>>) semaphore(%run_scoped3A : memref<!tpu.dma_semaphore, #tpu.memory_space<semaphore_mem>>) {add = true}
        %dma_wait3A_307 = tpu.memref_slice %arg6[%mul3A_224] : memref<20000xi32, #tpu.memory_space<vmem>> -> memref<80xi32, #tpu.memory_space<vmem>>
        %dma_wait3A_308 = arith.constant 0 : i32
        %dma_wait3A_309 = arith.constant 0 : i32
        %dma_wait3A_310 = tpu.memref_slice %arg17[%dma_wait3A_308, %dma_wait3A_309] : memref<10000x64xf32, #tpu.memory_space<vmem_shared>> -> memref<10000x64xf32, #tpu.memory_space<vmem_shared>>
        tpu.wait_indirect_dma semaphore(%run_scoped3A : memref<!tpu.dma_semaphore, #tpu.memory_space<semaphore_mem>>) src(%arg12 : memref<80x64xf32, #tpu.memory_space<vmem>>) dst(%dma_wait3A_310 : memref<10000x64xf32, #tpu.memory_space<vmem_shared>>)
        tpu.yield
      }) : () -> ()
      %add3A_225 = arith.constant 4 : i32
      %add3A_226 = arith.addi %mul3A_120, %add3A_225 : i32
      %add3A_227 = arith.constant 8 : i32
      %add3A_228 = arith.addi %add3A_226, %add3A_227 : i32
      %lt3A_229 = arith.constant 250 : i32
      %lt3A_230 = arith.cmpi slt, %add3A_228, %lt3A_229 : i32
      %convert_element_type3A_231 = arith.extui %lt3A_230 : i1 to i32
      %cond3A_232 = arith.constant 0 : i32
      %cond3A_233 = arith.cmpi ne, %convert_element_type3A_231, %cond3A_232 : i32
      scf.if %cond3A_233 {
        %add3A_303 = arith.constant 4 : i32
        %add3A_304 = arith.addi %mul3A_120, %add3A_303 : i32
        %add3A_305 = arith.constant 8 : i32
        %add3A_306 = arith.addi %add3A_304, %add3A_305 : i32
        %mul3A_307 = arith.constant 80 : i32
        %mul3A_308 = arith.muli %add3A_306, %mul3A_307 : i32
        %dma_start3A_309 = tpu.memref_slice %arg7[%mul3A_308] : memref<20000xi32, #tpu.memory_space<vmem>> -> memref<80xi32, #tpu.memory_space<vmem>>
        %dma_start3A_310 = arith.constant 0 : i32
        %dma_start3A_311 = arith.constant 0 : i32
        %dma_start3A_312 = tpu.memref_slice %arg2[%arg0, %dma_start3A_310, %dma_start3A_311] : memref<2x10000x64xf32, #tpu.memory_space<hbm>> -> memref<1x10000x64xf32, #tpu.memory_space<hbm>>
        %dma_start3A_313 = tpu.memref_squeeze %dma_start3A_312 : memref<1x10000x64xf32, #tpu.memory_space<hbm>> -> memref<10000x64xf32, #tpu.memory_space<hbm>>
        %dma_start3A_314 = arith.constant 0 : i32
        %dma_start3A_315 = arith.constant 0 : i32
        %dma_start3A_316 = tpu.memref_slice %dma_start3A_313[%dma_start3A_314, %dma_start3A_315] : memref<10000x64xf32, #tpu.memory_space<hbm>> -> memref<10000x64xf32, #tpu.memory_space<hbm>>
        tpu.enqueue_indirect_dma source(%dma_start3A_316 : memref<10000x64xf32, #tpu.memory_space<hbm>>) target(%arg12 : memref<80x64xf32, #tpu.memory_space<vmem>>) offsets(%dma_start3A_309 : memref<80xi32, #tpu.memory_space<vmem>>) semaphore(%arg22 : memref<!tpu.dma_semaphore, #tpu.memory_space<semaphore_mem>>)
      } else {
      }
      %add3A_234 = arith.constant 5 : i32
      %add3A_235 = arith.addi %mul3A_120, %add3A_234 : i32
      %mul3A_236 = arith.constant 80 : i32
      %mul3A_237 = arith.muli %add3A_235, %mul3A_236 : i32
      %dma_wait3A_238 = tpu.memref_slice %arg7[%mul3A_237] : memref<20000xi32, #tpu.memory_space<vmem>> -> memref<80xi32, #tpu.memory_space<vmem>>
      %dma_wait3A_239 = arith.constant 0 : i32
      %dma_wait3A_240 = arith.constant 0 : i32
      %dma_wait3A_241 = tpu.memref_slice %arg2[%arg0, %dma_wait3A_239, %dma_wait3A_240] : memref<2x10000x64xf32, #tpu.memory_space<hbm>> -> memref<1x10000x64xf32, #tpu.memory_space<hbm>>
      %dma_wait3A_242 = tpu.memref_squeeze %dma_wait3A_241 : memref<1x10000x64xf32, #tpu.memory_space<hbm>> -> memref<10000x64xf32, #tpu.memory_space<hbm>>
      %dma_wait3A_243 = arith.constant 0 : i32
      %dma_wait3A_244 = arith.constant 0 : i32
      %dma_wait3A_245 = tpu.memref_slice %dma_wait3A_242[%dma_wait3A_243, %dma_wait3A_244] : memref<10000x64xf32, #tpu.memory_space<hbm>> -> memref<10000x64xf32, #tpu.memory_space<hbm>>
      tpu.wait_indirect_dma semaphore(%arg23 : memref<!tpu.dma_semaphore, #tpu.memory_space<semaphore_mem>>) src(%dma_wait3A_245 : memref<10000x64xf32, #tpu.memory_space<hbm>>) dst(%arg13 : memref<80x64xf32, #tpu.memory_space<vmem>>)
      %mul3A_246 = arith.constant 80 : i32
      %mul3A_247 = arith.muli %add3A_235, %mul3A_246 : i32
      "tpu.region"() ({
        %run_scoped3A = tpu.sem_alloc : memref<!tpu.dma_semaphore, #tpu.memory_space<semaphore_mem>>
        %dma_start3A_303 = tpu.memref_slice %arg6[%mul3A_247] : memref<20000xi32, #tpu.memory_space<vmem>> -> memref<80xi32, #tpu.memory_space<vmem>>
        %dma_start3A_304 = arith.constant 0 : i32
        %dma_start3A_305 = arith.constant 0 : i32
        %dma_start3A_306 = tpu.memref_slice %arg17[%dma_start3A_304, %dma_start3A_305] : memref<10000x64xf32, #tpu.memory_space<vmem_shared>> -> memref<10000x64xf32, #tpu.memory_space<vmem_shared>>
        tpu.enqueue_indirect_dma source(%arg13 : memref<80x64xf32, #tpu.memory_space<vmem>>) target(%dma_start3A_306 : memref<10000x64xf32, #tpu.memory_space<vmem_shared>>) offsets(%dma_start3A_303 : memref<80xi32, #tpu.memory_space<vmem>>) semaphore(%run_scoped3A : memref<!tpu.dma_semaphore, #tpu.memory_space<semaphore_mem>>) {add = true}
        %dma_wait3A_307 = tpu.memref_slice %arg6[%mul3A_247] : memref<20000xi32, #tpu.memory_space<vmem>> -> memref<80xi32, #tpu.memory_space<vmem>>
        %dma_wait3A_308 = arith.constant 0 : i32
        %dma_wait3A_309 = arith.constant 0 : i32
        %dma_wait3A_310 = tpu.memref_slice %arg17[%dma_wait3A_308, %dma_wait3A_309] : memref<10000x64xf32, #tpu.memory_space<vmem_shared>> -> memref<10000x64xf32, #tpu.memory_space<vmem_shared>>
        tpu.wait_indirect_dma semaphore(%run_scoped3A : memref<!tpu.dma_semaphore, #tpu.memory_space<semaphore_mem>>) src(%arg13 : memref<80x64xf32, #tpu.memory_space<vmem>>) dst(%dma_wait3A_310 : memref<10000x64xf32, #tpu.memory_space<vmem_shared>>)
        tpu.yield
      }) : () -> ()
      %add3A_248 = arith.constant 5 : i32
      %add3A_249 = arith.addi %mul3A_120, %add3A_248 : i32
      %add3A_250 = arith.constant 8 : i32
      %add3A_251 = arith.addi %add3A_249, %add3A_250 : i32
      %lt3A_252 = arith.constant 250 : i32
      %lt3A_253 = arith.cmpi slt, %add3A_251, %lt3A_252 : i32
      %convert_element_type3A_254 = arith.extui %lt3A_253 : i1 to i32
      %cond3A_255 = arith.constant 0 : i32
      %cond3A_256 = arith.cmpi ne, %convert_element_type3A_254, %cond3A_255 : i32
      scf.if %cond3A_256 {
        %add3A_303 = arith.constant 5 : i32
        %add3A_304 = arith.addi %mul3A_120, %add3A_303 : i32
        %add3A_305 = arith.constant 8 : i32
        %add3A_306 = arith.addi %add3A_304, %add3A_305 : i32
        %mul3A_307 = arith.constant 80 : i32
        %mul3A_308 = arith.muli %add3A_306, %mul3A_307 : i32
        %dma_start3A_309 = tpu.memref_slice %arg7[%mul3A_308] : memref<20000xi32, #tpu.memory_space<vmem>> -> memref<80xi32, #tpu.memory_space<vmem>>
        %dma_start3A_310 = arith.constant 0 : i32
        %dma_start3A_311 = arith.constant 0 : i32
        %dma_start3A_312 = tpu.memref_slice %arg2[%arg0, %dma_start3A_310, %dma_start3A_311] : memref<2x10000x64xf32, #tpu.memory_space<hbm>> -> memref<1x10000x64xf32, #tpu.memory_space<hbm>>
        %dma_start3A_313 = tpu.memref_squeeze %dma_start3A_312 : memref<1x10000x64xf32, #tpu.memory_space<hbm>> -> memref<10000x64xf32, #tpu.memory_space<hbm>>
        %dma_start3A_314 = arith.constant 0 : i32
        %dma_start3A_315 = arith.constant 0 : i32
        %dma_start3A_316 = tpu.memref_slice %dma_start3A_313[%dma_start3A_314, %dma_start3A_315] : memref<10000x64xf32, #tpu.memory_space<hbm>> -> memref<10000x64xf32, #tpu.memory_space<hbm>>
        tpu.enqueue_indirect_dma source(%dma_start3A_316 : memref<10000x64xf32, #tpu.memory_space<hbm>>) target(%arg13 : memref<80x64xf32, #tpu.memory_space<vmem>>) offsets(%dma_start3A_309 : memref<80xi32, #tpu.memory_space<vmem>>) semaphore(%arg23 : memref<!tpu.dma_semaphore, #tpu.memory_space<semaphore_mem>>)
      } else {
      }
      %add3A_257 = arith.constant 6 : i32
      %add3A_258 = arith.addi %mul3A_120, %add3A_257 : i32
      %mul3A_259 = arith.constant 80 : i32
      %mul3A_260 = arith.muli %add3A_258, %mul3A_259 : i32
      %dma_wait3A_261 = tpu.memref_slice %arg7[%mul3A_260] : memref<20000xi32, #tpu.memory_space<vmem>> -> memref<80xi32, #tpu.memory_space<vmem>>
      %dma_wait3A_262 = arith.constant 0 : i32
      %dma_wait3A_263 = arith.constant 0 : i32
      %dma_wait3A_264 = tpu.memref_slice %arg2[%arg0, %dma_wait3A_262, %dma_wait3A_263] : memref<2x10000x64xf32, #tpu.memory_space<hbm>> -> memref<1x10000x64xf32, #tpu.memory_space<hbm>>
      %dma_wait3A_265 = tpu.memref_squeeze %dma_wait3A_264 : memref<1x10000x64xf32, #tpu.memory_space<hbm>> -> memref<10000x64xf32, #tpu.memory_space<hbm>>
      %dma_wait3A_266 = arith.constant 0 : i32
      %dma_wait3A_267 = arith.constant 0 : i32
      %dma_wait3A_268 = tpu.memref_slice %dma_wait3A_265[%dma_wait3A_266, %dma_wait3A_267] : memref<10000x64xf32, #tpu.memory_space<hbm>> -> memref<10000x64xf32, #tpu.memory_space<hbm>>
      tpu.wait_indirect_dma semaphore(%arg24 : memref<!tpu.dma_semaphore, #tpu.memory_space<semaphore_mem>>) src(%dma_wait3A_268 : memref<10000x64xf32, #tpu.memory_space<hbm>>) dst(%arg14 : memref<80x64xf32, #tpu.memory_space<vmem>>)
      %mul3A_269 = arith.constant 80 : i32
      %mul3A_270 = arith.muli %add3A_258, %mul3A_269 : i32
      "tpu.region"() ({
        %run_scoped3A = tpu.sem_alloc : memref<!tpu.dma_semaphore, #tpu.memory_space<semaphore_mem>>
        %dma_start3A_303 = tpu.memref_slice %arg6[%mul3A_270] : memref<20000xi32, #tpu.memory_space<vmem>> -> memref<80xi32, #tpu.memory_space<vmem>>
        %dma_start3A_304 = arith.constant 0 : i32
        %dma_start3A_305 = arith.constant 0 : i32
        %dma_start3A_306 = tpu.memref_slice %arg17[%dma_start3A_304, %dma_start3A_305] : memref<10000x64xf32, #tpu.memory_space<vmem_shared>> -> memref<10000x64xf32, #tpu.memory_space<vmem_shared>>
        tpu.enqueue_indirect_dma source(%arg14 : memref<80x64xf32, #tpu.memory_space<vmem>>) target(%dma_start3A_306 : memref<10000x64xf32, #tpu.memory_space<vmem_shared>>) offsets(%dma_start3A_303 : memref<80xi32, #tpu.memory_space<vmem>>) semaphore(%run_scoped3A : memref<!tpu.dma_semaphore, #tpu.memory_space<semaphore_mem>>) {add = true}
        %dma_wait3A_307 = tpu.memref_slice %arg6[%mul3A_270] : memref<20000xi32, #tpu.memory_space<vmem>> -> memref<80xi32, #tpu.memory_space<vmem>>
        %dma_wait3A_308 = arith.constant 0 : i32
        %dma_wait3A_309 = arith.constant 0 : i32
        %dma_wait3A_310 = tpu.memref_slice %arg17[%dma_wait3A_308, %dma_wait3A_309] : memref<10000x64xf32, #tpu.memory_space<vmem_shared>> -> memref<10000x64xf32, #tpu.memory_space<vmem_shared>>
        tpu.wait_indirect_dma semaphore(%run_scoped3A : memref<!tpu.dma_semaphore, #tpu.memory_space<semaphore_mem>>) src(%arg14 : memref<80x64xf32, #tpu.memory_space<vmem>>) dst(%dma_wait3A_310 : memref<10000x64xf32, #tpu.memory_space<vmem_shared>>)
        tpu.yield
      }) : () -> ()
      %add3A_271 = arith.constant 6 : i32
      %add3A_272 = arith.addi %mul3A_120, %add3A_271 : i32
      %add3A_273 = arith.constant 8 : i32
      %add3A_274 = arith.addi %add3A_272, %add3A_273 : i32
      %lt3A_275 = arith.constant 250 : i32
      %lt3A_276 = arith.cmpi slt, %add3A_274, %lt3A_275 : i32
      %convert_element_type3A_277 = arith.extui %lt3A_276 : i1 to i32
      %cond3A_278 = arith.constant 0 : i32
      %cond3A_279 = arith.cmpi ne, %convert_element_type3A_277, %cond3A_278 : i32
      scf.if %cond3A_279 {
        %add3A_303 = arith.constant 6 : i32
        %add3A_304 = arith.addi %mul3A_120, %add3A_303 : i32
        %add3A_305 = arith.constant 8 : i32
        %add3A_306 = arith.addi %add3A_304, %add3A_305 : i32
        %mul3A_307 = arith.constant 80 : i32
        %mul3A_308 = arith.muli %add3A_306, %mul3A_307 : i32
        %dma_start3A_309 = tpu.memref_slice %arg7[%mul3A_308] : memref<20000xi32, #tpu.memory_space<vmem>> -> memref<80xi32, #tpu.memory_space<vmem>>
        %dma_start3A_310 = arith.constant 0 : i32
        %dma_start3A_311 = arith.constant 0 : i32
        %dma_start3A_312 = tpu.memref_slice %arg2[%arg0, %dma_start3A_310, %dma_start3A_311] : memref<2x10000x64xf32, #tpu.memory_space<hbm>> -> memref<1x10000x64xf32, #tpu.memory_space<hbm>>
        %dma_start3A_313 = tpu.memref_squeeze %dma_start3A_312 : memref<1x10000x64xf32, #tpu.memory_space<hbm>> -> memref<10000x64xf32, #tpu.memory_space<hbm>>
        %dma_start3A_314 = arith.constant 0 : i32
        %dma_start3A_315 = arith.constant 0 : i32
        %dma_start3A_316 = tpu.memref_slice %dma_start3A_313[%dma_start3A_314, %dma_start3A_315] : memref<10000x64xf32, #tpu.memory_space<hbm>> -> memref<10000x64xf32, #tpu.memory_space<hbm>>
        tpu.enqueue_indirect_dma source(%dma_start3A_316 : memref<10000x64xf32, #tpu.memory_space<hbm>>) target(%arg14 : memref<80x64xf32, #tpu.memory_space<vmem>>) offsets(%dma_start3A_309 : memref<80xi32, #tpu.memory_space<vmem>>) semaphore(%arg24 : memref<!tpu.dma_semaphore, #tpu.memory_space<semaphore_mem>>)
      } else {
      }
      %add3A_280 = arith.constant 7 : i32
      %add3A_281 = arith.addi %mul3A_120, %add3A_280 : i32
      %mul3A_282 = arith.constant 80 : i32
      %mul3A_283 = arith.muli %add3A_281, %mul3A_282 : i32
      %dma_wait3A_284 = tpu.memref_slice %arg7[%mul3A_283] : memref<20000xi32, #tpu.memory_space<vmem>> -> memref<80xi32, #tpu.memory_space<vmem>>
      %dma_wait3A_285 = arith.constant 0 : i32
      %dma_wait3A_286 = arith.constant 0 : i32
      %dma_wait3A_287 = tpu.memref_slice %arg2[%arg0, %dma_wait3A_285, %dma_wait3A_286] : memref<2x10000x64xf32, #tpu.memory_space<hbm>> -> memref<1x10000x64xf32, #tpu.memory_space<hbm>>
      %dma_wait3A_288 = tpu.memref_squeeze %dma_wait3A_287 : memref<1x10000x64xf32, #tpu.memory_space<hbm>> -> memref<10000x64xf32, #tpu.memory_space<hbm>>
      %dma_wait3A_289 = arith.constant 0 : i32
      %dma_wait3A_290 = arith.constant 0 : i32
      %dma_wait3A_291 = tpu.memref_slice %dma_wait3A_288[%dma_wait3A_289, %dma_wait3A_290] : memref<10000x64xf32, #tpu.memory_space<hbm>> -> memref<10000x64xf32, #tpu.memory_space<hbm>>
      tpu.wait_indirect_dma semaphore(%arg25 : memref<!tpu.dma_semaphore, #tpu.memory_space<semaphore_mem>>) src(%dma_wait3A_291 : memref<10000x64xf32, #tpu.memory_space<hbm>>) dst(%arg15 : memref<80x64xf32, #tpu.memory_space<vmem>>)
      %mul3A_292 = arith.constant 80 : i32
      %mul3A_293 = arith.muli %add3A_281, %mul3A_292 : i32
      "tpu.region"() ({
        %run_scoped3A = tpu.sem_alloc : memref<!tpu.dma_semaphore, #tpu.memory_space<semaphore_mem>>
        %dma_start3A_303 = tpu.memref_slice %arg6[%mul3A_293] : memref<20000xi32, #tpu.memory_space<vmem>> -> memref<80xi32, #tpu.memory_space<vmem>>
        %dma_start3A_304 = arith.constant 0 : i32
        %dma_start3A_305 = arith.constant 0 : i32
        %dma_start3A_306 = tpu.memref_slice %arg17[%dma_start3A_304, %dma_start3A_305] : memref<10000x64xf32, #tpu.memory_space<vmem_shared>> -> memref<10000x64xf32, #tpu.memory_space<vmem_shared>>
        tpu.enqueue_indirect_dma source(%arg15 : memref<80x64xf32, #tpu.memory_space<vmem>>) target(%dma_start3A_306 : memref<10000x64xf32, #tpu.memory_space<vmem_shared>>) offsets(%dma_start3A_303 : memref<80xi32, #tpu.memory_space<vmem>>) semaphore(%run_scoped3A : memref<!tpu.dma_semaphore, #tpu.memory_space<semaphore_mem>>) {add = true}
        %dma_wait3A_307 = tpu.memref_slice %arg6[%mul3A_293] : memref<20000xi32, #tpu.memory_space<vmem>> -> memref<80xi32, #tpu.memory_space<vmem>>
        %dma_wait3A_308 = arith.constant 0 : i32
        %dma_wait3A_309 = arith.constant 0 : i32
        %dma_wait3A_310 = tpu.memref_slice %arg17[%dma_wait3A_308, %dma_wait3A_309] : memref<10000x64xf32, #tpu.memory_space<vmem_shared>> -> memref<10000x64xf32, #tpu.memory_space<vmem_shared>>
        tpu.wait_indirect_dma semaphore(%run_scoped3A : memref<!tpu.dma_semaphore, #tpu.memory_space<semaphore_mem>>) src(%arg15 : memref<80x64xf32, #tpu.memory_space<vmem>>) dst(%dma_wait3A_310 : memref<10000x64xf32, #tpu.memory_space<vmem_shared>>)
        tpu.yield
      }) : () -> ()
      %add3A_294 = arith.constant 7 : i32
      %add3A_295 = arith.addi %mul3A_120, %add3A_294 : i32
      %add3A_296 = arith.constant 8 : i32
      %add3A_297 = arith.addi %add3A_295, %add3A_296 : i32
      %lt3A_298 = arith.constant 250 : i32
      %lt3A_299 = arith.cmpi slt, %add3A_297, %lt3A_298 : i32
      %convert_element_type3A_300 = arith.extui %lt3A_299 : i1 to i32
      %cond3A_301 = arith.constant 0 : i32
      %cond3A_302 = arith.cmpi ne, %convert_element_type3A_300, %cond3A_301 : i32
      scf.if %cond3A_302 {
        %add3A_303 = arith.constant 7 : i32
        %add3A_304 = arith.addi %mul3A_120, %add3A_303 : i32
        %add3A_305 = arith.constant 8 : i32
        %add3A_306 = arith.addi %add3A_304, %add3A_305 : i32
        %mul3A_307 = arith.constant 80 : i32
        %mul3A_308 = arith.muli %add3A_306, %mul3A_307 : i32
        %dma_start3A_309 = tpu.memref_slice %arg7[%mul3A_308] : memref<20000xi32, #tpu.memory_space<vmem>> -> memref<80xi32, #tpu.memory_space<vmem>>
        %dma_start3A_310 = arith.constant 0 : i32
        %dma_start3A_311 = arith.constant 0 : i32
        %dma_start3A_312 = tpu.memref_slice %arg2[%arg0, %dma_start3A_310, %dma_start3A_311] : memref<2x10000x64xf32, #tpu.memory_space<hbm>> -> memref<1x10000x64xf32, #tpu.memory_space<hbm>>
        %dma_start3A_313 = tpu.memref_squeeze %dma_start3A_312 : memref<1x10000x64xf32, #tpu.memory_space<hbm>> -> memref<10000x64xf32, #tpu.memory_space<hbm>>
        %dma_start3A_314 = arith.constant 0 : i32
        %dma_start3A_315 = arith.constant 0 : i32
        %dma_start3A_316 = tpu.memref_slice %dma_start3A_313[%dma_start3A_314, %dma_start3A_315] : memref<10000x64xf32, #tpu.memory_space<hbm>> -> memref<10000x64xf32, #tpu.memory_space<hbm>>
        tpu.enqueue_indirect_dma source(%dma_start3A_316 : memref<10000x64xf32, #tpu.memory_space<hbm>>) target(%arg15 : memref<80x64xf32, #tpu.memory_space<vmem>>) offsets(%dma_start3A_309 : memref<80xi32, #tpu.memory_space<vmem>>) semaphore(%arg25 : memref<!tpu.dma_semaphore, #tpu.memory_space<semaphore_mem>>)
      } else {
      }
    }
    %scan3A_91 = arith.constant 31 : i32
    %dma_wait3A = arith.constant 19840 : i32
    %dma_wait3A_92 = tpu.memref_slice %arg7[%dma_wait3A] : memref<20000xi32, #tpu.memory_space<vmem>> -> memref<80xi32, #tpu.memory_space<vmem>>
    %dma_wait3A_93 = arith.constant 0 : i32
    %dma_wait3A_94 = arith.constant 0 : i32
    %dma_wait3A_95 = tpu.memref_slice %arg2[%arg0, %dma_wait3A_93, %dma_wait3A_94] : memref<2x10000x64xf32, #tpu.memory_space<hbm>> -> memref<1x10000x64xf32, #tpu.memory_space<hbm>>
    %dma_wait3A_96 = tpu.memref_squeeze %dma_wait3A_95 : memref<1x10000x64xf32, #tpu.memory_space<hbm>> -> memref<10000x64xf32, #tpu.memory_space<hbm>>
    %dma_wait3A_97 = arith.constant 0 : i32
    %dma_wait3A_98 = arith.constant 0 : i32
    %dma_wait3A_99 = tpu.memref_slice %dma_wait3A_96[%dma_wait3A_97, %dma_wait3A_98] : memref<10000x64xf32, #tpu.memory_space<hbm>> -> memref<10000x64xf32, #tpu.memory_space<hbm>>
    tpu.wait_indirect_dma semaphore(%arg18 : memref<!tpu.dma_semaphore, #tpu.memory_space<semaphore_mem>>) src(%dma_wait3A_99 : memref<10000x64xf32, #tpu.memory_space<hbm>>) dst(%arg8 : memref<80x64xf32, #tpu.memory_space<vmem>>)
    "tpu.region"() ({
      %run_scoped3A = tpu.sem_alloc : memref<!tpu.dma_semaphore, #tpu.memory_space<semaphore_mem>>
      %dma_start3A_118 = arith.constant 19840 : i32
      %dma_start3A_119 = tpu.memref_slice %arg6[%dma_start3A_118] : memref<20000xi32, #tpu.memory_space<vmem>> -> memref<80xi32, #tpu.memory_space<vmem>>
      %dma_start3A_120 = arith.constant 0 : i32
      %dma_start3A_121 = arith.constant 0 : i32
      %dma_start3A_122 = tpu.memref_slice %arg17[%dma_start3A_120, %dma_start3A_121] : memref<10000x64xf32, #tpu.memory_space<vmem_shared>> -> memref<10000x64xf32, #tpu.memory_space<vmem_shared>>
      tpu.enqueue_indirect_dma source(%arg8 : memref<80x64xf32, #tpu.memory_space<vmem>>) target(%dma_start3A_122 : memref<10000x64xf32, #tpu.memory_space<vmem_shared>>) offsets(%dma_start3A_119 : memref<80xi32, #tpu.memory_space<vmem>>) semaphore(%run_scoped3A : memref<!tpu.dma_semaphore, #tpu.memory_space<semaphore_mem>>) {add = true}
      %dma_wait3A_123 = arith.constant 19840 : i32
      %dma_wait3A_124 = tpu.memref_slice %arg6[%dma_wait3A_123] : memref<20000xi32, #tpu.memory_space<vmem>> -> memref<80xi32, #tpu.memory_space<vmem>>
      %dma_wait3A_125 = arith.constant 0 : i32
      %dma_wait3A_126 = arith.constant 0 : i32
      %dma_wait3A_127 = tpu.memref_slice %arg17[%dma_wait3A_125, %dma_wait3A_126] : memref<10000x64xf32, #tpu.memory_space<vmem_shared>> -> memref<10000x64xf32, #tpu.memory_space<vmem_shared>>
      tpu.wait_indirect_dma semaphore(%run_scoped3A : memref<!tpu.dma_semaphore, #tpu.memory_space<semaphore_mem>>) src(%arg8 : memref<80x64xf32, #tpu.memory_space<vmem>>) dst(%dma_wait3A_127 : memref<10000x64xf32, #tpu.memory_space<vmem_shared>>)
      tpu.yield
    }) : () -> ()
    %dma_wait3A_100 = arith.constant 19920 : i32
    %dma_wait3A_101 = tpu.memref_slice %arg7[%dma_wait3A_100] : memref<20000xi32, #tpu.memory_space<vmem>> -> memref<80xi32, #tpu.memory_space<vmem>>
    %dma_wait3A_102 = arith.constant 0 : i32
    %dma_wait3A_103 = arith.constant 0 : i32
    %dma_wait3A_104 = tpu.memref_slice %arg2[%arg0, %dma_wait3A_102, %dma_wait3A_103] : memref<2x10000x64xf32, #tpu.memory_space<hbm>> -> memref<1x10000x64xf32, #tpu.memory_space<hbm>>
    %dma_wait3A_105 = tpu.memref_squeeze %dma_wait3A_104 : memref<1x10000x64xf32, #tpu.memory_space<hbm>> -> memref<10000x64xf32, #tpu.memory_space<hbm>>
    %dma_wait3A_106 = arith.constant 0 : i32
    %dma_wait3A_107 = arith.constant 0 : i32
    %dma_wait3A_108 = tpu.memref_slice %dma_wait3A_105[%dma_wait3A_106, %dma_wait3A_107] : memref<10000x64xf32, #tpu.memory_space<hbm>> -> memref<10000x64xf32, #tpu.memory_space<hbm>>
    tpu.wait_indirect_dma semaphore(%arg19 : memref<!tpu.dma_semaphore, #tpu.memory_space<semaphore_mem>>) src(%dma_wait3A_108 : memref<10000x64xf32, #tpu.memory_space<hbm>>) dst(%arg9 : memref<80x64xf32, #tpu.memory_space<vmem>>)
    "tpu.region"() ({
      %run_scoped3A = tpu.sem_alloc : memref<!tpu.dma_semaphore, #tpu.memory_space<semaphore_mem>>
      %dma_start3A_118 = arith.constant 19920 : i32
      %dma_start3A_119 = tpu.memref_slice %arg6[%dma_start3A_118] : memref<20000xi32, #tpu.memory_space<vmem>> -> memref<80xi32, #tpu.memory_space<vmem>>
      %dma_start3A_120 = arith.constant 0 : i32
      %dma_start3A_121 = arith.constant 0 : i32
      %dma_start3A_122 = tpu.memref_slice %arg17[%dma_start3A_120, %dma_start3A_121] : memref<10000x64xf32, #tpu.memory_space<vmem_shared>> -> memref<10000x64xf32, #tpu.memory_space<vmem_shared>>
      tpu.enqueue_indirect_dma source(%arg9 : memref<80x64xf32, #tpu.memory_space<vmem>>) target(%dma_start3A_122 : memref<10000x64xf32, #tpu.memory_space<vmem_shared>>) offsets(%dma_start3A_119 : memref<80xi32, #tpu.memory_space<vmem>>) semaphore(%run_scoped3A : memref<!tpu.dma_semaphore, #tpu.memory_space<semaphore_mem>>) {add = true}
      %dma_wait3A_123 = arith.constant 19920 : i32
      %dma_wait3A_124 = tpu.memref_slice %arg6[%dma_wait3A_123] : memref<20000xi32, #tpu.memory_space<vmem>> -> memref<80xi32, #tpu.memory_space<vmem>>
      %dma_wait3A_125 = arith.constant 0 : i32
      %dma_wait3A_126 = arith.constant 0 : i32
      %dma_wait3A_127 = tpu.memref_slice %arg17[%dma_wait3A_125, %dma_wait3A_126] : memref<10000x64xf32, #tpu.memory_space<vmem_shared>> -> memref<10000x64xf32, #tpu.memory_space<vmem_shared>>
      tpu.wait_indirect_dma semaphore(%run_scoped3A : memref<!tpu.dma_semaphore, #tpu.memory_space<semaphore_mem>>) src(%arg9 : memref<80x64xf32, #tpu.memory_space<vmem>>) dst(%dma_wait3A_127 : memref<10000x64xf32, #tpu.memory_space<vmem_shared>>)
      tpu.yield
    }) : () -> ()
    %barrier3A_109 = arith.constant 0 : index
    tpu.barrier barrier_id(%barrier3A_109)
    %mul3A_110 = arith.constant 624 : i32
    %mul3A_111 = arith.muli %arg1, %mul3A_110 : i32
    %mul3A_112 = arith.constant 624 : i32
    %mul3A_113 = arith.muli %arg1, %mul3A_112 : i32
    %mul3A_114 = arith.constant 64 : i32
    %mul3A_115 = arith.muli %arg0, %mul3A_114 : i32
    "tpu.region"() ({
      %run_scoped3A = tpu.sem_alloc : memref<!tpu.dma_semaphore, #tpu.memory_space<semaphore_mem>>
      %dma_start3A_118 = tpu.memref_slice %arg5[%mul3A_113, %mul3A_115] : memref<10000x128xf32, #tpu.memory_space<hbm>> -> memref<624x64xf32, #tpu.memory_space<hbm>>
      %dma_start3A_119 = arith.constant 0 : i32
      %dma_start3A_120 = tpu.memref_slice %arg17[%mul3A_111, %dma_start3A_119] : memref<10000x64xf32, #tpu.memory_space<vmem_shared>> -> memref<624x64xf32, #tpu.memory_space<vmem_shared>>
      tpu.enqueue_dma source(%dma_start3A_120 : memref<624x64xf32, #tpu.memory_space<vmem_shared>>) target(%dma_start3A_118 : memref<624x64xf32, #tpu.memory_space<hbm>>) target_semaphore(%run_scoped3A : memref<!tpu.dma_semaphore, #tpu.memory_space<semaphore_mem>>)
      %dma_wait3A_121 = tpu.memref_slice %arg5[%mul3A_113, %mul3A_115] : memref<10000x128xf32, #tpu.memory_space<hbm>> -> memref<624x64xf32, #tpu.memory_space<hbm>>
      %dma_wait3A_122 = arith.constant 0 : i32
      %dma_wait3A_123 = tpu.memref_slice %arg17[%mul3A_111, %dma_wait3A_122] : memref<10000x64xf32, #tpu.memory_space<vmem_shared>> -> memref<624x64xf32, #tpu.memory_space<vmem_shared>>
      tpu.wait_dma2 semaphore(%run_scoped3A : memref<!tpu.dma_semaphore, #tpu.memory_space<semaphore_mem>>) src(%dma_wait3A_123 : memref<624x64xf32, #tpu.memory_space<vmem_shared>>) dst(%dma_wait3A_121 : memref<624x64xf32, #tpu.memory_space<hbm>>)
      tpu.yield
    }) : () -> ()
    %eq3A = arith.constant 0 : i32
    %eq3A_116 = arith.cmpi eq, %arg1, %eq3A : i32
    %convert_element_type3A = arith.extui %eq3A_116 : i1 to i32
    %cond3A = arith.constant 0 : i32
    %cond3A_117 = arith.cmpi ne, %convert_element_type3A, %cond3A : i32
    scf.if %cond3A_117 {
      %mul3A_118 = arith.constant 64 : i32
      %mul3A_119 = arith.muli %arg0, %mul3A_118 : i32
      "tpu.region"() ({
        %run_scoped3A = tpu.sem_alloc : memref<!tpu.dma_semaphore, #tpu.memory_space<semaphore_mem>>
        %dma_start3A_120 = arith.constant 9984 : i32
        %dma_start3A_121 = tpu.memref_slice %arg5[%dma_start3A_120, %mul3A_119] : memref<10000x128xf32, #tpu.memory_space<hbm>> -> memref<16x64xf32, #tpu.memory_space<hbm>>
        %dma_start3A_122 = arith.constant 9984 : i32
        %dma_start3A_123 = arith.constant 0 : i32
        %dma_start3A_124 = tpu.memref_slice %arg17[%dma_start3A_122, %dma_start3A_123] : memref<10000x64xf32, #tpu.memory_space<vmem_shared>> -> memref<16x64xf32, #tpu.memory_space<vmem_shared>>
        tpu.enqueue_dma source(%dma_start3A_124 : memref<16x64xf32, #tpu.memory_space<vmem_shared>>) target(%dma_start3A_121 : memref<16x64xf32, #tpu.memory_space<hbm>>) target_semaphore(%run_scoped3A : memref<!tpu.dma_semaphore, #tpu.memory_space<semaphore_mem>>)
        %dma_wait3A_125 = arith.constant 9984 : i32
        %dma_wait3A_126 = tpu.memref_slice %arg5[%dma_wait3A_125, %mul3A_119] : memref<10000x128xf32, #tpu.memory_space<hbm>> -> memref<16x64xf32, #tpu.memory_space<hbm>>
        %dma_wait3A_127 = arith.constant 9984 : i32
        %dma_wait3A_128 = arith.constant 0 : i32
        %dma_wait3A_129 = tpu.memref_slice %arg17[%dma_wait3A_127, %dma_wait3A_128] : memref<10000x64xf32, #tpu.memory_space<vmem_shared>> -> memref<16x64xf32, #tpu.memory_space<vmem_shared>>
        tpu.wait_dma2 semaphore(%run_scoped3A : memref<!tpu.dma_semaphore, #tpu.memory_space<semaphore_mem>>) src(%dma_wait3A_129 : memref<16x64xf32, #tpu.memory_space<vmem_shared>>) dst(%dma_wait3A_126 : memref<16x64xf32, #tpu.memory_space<hbm>>)
        tpu.yield
      }) : () -> ()
    } else {
    }
    return
  }
}

#map = affine_map<(d0, d1) -> (0, 0)>
#map1 = affine_map<(d0, d1) -> (0)>
module attributes {stable_mosaic.version = 14 : i64} {
  func.func @deg_k(%arg0: i32, %arg1: i32, %arg2: memref<2x320000xi32, #tpu.memory_space<hbm>>, %arg3: memref<32x10000xf32, #tpu.memory_space<hbm>>, %arg4: memref<320000xi32, #tpu.memory_space<hbm>>, %arg5: memref<320000xi32, #tpu.memory_space<hbm>>, %arg6: memref<9984xi32, #tpu.memory_space<vmem>>, %arg7: memref<9984xi32, #tpu.memory_space<vmem>>, %arg8: memref<512xi32, #tpu.memory_space<vmem>>, %arg9: memref<512xi32, #tpu.memory_space<vmem>>, %arg10: memref<10000xf32, #tpu.memory_space<vmem>>) attributes {dimension_semantics = [#tpu.dimension_semantics<core_parallel>, #tpu.dimension_semantics<subcore_parallel>], iteration_bounds = array<i64: 2, 16>, scalar_prefetch = 0 : i64, scratch_operands = 5 : i64, tpu.core_type = #tpu.core_type<sc_vector_subcore>, window_params = [{transform_indices = #map}, {transform_indices = #map}, {transform_indices = #map1}, {transform_indices = #map1}]} {
    %mul3A = arith.constant 2 : i32
    %mul3A_0 = arith.muli %arg1, %mul3A : i32
    %add3A = arith.addi %mul3A_0, %arg0 : i32
    %mul3A_1 = arith.constant 9984 : i32
    %mul3A_2 = arith.muli %add3A, %mul3A_1 : i32
    %run_scoped3A = arith.constant 0 : i32
    "tpu.region"() ({
      %run_scoped3A_20 = tpu.sem_alloc : memref<!tpu.dma_semaphore, #tpu.memory_space<semaphore_mem>>
      %dma_start3A = tpu.memref_slice %arg2[%run_scoped3A, %mul3A_2] : memref<2x320000xi32, #tpu.memory_space<hbm>> -> memref<1x9984xi32, #tpu.memory_space<hbm>>
      %dma_start3A_21 = tpu.memref_squeeze %dma_start3A : memref<1x9984xi32, #tpu.memory_space<hbm>> -> memref<9984xi32, #tpu.memory_space<hbm>>
      %dma_start3A_22 = tpu.memref_slice %arg2[%run_scoped3A, %mul3A_2] : memref<2x320000xi32, #tpu.memory_space<hbm>> -> memref<1x9984xi32, #tpu.memory_space<hbm>>
      %dma_start3A_23 = tpu.memref_squeeze %dma_start3A_22 : memref<1x9984xi32, #tpu.memory_space<hbm>> -> memref<9984xi32, #tpu.memory_space<hbm>>
      tpu.enqueue_dma source(%dma_start3A_23 : memref<9984xi32, #tpu.memory_space<hbm>>) target(%arg6 : memref<9984xi32, #tpu.memory_space<vmem>>) target_semaphore(%run_scoped3A_20 : memref<!tpu.dma_semaphore, #tpu.memory_space<semaphore_mem>>)
      %dma_wait3A = tpu.memref_slice %arg2[%run_scoped3A, %mul3A_2] : memref<2x320000xi32, #tpu.memory_space<hbm>> -> memref<1x9984xi32, #tpu.memory_space<hbm>>
      %dma_wait3A_24 = tpu.memref_squeeze %dma_wait3A : memref<1x9984xi32, #tpu.memory_space<hbm>> -> memref<9984xi32, #tpu.memory_space<hbm>>
      %dma_wait3A_25 = tpu.memref_slice %arg2[%run_scoped3A, %mul3A_2] : memref<2x320000xi32, #tpu.memory_space<hbm>> -> memref<1x9984xi32, #tpu.memory_space<hbm>>
      %dma_wait3A_26 = tpu.memref_squeeze %dma_wait3A_25 : memref<1x9984xi32, #tpu.memory_space<hbm>> -> memref<9984xi32, #tpu.memory_space<hbm>>
      tpu.wait_dma2 semaphore(%run_scoped3A_20 : memref<!tpu.dma_semaphore, #tpu.memory_space<semaphore_mem>>) src(%dma_wait3A_26 : memref<9984xi32, #tpu.memory_space<hbm>>) dst(%arg6 : memref<9984xi32, #tpu.memory_space<vmem>>)
      tpu.yield
    }) : () -> ()
    %run_scoped3A_3 = arith.constant 1 : i32
    "tpu.region"() ({
      %run_scoped3A_20 = tpu.sem_alloc : memref<!tpu.dma_semaphore, #tpu.memory_space<semaphore_mem>>
      %dma_start3A = tpu.memref_slice %arg2[%run_scoped3A_3, %mul3A_2] : memref<2x320000xi32, #tpu.memory_space<hbm>> -> memref<1x9984xi32, #tpu.memory_space<hbm>>
      %dma_start3A_21 = tpu.memref_squeeze %dma_start3A : memref<1x9984xi32, #tpu.memory_space<hbm>> -> memref<9984xi32, #tpu.memory_space<hbm>>
      %dma_start3A_22 = tpu.memref_slice %arg2[%run_scoped3A_3, %mul3A_2] : memref<2x320000xi32, #tpu.memory_space<hbm>> -> memref<1x9984xi32, #tpu.memory_space<hbm>>
      %dma_start3A_23 = tpu.memref_squeeze %dma_start3A_22 : memref<1x9984xi32, #tpu.memory_space<hbm>> -> memref<9984xi32, #tpu.memory_space<hbm>>
      tpu.enqueue_dma source(%dma_start3A_23 : memref<9984xi32, #tpu.memory_space<hbm>>) target(%arg7 : memref<9984xi32, #tpu.memory_space<vmem>>) target_semaphore(%run_scoped3A_20 : memref<!tpu.dma_semaphore, #tpu.memory_space<semaphore_mem>>)
      %dma_wait3A = tpu.memref_slice %arg2[%run_scoped3A_3, %mul3A_2] : memref<2x320000xi32, #tpu.memory_space<hbm>> -> memref<1x9984xi32, #tpu.memory_space<hbm>>
      %dma_wait3A_24 = tpu.memref_squeeze %dma_wait3A : memref<1x9984xi32, #tpu.memory_space<hbm>> -> memref<9984xi32, #tpu.memory_space<hbm>>
      %dma_wait3A_25 = tpu.memref_slice %arg2[%run_scoped3A_3, %mul3A_2] : memref<2x320000xi32, #tpu.memory_space<hbm>> -> memref<1x9984xi32, #tpu.memory_space<hbm>>
      %dma_wait3A_26 = tpu.memref_squeeze %dma_wait3A_25 : memref<1x9984xi32, #tpu.memory_space<hbm>> -> memref<9984xi32, #tpu.memory_space<hbm>>
      tpu.wait_dma2 semaphore(%run_scoped3A_20 : memref<!tpu.dma_semaphore, #tpu.memory_space<semaphore_mem>>) src(%dma_wait3A_26 : memref<9984xi32, #tpu.memory_space<hbm>>) dst(%arg7 : memref<9984xi32, #tpu.memory_space<vmem>>)
      tpu.yield
    }) : () -> ()
    %broadcast_in_dim3A = arith.constant 0.000000e+00 : f32
    %broadcast_in_dim3A_4 = vector.broadcast %broadcast_in_dim3A : f32 to vector<16xf32>
    %scan3A = arith.constant 0 : i32
    %scan3A_5 = arith.constant 0 : i32
    %scan3A_6 = arith.constant 625 : i32
    %scan3A_7 = arith.addi %scan3A_5, %scan3A_6 : i32
    %scan3A_8 = arith.constant 1 : i32
    scf.for %scan3A_20 = %scan3A_5 to %scan3A_7 step %scan3A_8  : i32 {
      %mul3A_21 = arith.constant 16 : i32
      %mul3A_22 = arith.muli %scan3A_20, %mul3A_21 : i32
      %swap3A = arith.index_cast %mul3A_22 : i32 to index
      %swap3A_23 = tpu.vector_load %arg10[%swap3A] {strides = array<i32>} : memref<10000xf32, #tpu.memory_space<vmem>>, vector<16xf32>,
      tpu.vector_store %arg10[%swap3A], %broadcast_in_dim3A_4 {strides = array<i32>} : memref<10000xf32, #tpu.memory_space<vmem>>, vector<16xf32>,
    }
    %scan3A_9 = arith.constant 625 : i32
    %broadcast_in_dim3A_10 = arith.constant 1.000000e+00 : f32
    %broadcast_in_dim3A_11 = vector.broadcast %broadcast_in_dim3A_10 : f32 to vector<16xf32>
    %scan3A_12 = arith.constant 0 : i32
    %scan3A_13 = arith.constant 0 : i32
    %scan3A_14 = arith.constant 624 : i32
    %scan3A_15 = arith.addi %scan3A_13, %scan3A_14 : i32
    %scan3A_16 = arith.constant 1 : i32
    scf.for %scan3A_20 = %scan3A_13 to %scan3A_15 step %scan3A_16  : i32 {
      %mul3A_21 = arith.constant 16 : i32
      %mul3A_22 = arith.muli %scan3A_20, %mul3A_21 : i32
      %get3A = arith.index_cast %mul3A_22 : i32 to index
      %get3A_23 = tpu.vector_load %arg6[%get3A] {strides = array<i32>} : memref<9984xi32, #tpu.memory_space<vmem>>, vector<16xi32>,
      tpu.vector_store_idx %arg10[%get3A_23], %broadcast_in_dim3A_11 {add = true} : memref<10000xf32, #tpu.memory_space<vmem>>[vector<16xi32>], vector<16xf32>,
    }
    %scan3A_17 = arith.constant 624 : i32
    "tpu.region"() ({
      %run_scoped3A_20 = tpu.sem_alloc : memref<!tpu.dma_semaphore, #tpu.memory_space<semaphore_mem>>
      %dma_start3A = tpu.memref_slice %arg4[%mul3A_2] : memref<320000xi32, #tpu.memory_space<hbm>> -> memref<9984xi32, #tpu.memory_space<hbm>>
      %dma_start3A_21 = tpu.memref_slice %arg4[%mul3A_2] : memref<320000xi32, #tpu.memory_space<hbm>> -> memref<9984xi32, #tpu.memory_space<hbm>>
      tpu.enqueue_dma source(%arg6 : memref<9984xi32, #tpu.memory_space<vmem>>) target(%dma_start3A_21 : memref<9984xi32, #tpu.memory_space<hbm>>) target_semaphore(%run_scoped3A_20 : memref<!tpu.dma_semaphore, #tpu.memory_space<semaphore_mem>>)
      %dma_wait3A = tpu.memref_slice %arg4[%mul3A_2] : memref<320000xi32, #tpu.memory_space<hbm>> -> memref<9984xi32, #tpu.memory_space<hbm>>
      %dma_wait3A_22 = tpu.memref_slice %arg4[%mul3A_2] : memref<320000xi32, #tpu.memory_space<hbm>> -> memref<9984xi32, #tpu.memory_space<hbm>>
      tpu.wait_dma2 semaphore(%run_scoped3A_20 : memref<!tpu.dma_semaphore, #tpu.memory_space<semaphore_mem>>) src(%arg6 : memref<9984xi32, #tpu.memory_space<vmem>>) dst(%dma_wait3A_22 : memref<9984xi32, #tpu.memory_space<hbm>>)
      tpu.yield
    }) : () -> ()
    "tpu.region"() ({
      %run_scoped3A_20 = tpu.sem_alloc : memref<!tpu.dma_semaphore, #tpu.memory_space<semaphore_mem>>
      %dma_start3A = tpu.memref_slice %arg5[%mul3A_2] : memref<320000xi32, #tpu.memory_space<hbm>> -> memref<9984xi32, #tpu.memory_space<hbm>>
      %dma_start3A_21 = tpu.memref_slice %arg5[%mul3A_2] : memref<320000xi32, #tpu.memory_space<hbm>> -> memref<9984xi32, #tpu.memory_space<hbm>>
      tpu.enqueue_dma source(%arg7 : memref<9984xi32, #tpu.memory_space<vmem>>) target(%dma_start3A_21 : memref<9984xi32, #tpu.memory_space<hbm>>) target_semaphore(%run_scoped3A_20 : memref<!tpu.dma_semaphore, #tpu.memory_space<semaphore_mem>>)
      %dma_wait3A = tpu.memref_slice %arg5[%mul3A_2] : memref<320000xi32, #tpu.memory_space<hbm>> -> memref<9984xi32, #tpu.memory_space<hbm>>
      %dma_wait3A_22 = tpu.memref_slice %arg5[%mul3A_2] : memref<320000xi32, #tpu.memory_space<hbm>> -> memref<9984xi32, #tpu.memory_space<hbm>>
      tpu.wait_dma2 semaphore(%run_scoped3A_20 : memref<!tpu.dma_semaphore, #tpu.memory_space<semaphore_mem>>) src(%arg7 : memref<9984xi32, #tpu.memory_space<vmem>>) dst(%dma_wait3A_22 : memref<9984xi32, #tpu.memory_space<hbm>>)
      tpu.yield
    }) : () -> ()
    %eq3A = arith.constant 0 : i32
    %eq3A_18 = arith.cmpi eq, %add3A, %eq3A : i32
    %convert_element_type3A = arith.extui %eq3A_18 : i1 to i32
    %cond3A = arith.constant 0 : i32
    %cond3A_19 = arith.cmpi ne, %convert_element_type3A, %cond3A : i32
    scf.if %cond3A_19 {
      %run_scoped3A_20 = arith.constant 0 : i32
      "tpu.region"() ({
        %run_scoped3A_28 = tpu.sem_alloc : memref<!tpu.dma_semaphore, #tpu.memory_space<semaphore_mem>>
        %dma_start3A = arith.constant 319488 : i32
        %dma_start3A_29 = tpu.memref_slice %arg2[%run_scoped3A_20, %dma_start3A] : memref<2x320000xi32, #tpu.memory_space<hbm>> -> memref<1x512xi32, #tpu.memory_space<hbm>>
        %dma_start3A_30 = tpu.memref_squeeze %dma_start3A_29 : memref<1x512xi32, #tpu.memory_space<hbm>> -> memref<512xi32, #tpu.memory_space<hbm>>
        %dma_start3A_31 = arith.constant 319488 : i32
        %dma_start3A_32 = tpu.memref_slice %arg2[%run_scoped3A_20, %dma_start3A_31] : memref<2x320000xi32, #tpu.memory_space<hbm>> -> memref<1x512xi32, #tpu.memory_space<hbm>>
        %dma_start3A_33 = tpu.memref_squeeze %dma_start3A_32 : memref<1x512xi32, #tpu.memory_space<hbm>> -> memref<512xi32, #tpu.memory_space<hbm>>
        tpu.enqueue_dma source(%dma_start3A_33 : memref<512xi32, #tpu.memory_space<hbm>>) target(%arg8 : memref<512xi32, #tpu.memory_space<vmem>>) target_semaphore(%run_scoped3A_28 : memref<!tpu.dma_semaphore, #tpu.memory_space<semaphore_mem>>)
        %dma_wait3A = arith.constant 319488 : i32
        %dma_wait3A_34 = tpu.memref_slice %arg2[%run_scoped3A_20, %dma_wait3A] : memref<2x320000xi32, #tpu.memory_space<hbm>> -> memref<1x512xi32, #tpu.memory_space<hbm>>
        %dma_wait3A_35 = tpu.memref_squeeze %dma_wait3A_34 : memref<1x512xi32, #tpu.memory_space<hbm>> -> memref<512xi32, #tpu.memory_space<hbm>>
        %dma_wait3A_36 = arith.constant 319488 : i32
        %dma_wait3A_37 = tpu.memref_slice %arg2[%run_scoped3A_20, %dma_wait3A_36] : memref<2x320000xi32, #tpu.memory_space<hbm>> -> memref<1x512xi32, #tpu.memory_space<hbm>>
        %dma_wait3A_38 = tpu.memref_squeeze %dma_wait3A_37 : memref<1x512xi32, #tpu.memory_space<hbm>> -> memref<512xi32, #tpu.memory_space<hbm>>
        tpu.wait_dma2 semaphore(%run_scoped3A_28 : memref<!tpu.dma_semaphore, #tpu.memory_space<semaphore_mem>>) src(%dma_wait3A_38 : memref<512xi32, #tpu.memory_space<hbm>>) dst(%arg8 : memref<512xi32, #tpu.memory_space<vmem>>)
        tpu.yield
      }) : () -> ()
      %run_scoped3A_21 = arith.constant 1 : i32
      "tpu.region"() ({
        %run_scoped3A_28 = tpu.sem_alloc : memref<!tpu.dma_semaphore, #tpu.memory_space<semaphore_mem>>
        %dma_start3A = arith.constant 319488 : i32
        %dma_start3A_29 = tpu.memref_slice %arg2[%run_scoped3A_21, %dma_start3A] : memref<2x320000xi32, #tpu.memory_space<hbm>> -> memref<1x512xi32, #tpu.memory_space<hbm>>
        %dma_start3A_30 = tpu.memref_squeeze %dma_start3A_29 : memref<1x512xi32, #tpu.memory_space<hbm>> -> memref<512xi32, #tpu.memory_space<hbm>>
        %dma_start3A_31 = arith.constant 319488 : i32
        %dma_start3A_32 = tpu.memref_slice %arg2[%run_scoped3A_21, %dma_start3A_31] : memref<2x320000xi32, #tpu.memory_space<hbm>> -> memref<1x512xi32, #tpu.memory_space<hbm>>
        %dma_start3A_33 = tpu.memref_squeeze %dma_start3A_32 : memref<1x512xi32, #tpu.memory_space<hbm>> -> memref<512xi32, #tpu.memory_space<hbm>>
        tpu.enqueue_dma source(%dma_start3A_33 : memref<512xi32, #tpu.memory_space<hbm>>) target(%arg9 : memref<512xi32, #tpu.memory_space<vmem>>) target_semaphore(%run_scoped3A_28 : memref<!tpu.dma_semaphore, #tpu.memory_space<semaphore_mem>>)
        %dma_wait3A = arith.constant 319488 : i32
        %dma_wait3A_34 = tpu.memref_slice %arg2[%run_scoped3A_21, %dma_wait3A] : memref<2x320000xi32, #tpu.memory_space<hbm>> -> memref<1x512xi32, #tpu.memory_space<hbm>>
        %dma_wait3A_35 = tpu.memref_squeeze %dma_wait3A_34 : memref<1x512xi32, #tpu.memory_space<hbm>> -> memref<512xi32, #tpu.memory_space<hbm>>
        %dma_wait3A_36 = arith.constant 319488 : i32
        %dma_wait3A_37 = tpu.memref_slice %arg2[%run_scoped3A_21, %dma_wait3A_36] : memref<2x320000xi32, #tpu.memory_space<hbm>> -> memref<1x512xi32, #tpu.memory_space<hbm>>
        %dma_wait3A_38 = tpu.memref_squeeze %dma_wait3A_37 : memref<1x512xi32, #tpu.memory_space<hbm>> -> memref<512xi32, #tpu.memory_space<hbm>>
        tpu.wait_dma2 semaphore(%run_scoped3A_28 : memref<!tpu.dma_semaphore, #tpu.memory_space<semaphore_mem>>) src(%dma_wait3A_38 : memref<512xi32, #tpu.memory_space<hbm>>) dst(%arg9 : memref<512xi32, #tpu.memory_space<vmem>>)
        tpu.yield
      }) : () -> ()
      %scan3A_22 = arith.constant 0 : i32
      %scan3A_23 = arith.constant 0 : i32
      %scan3A_24 = arith.constant 32 : i32
      %scan3A_25 = arith.addi %scan3A_23, %scan3A_24 : i32
      %scan3A_26 = arith.constant 1 : i32
      scf.for %scan3A_28 = %scan3A_23 to %scan3A_25 step %scan3A_26  : i32 {
        %mul3A_29 = arith.constant 16 : i32
        %mul3A_30 = arith.muli %scan3A_28, %mul3A_29 : i32
        %get3A = arith.index_cast %mul3A_30 : i32 to index
        %get3A_31 = tpu.vector_load %arg8[%get3A] {strides = array<i32>} : memref<512xi32, #tpu.memory_space<vmem>>, vector<16xi32>,
        tpu.vector_store_idx %arg10[%get3A_31], %broadcast_in_dim3A_11 {add = true} : memref<10000xf32, #tpu.memory_space<vmem>>[vector<16xi32>], vector<16xf32>,
      }
      %scan3A_27 = arith.constant 32 : i32
      "tpu.region"() ({
        %run_scoped3A_28 = tpu.sem_alloc : memref<!tpu.dma_semaphore, #tpu.memory_space<semaphore_mem>>
        %dma_start3A = arith.constant 319488 : i32
        %dma_start3A_29 = tpu.memref_slice %arg4[%dma_start3A] : memref<320000xi32, #tpu.memory_space<hbm>> -> memref<512xi32, #tpu.memory_space<hbm>>
        %dma_start3A_30 = arith.constant 319488 : i32
        %dma_start3A_31 = tpu.memref_slice %arg4[%dma_start3A_30] : memref<320000xi32, #tpu.memory_space<hbm>> -> memref<512xi32, #tpu.memory_space<hbm>>
        tpu.enqueue_dma source(%arg8 : memref<512xi32, #tpu.memory_space<vmem>>) target(%dma_start3A_31 : memref<512xi32, #tpu.memory_space<hbm>>) target_semaphore(%run_scoped3A_28 : memref<!tpu.dma_semaphore, #tpu.memory_space<semaphore_mem>>)
        %dma_wait3A = arith.constant 319488 : i32
        %dma_wait3A_32 = tpu.memref_slice %arg4[%dma_wait3A] : memref<320000xi32, #tpu.memory_space<hbm>> -> memref<512xi32, #tpu.memory_space<hbm>>
        %dma_wait3A_33 = arith.constant 319488 : i32
        %dma_wait3A_34 = tpu.memref_slice %arg4[%dma_wait3A_33] : memref<320000xi32, #tpu.memory_space<hbm>> -> memref<512xi32, #tpu.memory_space<hbm>>
        tpu.wait_dma2 semaphore(%run_scoped3A_28 : memref<!tpu.dma_semaphore, #tpu.memory_space<semaphore_mem>>) src(%arg8 : memref<512xi32, #tpu.memory_space<vmem>>) dst(%dma_wait3A_34 : memref<512xi32, #tpu.memory_space<hbm>>)
        tpu.yield
      }) : () -> ()
      "tpu.region"() ({
        %run_scoped3A_28 = tpu.sem_alloc : memref<!tpu.dma_semaphore, #tpu.memory_space<semaphore_mem>>
        %dma_start3A = arith.constant 319488 : i32
        %dma_start3A_29 = tpu.memref_slice %arg5[%dma_start3A] : memref<320000xi32, #tpu.memory_space<hbm>> -> memref<512xi32, #tpu.memory_space<hbm>>
        %dma_start3A_30 = arith.constant 319488 : i32
        %dma_start3A_31 = tpu.memref_slice %arg5[%dma_start3A_30] : memref<320000xi32, #tpu.memory_space<hbm>> -> memref<512xi32, #tpu.memory_space<hbm>>
        tpu.enqueue_dma source(%arg9 : memref<512xi32, #tpu.memory_space<vmem>>) target(%dma_start3A_31 : memref<512xi32, #tpu.memory_space<hbm>>) target_semaphore(%run_scoped3A_28 : memref<!tpu.dma_semaphore, #tpu.memory_space<semaphore_mem>>)
        %dma_wait3A = arith.constant 319488 : i32
        %dma_wait3A_32 = tpu.memref_slice %arg5[%dma_wait3A] : memref<320000xi32, #tpu.memory_space<hbm>> -> memref<512xi32, #tpu.memory_space<hbm>>
        %dma_wait3A_33 = arith.constant 319488 : i32
        %dma_wait3A_34 = tpu.memref_slice %arg5[%dma_wait3A_33] : memref<320000xi32, #tpu.memory_space<hbm>> -> memref<512xi32, #tpu.memory_space<hbm>>
        tpu.wait_dma2 semaphore(%run_scoped3A_28 : memref<!tpu.dma_semaphore, #tpu.memory_space<semaphore_mem>>) src(%arg9 : memref<512xi32, #tpu.memory_space<vmem>>) dst(%dma_wait3A_34 : memref<512xi32, #tpu.memory_space<hbm>>)
        tpu.yield
      }) : () -> ()
    } else {
    }
    "tpu.region"() ({
      %run_scoped3A_20 = tpu.sem_alloc : memref<!tpu.dma_semaphore, #tpu.memory_space<semaphore_mem>>
      %dma_start3A = arith.constant 0 : i32
      %dma_start3A_21 = tpu.memref_slice %arg3[%add3A, %dma_start3A] : memref<32x10000xf32, #tpu.memory_space<hbm>> -> memref<1x10000xf32, #tpu.memory_space<hbm>>
      %dma_start3A_22 = tpu.memref_squeeze %dma_start3A_21 : memref<1x10000xf32, #tpu.memory_space<hbm>> -> memref<10000xf32, #tpu.memory_space<hbm>>
      %dma_start3A_23 = arith.constant 0 : i32
      %dma_start3A_24 = tpu.memref_slice %arg3[%add3A, %dma_start3A_23] : memref<32x10000xf32, #tpu.memory_space<hbm>> -> memref<1x10000xf32, #tpu.memory_space<hbm>>
      %dma_start3A_25 = tpu.memref_squeeze %dma_start3A_24 : memref<1x10000xf32, #tpu.memory_space<hbm>> -> memref<10000xf32, #tpu.memory_space<hbm>>
      tpu.enqueue_dma source(%arg10 : memref<10000xf32, #tpu.memory_space<vmem>>) target(%dma_start3A_25 : memref<10000xf32, #tpu.memory_space<hbm>>) target_semaphore(%run_scoped3A_20 : memref<!tpu.dma_semaphore, #tpu.memory_space<semaphore_mem>>)
      %dma_wait3A = arith.constant 0 : i32
      %dma_wait3A_26 = tpu.memref_slice %arg3[%add3A, %dma_wait3A] : memref<32x10000xf32, #tpu.memory_space<hbm>> -> memref<1x10000xf32, #tpu.memory_space<hbm>>
      %dma_wait3A_27 = tpu.memref_squeeze %dma_wait3A_26 : memref<1x10000xf32, #tpu.memory_space<hbm>> -> memref<10000xf32, #tpu.memory_space<hbm>>
      %dma_wait3A_28 = arith.constant 0 : i32
      %dma_wait3A_29 = tpu.memref_slice %arg3[%add3A, %dma_wait3A_28] : memref<32x10000xf32, #tpu.memory_space<hbm>> -> memref<1x10000xf32, #tpu.memory_space<hbm>>
      %dma_wait3A_30 = tpu.memref_squeeze %dma_wait3A_29 : memref<1x10000xf32, #tpu.memory_space<hbm>> -> memref<10000xf32, #tpu.memory_space<hbm>>
      tpu.wait_dma2 semaphore(%run_scoped3A_20 : memref<!tpu.dma_semaphore, #tpu.memory_space<semaphore_mem>>) src(%arg10 : memref<10000xf32, #tpu.memory_space<vmem>>) dst(%dma_wait3A_30 : memref<10000xf32, #tpu.memory_space<hbm>>)
      tpu.yield
    }) : () -> ()
    return
  }
}

module attributes {stable_mosaic.version = 14 : i64} {
  func.func @body(%arg0: memref<10000x128xf32, #tpu.memory_space<vmem>>, %arg1: memref<10000xf32, #tpu.memory_space<vmem>>, %arg2: memref<128x128xf32, #tpu.memory_space<vmem>>, %arg3: memref<128xf32, #tpu.memory_space<vmem>>, %arg4: memref<2x10000x64xf32, #tpu.memory_space<vmem>>) attributes {dimension_semantics = [], scalar_prefetch = 0 : i64, scratch_operands = 0 : i64, tpu.core_type = #tpu.core_type<tc>} {
    %get3A = arith.constant 0 : index
    %get3A_0 = vector.load %arg1[%get3A] : memref<10000xf32, #tpu.memory_space<vmem>>, vector<10000xf32>
    %broadcast_in_dim3A = vector.shape_cast %get3A_0 : vector<10000xf32> to vector<10000x1xf32>
    %get3A_1 = arith.constant 0 : index
    %get3A_2 = arith.constant 0 : index
    %get3A_3 = vector.load %arg0[%get3A_1, %get3A_2] : memref<10000x128xf32, #tpu.memory_space<vmem>>, vector<10000x128xf32>
    %mul3A = vector.broadcast %broadcast_in_dim3A : vector<10000x1xf32> to vector<10000x128xf32>
    %mul3A_4 = arith.mulf %get3A_3, %mul3A : vector<10000x128xf32>
    %get3A_5 = arith.constant 0 : index
    %get3A_6 = arith.constant 0 : index
    %get3A_7 = vector.load %arg2[%get3A_5, %get3A_6] : memref<128x128xf32, #tpu.memory_space<vmem>>, vector<128x128xf32>
    %dot_general3A = arith.constant dense<0.000000e+00> : vector<10000x128xf32>
    %dot_general3A_8 = tpu.matmul %mul3A_4, %get3A_7, %dot_general3A {dimension_numbers = #tpu.dot_dimension_numbers<[1], [0], [0], [1], [0, 0, 1, 1], [], []>, transpose_lhs_hint = false} : vector<10000x128xf32>, vector<128x128xf32>, vector<10000x128xf32> -> vector<10000x128xf32>
    %get3A_9 = arith.constant 0 : index
    %get3A_10 = vector.load %arg3[%get3A_9] : memref<128xf32, #tpu.memory_space<vmem>>, vector<128xf32>
    %broadcast_in_dim3A_11 = vector.shape_cast %get3A_10 : vector<128xf32> to vector<1x128xf32>
    %add3A = vector.broadcast %broadcast_in_dim3A_11 : vector<1x128xf32> to vector<10000x128xf32>
    %add3A_12 = arith.addf %dot_general3A_8, %add3A : vector<10000x128xf32>
    %max3A = arith.constant 0.000000e+00 : f32
    %max3A_13 = vector.broadcast %max3A : f32 to vector<10000x128xf32>
    %max3A_14 = arith.maximumf %add3A_12, %max3A_13 : vector<10000x128xf32>
    %mul3A_15 = vector.broadcast %broadcast_in_dim3A : vector<10000x1xf32> to vector<10000x128xf32>
    %mul3A_16 = arith.mulf %max3A_14, %mul3A_15 : vector<10000x128xf32>
    %slice3A = vector.extract_strided_slice %mul3A_16 {offsets = [0, 0], sizes = [10000, 64], strides = [1, 1]} : vector<10000x128xf32> to vector<10000x64xf32>
    %swap3A = arith.constant 0 : index
    %swap3A_17 = arith.constant 0 : index
    %swap3A_18 = arith.constant 0 : index
    %swap3A_19 = vector.load %arg4[%swap3A, %swap3A_17, %swap3A_18] : memref<2x10000x64xf32, #tpu.memory_space<vmem>>, vector<1x10000x64xf32>
    %swap3A_20 = vector.shape_cast %swap3A_19 : vector<1x10000x64xf32> to vector<10000x64xf32>
    %swap3A_21 = vector.shape_cast %slice3A : vector<10000x64xf32> to vector<1x10000x64xf32>
    tpu.vector_store %arg4[%swap3A, %swap3A_17, %swap3A_18], %swap3A_21 {strides = array<i32>} : memref<2x10000x64xf32, #tpu.memory_space<vmem>>, vector<1x10000x64xf32>,
    %slice3A_22 = vector.extract_strided_slice %mul3A_16 {offsets = [0, 64], sizes = [10000, 64], strides = [1, 1]} : vector<10000x128xf32> to vector<10000x64xf32>
    %swap3A_23 = arith.constant 1 : index
    %swap3A_24 = arith.constant 0 : index
    %swap3A_25 = arith.constant 0 : index
    %swap3A_26 = vector.load %arg4[%swap3A_23, %swap3A_24, %swap3A_25] : memref<2x10000x64xf32, #tpu.memory_space<vmem>>, vector<1x10000x64xf32>
    %swap3A_27 = vector.shape_cast %swap3A_26 : vector<1x10000x64xf32> to vector<10000x64xf32>
    %swap3A_28 = vector.shape_cast %slice3A_22 : vector<10000x64xf32> to vector<1x10000x64xf32>
    tpu.vector_store %arg4[%swap3A_23, %swap3A_24, %swap3A_25], %swap3A_28 {strides = array<i32>} : memref<2x10000x64xf32, #tpu.memory_space<vmem>>, vector<1x10000x64xf32>,
    return
  }
}

module attributes {stable_mosaic.version = 14 : i64} {
  func.func @body(%arg0: memref<32x10000xf32, #tpu.memory_space<vmem>>, %arg1: memref<10000x128xf32, #tpu.memory_space<vmem>>, %arg2: memref<10000xf32, #tpu.memory_space<vmem>>, %arg3: memref<2x10000x64xf32, #tpu.memory_space<vmem>>) attributes {dimension_semantics = [], scalar_prefetch = 0 : i64, scratch_operands = 0 : i64, tpu.core_type = #tpu.core_type<tc>} {
    %get3A = arith.constant 0 : index
    %get3A_0 = arith.constant 0 : index
    %get3A_1 = vector.load %arg0[%get3A, %get3A_0] : memref<32x10000xf32, #tpu.memory_space<vmem>>, vector<32x10000xf32>
    %reduce_sum3A = arith.constant dense<0.000000e+00> : vector<10000xf32>
    %reduce_sum3A_2 = vector.multi_reduction <add>, %get3A_1, %reduce_sum3A [0] : vector<32x10000xf32> to vector<10000xf32>
    %rsqrt3A = math.rsqrt %reduce_sum3A_2 : vector<10000xf32>
    %swap3A = arith.constant 0 : index
    %swap3A_3 = vector.load %arg2[%swap3A] : memref<10000xf32, #tpu.memory_space<vmem>>, vector<10000xf32>
    tpu.vector_store %arg2[%swap3A], %rsqrt3A {strides = array<i32>} : memref<10000xf32, #tpu.memory_space<vmem>>, vector<10000xf32>,
    %get3A_4 = arith.constant 0 : index
    %get3A_5 = arith.constant 0 : index
    %get3A_6 = vector.load %arg1[%get3A_4, %get3A_5] : memref<10000x128xf32, #tpu.memory_space<vmem>>, vector<10000x128xf32>
    %broadcast_in_dim3A = vector.shape_cast %rsqrt3A : vector<10000xf32> to vector<10000x1xf32>
    %mul3A = vector.broadcast %broadcast_in_dim3A : vector<10000x1xf32> to vector<10000x128xf32>
    %mul3A_7 = arith.mulf %get3A_6, %mul3A : vector<10000x128xf32>
    %slice3A = vector.extract_strided_slice %mul3A_7 {offsets = [0, 0], sizes = [10000, 64], strides = [1, 1]} : vector<10000x128xf32> to vector<10000x64xf32>
    %swap3A_8 = arith.constant 0 : index
    %swap3A_9 = arith.constant 0 : index
    %swap3A_10 = arith.constant 0 : index
    %swap3A_11 = vector.load %arg3[%swap3A_8, %swap3A_9, %swap3A_10] : memref<2x10000x64xf32, #tpu.memory_space<vmem>>, vector<1x10000x64xf32>
    %swap3A_12 = vector.shape_cast %swap3A_11 : vector<1x10000x64xf32> to vector<10000x64xf32>
    %swap3A_13 = vector.shape_cast %slice3A : vector<10000x64xf32> to vector<1x10000x64xf32>
    tpu.vector_store %arg3[%swap3A_8, %swap3A_9, %swap3A_10], %swap3A_13 {strides = array<i32>} : memref<2x10000x64xf32, #tpu.memory_space<vmem>>, vector<1x10000x64xf32>,
    %slice3A_14 = vector.extract_strided_slice %mul3A_7 {offsets = [0, 64], sizes = [10000, 64], strides = [1, 1]} : vector<10000x128xf32> to vector<10000x64xf32>
    %swap3A_15 = arith.constant 1 : index
    %swap3A_16 = arith.constant 0 : index
    %swap3A_17 = arith.constant 0 : index
    %swap3A_18 = vector.load %arg3[%swap3A_15, %swap3A_16, %swap3A_17] : memref<2x10000x64xf32, #tpu.memory_space<vmem>>, vector<1x10000x64xf32>
    %swap3A_19 = vector.shape_cast %swap3A_18 : vector<1x10000x64xf32> to vector<10000x64xf32>
    %swap3A_20 = vector.shape_cast %slice3A_14 : vector<10000x64xf32> to vector<1x10000x64xf32>
    tpu.vector_store %arg3[%swap3A_15, %swap3A_16, %swap3A_17], %swap3A_20 {strides = array<i32>} : memref<2x10000x64xf32, #tpu.memory_space<vmem>>, vector<1x10000x64xf32>,
    return
  }
}

module attributes {stable_mosaic.version = 14 : i64} {
  func.func @body(%arg0: memref<10000x128xf32, #tpu.memory_space<vmem>>, %arg1: memref<10000xf32, #tpu.memory_space<vmem>>, %arg2: memref<128x128xf32, #tpu.memory_space<vmem>>, %arg3: memref<128xf32, #tpu.memory_space<vmem>>, %arg4: memref<128x128xf32, #tpu.memory_space<vmem>>, %arg5: memref<128xf32, #tpu.memory_space<vmem>>, %arg6: memref<128x64xf32, #tpu.memory_space<vmem>>, %arg7: memref<64xf32, #tpu.memory_space<vmem>>, %arg8: memref<10000x64xf32, #tpu.memory_space<vmem>>) attributes {dimension_semantics = [], scalar_prefetch = 0 : i64, scratch_operands = 0 : i64, tpu.core_type = #tpu.core_type<tc>} {
    %get3A = arith.constant 0 : index
    %get3A_0 = vector.load %arg1[%get3A] : memref<10000xf32, #tpu.memory_space<vmem>>, vector<10000xf32>
    %broadcast_in_dim3A = vector.shape_cast %get3A_0 : vector<10000xf32> to vector<10000x1xf32>
    %get3A_1 = arith.constant 0 : index
    %get3A_2 = arith.constant 0 : index
    %get3A_3 = vector.load %arg0[%get3A_1, %get3A_2] : memref<10000x128xf32, #tpu.memory_space<vmem>>, vector<10000x128xf32>
    %mul3A = vector.broadcast %broadcast_in_dim3A : vector<10000x1xf32> to vector<10000x128xf32>
    %mul3A_4 = arith.mulf %get3A_3, %mul3A : vector<10000x128xf32>
    %get3A_5 = arith.constant 0 : index
    %get3A_6 = arith.constant 0 : index
    %get3A_7 = vector.load %arg2[%get3A_5, %get3A_6] : memref<128x128xf32, #tpu.memory_space<vmem>>, vector<128x128xf32>
    %dot_general3A = arith.constant dense<0.000000e+00> : vector<10000x128xf32>
    %dot_general3A_8 = tpu.matmul %mul3A_4, %get3A_7, %dot_general3A {dimension_numbers = #tpu.dot_dimension_numbers<[1], [0], [0], [1], [0, 0, 1, 1], [], []>, transpose_lhs_hint = false} : vector<10000x128xf32>, vector<128x128xf32>, vector<10000x128xf32> -> vector<10000x128xf32>
    %get3A_9 = arith.constant 0 : index
    %get3A_10 = vector.load %arg3[%get3A_9] : memref<128xf32, #tpu.memory_space<vmem>>, vector<128xf32>
    %broadcast_in_dim3A_11 = vector.shape_cast %get3A_10 : vector<128xf32> to vector<1x128xf32>
    %add3A = vector.broadcast %broadcast_in_dim3A_11 : vector<1x128xf32> to vector<10000x128xf32>
    %add3A_12 = arith.addf %dot_general3A_8, %add3A : vector<10000x128xf32>
    %max3A = arith.constant 0.000000e+00 : f32
    %max3A_13 = vector.broadcast %max3A : f32 to vector<10000x128xf32>
    %max3A_14 = arith.maximumf %add3A_12, %max3A_13 : vector<10000x128xf32>
    %get3A_15 = arith.constant 0 : index
    %get3A_16 = arith.constant 0 : index
    %get3A_17 = vector.load %arg4[%get3A_15, %get3A_16] : memref<128x128xf32, #tpu.memory_space<vmem>>, vector<128x128xf32>
    %dot_general3A_18 = arith.constant dense<0.000000e+00> : vector<10000x128xf32>
    %dot_general3A_19 = tpu.matmul %max3A_14, %get3A_17, %dot_general3A_18 {dimension_numbers = #tpu.dot_dimension_numbers<[1], [0], [0], [1], [0, 0, 1, 1], [], []>, transpose_lhs_hint = false} : vector<10000x128xf32>, vector<128x128xf32>, vector<10000x128xf32> -> vector<10000x128xf32>
    %get3A_20 = arith.constant 0 : index
    %get3A_21 = vector.load %arg5[%get3A_20] : memref<128xf32, #tpu.memory_space<vmem>>, vector<128xf32>
    %broadcast_in_dim3A_22 = vector.shape_cast %get3A_21 : vector<128xf32> to vector<1x128xf32>
    %add3A_23 = vector.broadcast %broadcast_in_dim3A_22 : vector<1x128xf32> to vector<10000x128xf32>
    %add3A_24 = arith.addf %dot_general3A_19, %add3A_23 : vector<10000x128xf32>
    %get3A_25 = arith.constant 0 : index
    %get3A_26 = arith.constant 0 : index
    %get3A_27 = vector.load %arg6[%get3A_25, %get3A_26] : memref<128x64xf32, #tpu.memory_space<vmem>>, vector<128x64xf32>
    %dot_general3A_28 = arith.constant dense<0.000000e+00> : vector<10000x64xf32>
    %dot_general3A_29 = tpu.matmul %add3A_24, %get3A_27, %dot_general3A_28 {dimension_numbers = #tpu.dot_dimension_numbers<[1], [0], [0], [1], [0, 0, 1, 1], [], []>, transpose_lhs_hint = false} : vector<10000x128xf32>, vector<128x64xf32>, vector<10000x64xf32> -> vector<10000x64xf32>
    %get3A_30 = arith.constant 0 : index
    %get3A_31 = vector.load %arg7[%get3A_30] : memref<64xf32, #tpu.memory_space<vmem>>, vector<64xf32>
    %broadcast_in_dim3A_32 = vector.shape_cast %get3A_31 : vector<64xf32> to vector<1x64xf32>
    %add3A_33 = vector.broadcast %broadcast_in_dim3A_32 : vector<1x64xf32> to vector<10000x64xf32>
    %add3A_34 = arith.addf %dot_general3A_29, %add3A_33 : vector<10000x64xf32>
    %reduce_max3A = arith.constant dense<0xFF800000> : vector<10000xf32>
    %reduce_max3A_35 = vector.multi_reduction <maximumf>, %add3A_34, %reduce_max3A [1] : vector<10000x64xf32> to vector<10000xf32>
    %broadcast_in_dim3A_36 = vector.shape_cast %reduce_max3A_35 : vector<10000xf32> to vector<10000x1xf32>
    %sub3A = vector.broadcast %broadcast_in_dim3A_36 : vector<10000x1xf32> to vector<10000x64xf32>
    %sub3A_37 = arith.subf %add3A_34, %sub3A : vector<10000x64xf32>
    %exp3A = math.exp %sub3A_37 : vector<10000x64xf32>
    %reduce_sum3A = arith.constant dense<0.000000e+00> : vector<10000xf32>
    %reduce_sum3A_38 = vector.multi_reduction <add>, %exp3A, %reduce_sum3A [1] : vector<10000x64xf32> to vector<10000xf32>
    %broadcast_in_dim3A_39 = vector.shape_cast %reduce_sum3A_38 : vector<10000xf32> to vector<10000x1xf32>
    %log3A = math.log %broadcast_in_dim3A_39 : vector<10000x1xf32>
    %add3A_40 = arith.addf %log3A, %broadcast_in_dim3A_36 : vector<10000x1xf32>
    %sub3A_41 = vector.broadcast %add3A_40 : vector<10000x1xf32> to vector<10000x64xf32>
    %sub3A_42 = arith.subf %add3A_34, %sub3A_41 : vector<10000x64xf32>
    %swap3A = arith.constant 0 : index
    %swap3A_43 = arith.constant 0 : index
    %swap3A_44 = vector.load %arg8[%swap3A, %swap3A_43] : memref<10000x64xf32, #tpu.memory_space<vmem>>, vector<10000x64xf32>
    tpu.vector_store %arg8[%swap3A, %swap3A_43], %sub3A_42 {strides = array<i32>} : memref<10000x64xf32, #tpu.memory_space<vmem>>, vector<10000x64xf32>,
    return
  }
}

</mosaic_0001>

<sc_bundles>
// kernel: kernel.11.cloned.1.call-start
scs
__scs_entry_jumppad:
0x0: {  	(pc) =	sbr.rel $0x88, $3  }
0x1: {  	(tag) =	ssettag $0x0;
	lr =	simm.s32 $0x1  }
0x2: {  	[smem:$0x3F97] =	sst lr;
	_ =	strace $0xD0000000  }
0x3: {  	_ = 	snop  }
0x4: {  	_ = 	snop  }
0x5: {  	_ = 	snop  }
0x6: {  	_ = 	snop  }
0x7: {  	_ = 	snop  }
__scs_overlays_trampoline_lowered:
0x8: {  	[smem:$0x3FA6] =	sst s0  }
0x9: {  	[smem:$0x3FA7] =	sst s1  }
0xa: {  	[smem:$0x3FA8] =	sst s2  }
0xb: {  	[smem:$0x3FA9] =	sst s3  }
0xc: {  	[smem:$0x3FAA] =	sst s4  }
0xd: {  	[smem:$0x3FAB] =	sst s5  }
0xe: {  	[smem:$0x3FAC] =	sst s6  }
0xf: {  	[smem:$0x3FAD] =	sst s7  }
0x10: {  	[smem:$0x3FAE] =	sst s8  }
0x11: {  	[smem:$0x3FAF] =	sst s9;
	s0 =	simm.s32 @!p0 $0x0  }
0x12: {  	s1 =	sld [smem:$0x3F95];
	s0 =	simm.s32 @p0 $0x1  }
0x13: {  	[smem:$0x3FB0] =	sst s0;
	s0 =	simm.s32 @!p1 $0x0  }
0x14: {  	s2 =	sld [smem:$0x3F94];
	s0 =	simm.s32 @p1 $0x1  }
0x15: {  	[smem:$0x3FB1] =	sst s0;
	s0 =	simm.s32 @!p2 $0x0  }
0x16: {  	s3 =	sld [smem:$0x3FDB];
	s0 =	simm.s32 @p2 $0x1  }
0x17: {  	s4 =	simm.s32 $0x1BF5;
	[smem:$0x3FB3] =	sst s0  }
0x18: {  	s0 =	sld [smem:$0x3F96];
	_ =	swait.ge [sflag:s4], $0x0  }
0x19: {  	s7 =	sld [smem:$0x3F97]  }
0x1a: {  	s8 =	sadd.s32 $0xFFFFE003, lr  }
0x1b: {  	s9 =	sadd.s32 $0xFFFFFEF7, lr;
	s5 =	simm.s32 $0xFFFFFFFF;
	p2 =	slt.u32 s8, $0xFFFFF086  }
0x1c: {  	p1 =	slt.u32 s9, $0xF7A;
	s5 =	simm.s32 @!p2 $0x0  }
0x1d: {  	s5 =	simm.s32 @p1 $0x1;
	p0 =	seq.s32 s7, s2  }
0x1e: {  	s7 =	smul.u32 @!p0 $0xF7A, s2;
	p2 =	seq.s32 @!p0 s5, $0x0  }
0x1f: {  	s9 =	smul.u32 $0xF7A, s1;
	s8 =	simm.s32 @!p0 $0x1BF5;
	p2 =	por !p2, p0  }
0x20: {  	[sflag:s8] =	ssyncset.s32 @!p0 $0xFFFFF086;
	s6 =	sadd.s32 @!p0 s3, s7;
	s7 =	simm.s32 @!p0 $0x108  }
0x21: {  	s3 =	sadd.s32 s3, s9;
	s6 =	sadd.s32 @!p0 $0x88, s6;
	s7 =	simm.s32 @p2 $0x1082  }
0x22: {  	[simem:s7], [sflag:s8] =	dma.local @!p0 [hbm:s6], $0xF7A  }
0x23: {  	s9 =	sor.u32 $0xD0000000, s2;
	s6 =	simm.s32 $0x108;
	_ =	swait.ge @!p0 [sflag:s8], $0x0  }
0x24: {  	s3 =	sadd.s32 $0x88, s3;
	s6 =	simm.s32 @!p1 $0x1082;
	[sflag:s4] =	ssyncset.s32 $0xFFFFF086  }
0x25: {  	[simem:s6], [sflag:s4] =	dma.local [hbm:s3], $0xF7A  }
0x26: {  	[smem:$0x3F97] =	sst s1;
	(tag) =	ssettag s2;
	_ =	strace s9  }
0x27: {  	s1 =	sld [smem:$0x3FA7]  }
0x28: {  	s2 =	sld [smem:$0x3FA8]  }
0x29: {  	s4 =	sld [smem:$0x3FAA]  }
0x2a: {  	p0 =	seq.s32 s5, $0x0;
	s5 =	sld [smem:$0x3FAB]  }
0x2b: {  	s6 =	sld [smem:$0x3FAC]  }
0x2c: {  	s7 =	sld [smem:$0x3FAD]  }
0x2d: {  	s3 =	simm.s32 $0x108;
	s8 =	sld [smem:$0x3FAE]  }
0x2e: {  	s3 =	simm.s32 @!p0 $0x1082;
	s9 =	sld [smem:$0x3FAF]  }
0x2f: {  	lr =	sadd.s32 s0, s3;
	s0 =	sld [smem:$0x3FA6]  }
0x30: {  	s3 =	sld [smem:$0x3FA9]  }
0x31: {  	[smem:$0x3FB2] =	sst s10  }
0x32: {  	s10 =	sld [smem:$0x3FB0];
	_ =	sdelay $0x3  }
0x33: {  	p0 =	seq.s32 s10, $0x1;
	s10 =	sld [smem:$0x3FB2];
	_ =	sdelay $0x3  }
0x34: {  	[smem:$0x3FB2] =	sst s10  }
0x35: {  	s10 =	sld [smem:$0x3FB1];
	_ =	sdelay $0x3  }
0x36: {  	p1 =	seq.s32 s10, $0x1;
	s10 =	sld [smem:$0x3FB2];
	_ =	sdelay $0x3  }
0x37: {  	[smem:$0x3FB2] =	sst s10  }
0x38: {  	s10 =	sld [smem:$0x3FB3]  }
0x39: {  	_ = 	snop;
	(pc) =	sbr.ind lr, $3  }
0x3a: {  	_ = 	snop  }
0x3b: {  	_ = 	snop  }
0x3c: {  	p2 =	seq.s32 s10, $0x1;
	s10 =	sld [smem:$0x3FB2]  }
0x3d: {  	_ =	shalt  }
0x3e: {  	_ =	shalt  }
0x3f: {  	_ =	shalt  }
0x40: {  	_ =	shalt  }
0x41: {  	_ =	shalt  }
0x42: {  	_ =	shalt  }
0x43: {  	_ =	shalt  }
0x44: {  	_ =	shalt  }
0x45: {  	_ =	shalt  }
0x46: {  	_ =	shalt  }
0x47: {  	_ =	shalt  }
0x48: {  	_ =	shalt  }
0x49: {  	_ =	shalt  }
0x4a: {  	_ =	shalt  }
0x4b: {  	_ =	shalt  }
0x4c: {  	_ =	shalt  }
0x4d: {  	_ =	shalt  }
0x4e: {  	_ =	shalt  }
0x4f: {  	_ =	shalt  }
0x50: {  	_ =	shalt  }
0x51: {  	_ =	shalt  }
0x52: {  	_ =	shalt  }
0x53: {  	_ =	shalt  }
0x54: {  	_ =	shalt  }
0x55: {  	_ =	shalt  }
0x56: {  	_ =	shalt  }
0x57: {  	_ =	shalt  }
0x58: {  	_ =	shalt  }
0x59: {  	_ =	shalt  }
0x5a: {  	_ =	shalt  }
0x5b: {  	_ =	shalt  }
0x5c: {  	_ =	shalt  }
0x5d: {  	_ =	shalt  }
0x5e: {  	_ =	shalt  }
0x5f: {  	_ =	shalt  }
0x60: {  	_ =	shalt  }
0x61: {  	_ =	shalt  }
0x62: {  	_ =	shalt  }
0x63: {  	_ =	shalt  }
0x64: {  	_ =	shalt  }
0x65: {  	_ =	shalt  }
0x66: {  	_ =	shalt  }
0x67: {  	_ =	shalt  }
0x68: {  	_ =	shalt  }
0x69: {  	_ =	shalt  }
0x6a: {  	_ =	shalt  }
0x6b: {  	_ =	shalt  }
0x6c: {  	_ =	shalt  }
0x6d: {  	_ =	shalt  }
0x6e: {  	_ =	shalt  }
0x6f: {  	_ =	shalt  }
0x70: {  	_ =	shalt  }
0x71: {  	_ =	shalt  }
0x72: {  	_ =	shalt  }
0x73: {  	_ =	shalt  }
0x74: {  	_ =	shalt  }
0x75: {  	_ =	shalt  }
0x76: {  	_ =	shalt  }
0x77: {  	_ =	shalt  }
0x78: {  	_ =	shalt  }
0x79: {  	_ =	shalt  }
0x7a: {  	_ =	shalt  }
0x7b: {  	_ =	shalt  }
0x7c: {  	_ =	shalt  }
0x7d: {  	_ =	shalt  }
0x7e: {  	_ =	shalt  }
0x7f: {  	_ =	shalt  }
0x80: {  	_ =	shalt  }
0x81: {  	_ =	shalt  }
0x82: {  	_ =	shalt  }
0x83: {  	_ =	shalt  }
0x84: {  	_ =	shalt  }
0x85: {  	_ =	shalt  }
0x86: {  	_ =	shalt  }
0x87: {  	_ =	shalt  }
.Lfunc_end0:
.L_simem_size_0:
called_computation.1_lowered:
.L_overlay_start_0:
0x88: {  	s2 =	sld [smem:$0x3FD9]  }
0x89: {  	s3 =	sld [smem:$0x3FFE];
	_ =	sdelay $0x1  }
0x8a: {  	s1 =	srdreg.scid  }
0x8b: {  	s0 =	sand.u32 $0x1, s1  }
0x8c: {  	s16 =	sshll.u32 s0, $0xA;
	s2 =	sadd.s32 s3, s2  }
0x8d: {  	s2 =	sadd.s32 s2, s16  }
0x8e: {  	[smem:$0x3FBE] =	sst s2  }
0x8f: {  	_ = 	snop  }
0x90: {  	(tm) =	ssettm $0x1  }
0x91: {  	s17 =	sld [smem:$0x3FFB];
	_ =	sdelay $0x3  }
0x92: {  	_ =	strace s17  }
0x93: {  	s2 =	sld [smem:$0x3FFC];
	_ =	sdelay $0x3  }
0x94: {  	_ =	strace s2  }
0x95: {  	s2 =	sld [smem:$0x3FFD];
	_ =	sdelay $0x3  }
0x96: {  	_ =	strace s2  }
0x97: {  	_ =	strace $0x8FFFFFFF  }
0x98: {  	s18 =	sld [smem:$0x3FDB];
	_ =	sdelay $0x1  }
0x99: {  	s19 =	simm.s32 $_scs_section_size  }
0x9a: {  	s4 =	simm.s32 $_size__tile_overlayer_lowered;
	s5 =	simm.s32 $_tile_overlayer_lowered  }
0x9b: {  	s22 =	simm.s32 $0x1BFF;
	s21 =	sshll.u32 s5, $0x1;
	s2 =	sadd.s32 s19, s18  }
0x9c: {  	s6 =	simm.s32 $0x0;
	s20 =	sshll.u32 s4, $0x1;
	s4 =	sadd.s32 s21, s2  }
0x9d: {  	[timem:s6], [sflag:s22] =	dma.local [hbm:s4], s20  }
0x9e: {  	_ =	swait.ge [sflag:s22], s20  }
0x9f: {  	s3 =	ssub.s32 $0x0, s20;
	[sflag:s22] =	ssyncset.done $0x0  }
0xa0: {  	[sflag:s22] =	ssyncadd.s32 s3;
	_ =	sdelay $0x1  }
0xa1: {  	s23 =	simm.s32 $0x1B8B  }
0xa2: {  	_ =	swait.ge [sflag:s23], $0x1  }
0xa3: {  	[sflag:s23] =	ssyncset.done $0x0  }
0xa4: {  	s25 =	simm.s32 $0x1B8E;
	s24 =	sld [smem:$0x3FFE];
	[sflag:s23] =	ssyncadd.s32 $0xFFFFFFFF  }
0xa5: {  	s26 =	simm.s32 $execute0_lowered;
	[smem:$0x3FD2] =	sst s25  }
0xa6: {  	s4 =	sshll.u32 s26, $0x1;
	_ =	strace $0x80000049;
	[dreg:$0x1] =	wrdreg $0xFFFFFFFF  }
0xa7: {  	s28 =	simm.s32 $_size_execute0_lowered;
	s2 =	sadd.s32 s2, s4;
	[dreg:$0x0] =	wrdreg $0x0  }
0xa8: {  	s4 =	sshll.u32 s28, $0x1;
	[dreg:$0x2] =	wrdreg s2  }
0xa9: {  	[dreg:$0x3] =	wrdreg s4  }
0xaa: {  	[dreg:$0x4] =	wrdreg $0xC0  }
0xab: {  	_ =	task [dreg:s6], $0x5FFFF  }
0xac: {  	[dreg:$0x1] =	wrdreg $0xFFFFFFFF  }
0xad: {  	[dreg:$0x0] =	wrdreg $0x60  }
0xae: {  	[dreg:$0x2] =	wrdreg s24  }
0xaf: {  	[dreg:$0x3] =	wrdreg $0x15B800  }
0xb0: {  	[dreg:$0x4] =	wrdreg $0x9  }
0xb1: {  	_ =	task.clear_ibuf [dreg:s6], $0x5FFFF;
	_ =	strace $0x90000049  }
0xb2: {  	s29 =	simm.s32 $0x9;
	_ =	strace $0x8000004B  }
0xb3: {  	_ =	swait.ge [sflag:s29], $0x1  }
0xb4: {  	[sflag:s29] =	ssyncadd.s32 $0xFFFFFFFF  }
0xb5: {  	_ =	strace $0x9000004B  }
0xb6: {  	_ =	sfence  }
0xb7: {  	s30 =	sld [smem:$0x0];
	_ =	sdelay $0x2  }
0xb8: {  	s31 =	sshll.u32 s1, $0xD;
	s1 =	sshrl.u32 s1, $0x2  }
0xb9: {  	s3 =	sand.u32 $0x4000, s31;
	s1 =	sadd.s32 s1, s30  }
0xba: {  	s0 =	sor.u32 s3, s0;
	s1 =	sshll.u32 s1, $0x11  }
0xbb: {  	s0 =	sor.u32 s1, s0  }
0xbc: {  	s0 =	sadd.s32 $0x8F2B, s0  }
0xbd: {  	[sflag:s0] =	ssyncadd.remote.s32 $0x1  }
0xbe: {  	_ =	sfence.sel $0xFFFF  }
0xbf: {  	[dreg:$0x0] =	wrdreg $0xFFFFFFFF;
	(pc) =	sbr.abs _section_cstart, $3  }
0xc0: {  	[dreg:$0x1] =	wrdreg $0xFFFFFFFF  }
0xc1: {  	_ =	task.clear_ibuf [dreg:s6], $0x2FFFF;
	_ =	strace $0x9FFFFFFF  }
0xc2: {  	(tm) =	ssettm $0x7FFFFFFF  }
0xc3: {  	_ =	shalt  }
tec
execute0_lowered:
.L_overlay_start_1:
0x0: {  	(tag) =	ssettag $0x1  }
0x1: {  	s0 =	rddreg [dreg:$0x0]  }
0x2: {  	s1 =	rddreg [dreg:$0x1];
	s2 =	srdreg.scid  }
0x3: {  	s4 =	simm.s32 $0x0;
	s8 =	stileid.u32;
	s9 =	simm.s32 $0x4E20  }
0x4: {  	s21 =	simm.s32 $0xB040;
	s30 =	simm.s32 $0xEC40;
	s13 =	smul.u32 $0x9C4, s8  }
0x5: {  	s28 =	simm.s32 $0x1;
	s29 =	simm.s32 $0x2;
	s7 =	smul.u32 $0x13800, s8  }
0x6: {  	s31 =	simm.s32 $0x3;
	s2 =	sand.u32 $0x1, s2;
	s17 =	smul.u32 $0x27000, s8  }
0x7: {  	[smem:$0x7FF] =	sst s4;
	s18 =	smul.u32 $0x27100, s8;
	p0 =	sne.s32 s8, $0x0  }
0x8: {  	s3 =	smul.u32 $0x13880, s2;
	_ =	strace $0x8000004A;
	s5 =	ssub.s32 $0x2, s2  }
0x9: {  	s15 =	sshll.u32 s2, $0x6;
	s2 =	sshll.u32 s2, $0x3;
	s4 =	sadd.s32 s13, s0  }
0xa: {  	s6 =	sshrl.u32 s5, $0x1;
	s16 =	sor.u32 s15, s7;
	s19 =	sshrl.u32 s17, $0x2  }
0xb: {  	s22 =	sshrl.u32 s18, $0x2;
	s15 =	simm.s32 $0x9;
	s17 =	simm.s32 $0x13C40  }
0xc: {  	s18 =	simm.s32 $0x50;
	s3 =	sadd.s32 s3, s0;
	s0 =	sadd.s32 $0x3D800, s0  }
0xd: {  	s5 =	ssub.s32 s5, s6;
	s14 =	sadd.s32 $0x2A00, s4;
	s4 =	sadd.s32 $0xC800, s4  }
0xe: {  	s20 =	sadd.s32 s19, s1;
	s10 =	sadd.s32 s22, s1;
	[dreg:$0x3] =	wrdreg s14  }
0xf: {  	s19 =	simm.s32 $0x9C40;
	[dreg:$0x4] =	wrdreg s4;
	s23 =	smax.u32 s5, $0x1  }
0x10: {  	s22 =	simm.s32 $0x11440;
	s24 =	sadd.s32 $0x3E80, s10;
	[dreg:$0x7] =	wrdreg s23  }
0x11: {  	s6 =	sadd.s32 $0x16600, s3;
	s25 =	sadd.s32 $0x5DC0, s10;
	[dreg:$0x9] =	wrdreg s24  }
0x12: {  	s3 =	sshrl.u32 s16, $0x3;
	s26 =	sadd.s32 $0x7D00, s10;
	[dreg:$0xa] =	wrdreg s25  }
0x13: {  	s3 =	sadd.s32 s0, s3;
	s0 =	sadd.s32 s2, s0;
	[dreg:$0xb] =	wrdreg s26  }
.Ltmp0:
0x14: {  	s23 =	simm.s32 $0xC440;
	s24 =	sshrl.u32 s20, $0x3;
	(pc) =	sbr.rel .LBB2_1-.Ltmp0, $4  }
0x15: {  	s26 =	simm.s32 $0x12840;
	s20 =	simm.s32 $0x7;
	s2 =	simm.s32 $0x0  }
0x16: {  	[dreg:$0x5] =	wrdreg s3;
	s0 =	sadd.s32 $0x27000, s0;
	s3 =	sadd.s32 $0x9C000, s1  }
0x17: {  	[dreg:$0x6] =	wrdreg s0;
	s0 =	sadd.s32 $0x1F40, s10;
	s25 =	sshrl.u32 @!p0 s3, $0x3  }
0x18: {  	v0 =	vimm.f32 $0.0e+00;
	s3 =	simm.s32 $0x8;
	[dreg:$0x8] =	wrdreg s0;
	s0 =	simm.s32 $0x5  }
.LBB2_6:
0x19: {  	_ =	swait.ge [sflag:s3], $0x1400  }
0x1a: {  	[sflag:s3] =	ssyncset.done $0x0  }
0x1b: {  	[sflag:s3] =	ssyncadd.s32 $0xFFFFEC00  }
0x1c: {  	[spmem:s1] =	stream.indirect.scatter.add.f32 [tilespmem:s26], [sflag:$0x9], $0x40, s7, s18, $0xb8;
	[tilespmem:$0x1F7C0] =	vst v63  }
0x1d: {  	_ =	swait.ge [sflag:s15], $0x1400  }
0x1e: {  	[sflag:s15] =	ssyncset.done $0x0  }
0x1f: {  	[sflag:s15] =	ssyncadd.s32 $0xFFFFEC00  }
0x20: {  	_ =	swait.ge [sflag:s28], $0x1400  }
0x21: {  	[sflag:s28] =	ssyncset.done $0x0  }
0x22: {  	s4 =	simm.s32 $0x4D80;
	[sflag:s28] =	ssyncadd.s32 $0xFFFFEC00  }
0x23: {  	[spmem:s1] =	stream.indirect.scatter.add.f32 [tilespmem:s19], [sflag:$0x9], $0x40, s4, s18, $0xb8;
	[tilespmem:$0x1F7C0] =	vst v63  }
0x24: {  	_ =	swait.ge [sflag:s15], $0x1400  }
0x25: {  	[sflag:s15] =	ssyncset.done $0x0  }
0x26: {  	[sflag:s15] =	ssyncadd.s32 $0xFFFFEC00  }
0x27: {  	_ =	swait.ge [sflag:s29], $0x1400  }
0x28: {  	[sflag:s29] =	ssyncset.done $0x0  }
0x29: {  	s12 =	simm.s32 $0x4DD0;
	[sflag:s29] =	ssyncadd.s32 $0xFFFFEC00  }
0x2a: {  	[spmem:s1] =	stream.indirect.scatter.add.f32 [tilespmem:s21], [sflag:$0x9], $0x40, s12, s18, $0xb8;
	[tilespmem:$0x1F7C0] =	vst v63  }
0x2b: {  	_ =	swait.ge [sflag:s15], $0x1400  }
0x2c: {  	[sflag:s15] =	ssyncset.done $0x0  }
0x2d: {  	s13 =	stileid.u32;
	[sflag:s15] =	ssyncadd.s32 $0xFFFFEC00  }
0x2e: {  	s4 =	sshll.u32 s13, $0x6;
	[bflag:$0x0] =	sbarrier.arrive $0xFFFF  }
0x2f: {  	s14 =	simm.s32 $0x10;
	s4 =	sor.u32 $0x1C09, s4;
	s5 =	rddreg [dreg:$0x5]  }
0x30: {  	[hbm:s5@s14], [sflag:s4] =	dma.strided [spmem:s24@s3], $0x1380, s28, $0x8   }
0x31: {  	_ =	swait.ge [sflag:s15], $0x1380  }
0x32: {  	s8 =	simm.s32 @!p0 $0x8;
	s7 =	simm.s32 @!p0 $0x10;
	[sflag:s15] =	ssyncset.done $0x0  }
0x33: {  	s5 =	simm.s32 @!p0 $0x1;
	s9 =	rddreg [dreg:$0x6];
	[sflag:s15] =	ssyncadd.s32 $0xFFFFEC80  }
0x34: {  	[hbm:s9@s7], [sflag:s4] =	dma.strided @!p0 [spmem:s25@s8], $0x80, s5, $0x8   }
0x35: {  	s4 =	simm.s32 @!p0 $0x9  }
0x36: {  	_ =	swait.ge @!p0 [sflag:s4], $0x80  }
0x37: {  	s2 =	sadd.s32 $0x1, s2;
	s16 =	rddreg [dreg:$0x7]  }
0x38: {  	p1 =	sne.s32 s2, s16  }
.Ltmp1:
0x39: {  	_ = 	snop;
	(pc) =	sbr.rel @!p1 .LBB2_7-.Ltmp1, $3  }
0x3a: {  	_ =	sdelay $0x1  }
0x3b: {  	[sflag:s4] =	ssyncset.done @!p0 $0x0  }
0x3c: {  	s9 =	simm.s32 $0x4E20;
	[sflag:s4] =	ssyncadd.s32 @!p0 $0xFFFFFF80  }
.LBB2_1:
0x3d: {  	s4 =	simm.s32 $0x0;
	s5 =	rddreg [dreg:$0x3]  }
0x3e: {  	[tilespmem:s4], [sflag:$0x9] =	stream.linear.gather [hbm4b:s5+s4], $0x4E20, $0x38;
	[tilespmem:$0x1F7C0] =	vst v63  }
0x3f: {  	_ =	swait.ge [sflag:s15], $0x4E20  }
0x40: {  	[sflag:s15] =	ssyncset.done $0x0  }
0x41: {  	s16 =	rddreg [dreg:$0x4];
	[sflag:s15] =	ssyncadd.s32 $0xFFFFB1E0  }
0x42: {  	[tilespmem:s9], [sflag:$0x9] =	stream.linear.gather [hbm4b:s16+s4], $0x4E20, $0x38;
	[tilespmem:$0x1F7C0] =	vst v63  }
0x43: {  	_ =	swait.ge [sflag:s15], $0x4E20  }
0x44: {  	[sflag:s15] =	ssyncset.done $0x0  }
0x45: {  	s5 =	simm.s32 $0x100;
	s4 =	simm.s32 $0x0;
	[sflag:s15] =	ssyncadd.s32 $0xFFFFB1E0  }
.LBB2_2:
0x46: {  	p1 =	sne.s32 s5, $0x7C00;
	[tilespmem:s4+$0x13C70] =	vst v0;
	s7 =	smov.u32 s5;
	s5 =	sadd.s32 $0x100, s5  }
.Ltmp2:
0x47: {  	[tilespmem:s4+$0x13C60] =	vst v0;
	(pc) =	sbr.rel @p1 .LBB2_2-.Ltmp2, $3  }
0x48: {  	[tilespmem:s4+$0x13C40] =	vst v0  }
0x49: {  	[tilespmem:s4+$0x13C50] =	vst v0;
	_ =	sdelay $0x1  }
0x4a: {  	s4 =	sshra.s32 s7, $0x2  }
0x4b: {  	[tilespmem:s4+$0x13C70] =	vst v0  }
0x4c: {  	[tilespmem:s4+$0x13C60] =	vst v0  }
0x4d: {  	[tilespmem:s4+$0x13C40] =	vst v0  }
0x4e: {  	[tilespmem:s4+$0x13C50] =	vst v0  }
0x4f: {  	[spmem:s10] =	stream.linear.scatter [tilespmem:s17], [sflag:$0x9], $0x1F40, $0x38;
	[tilespmem:$0x1F7C0] =	vst v63  }
0x50: {  	_ =	swait.ge [sflag:s15], $0x1F40  }
0x51: {  	[sflag:s15] =	ssyncset.done $0x0  }
0x52: {  	s13 =	rddreg [dreg:$0x8];
	[sflag:s15] =	ssyncadd.s32 $0xFFFFE0C0  }
0x53: {  	[spmem:s13] =	stream.linear.scatter [tilespmem:s17], [sflag:$0x9], $0x1F40, $0x38;
	[tilespmem:$0x1F7C0] =	vst v63  }
0x54: {  	_ =	swait.ge [sflag:s15], $0x1F40  }
0x55: {  	[sflag:s15] =	ssyncset.done $0x0  }
0x56: {  	s14 =	rddreg [dreg:$0x9];
	[sflag:s15] =	ssyncadd.s32 $0xFFFFE0C0  }
0x57: {  	[spmem:s14] =	stream.linear.scatter [tilespmem:s17], [sflag:$0x9], $0x1F40, $0x38;
	[tilespmem:$0x1F7C0] =	vst v63  }
0x58: {  	_ =	swait.ge [sflag:s15], $0x1F40  }
0x59: {  	[sflag:s15] =	ssyncset.done $0x0  }
0x5a: {  	s16 =	rddreg [dreg:$0xa];
	[sflag:s15] =	ssyncadd.s32 $0xFFFFE0C0  }
0x5b: {  	[spmem:s16] =	stream.linear.scatter [tilespmem:s17], [sflag:$0x9], $0x1F40, $0x38;
	[tilespmem:$0x1F7C0] =	vst v63  }
0x5c: {  	_ =	swait.ge [sflag:s15], $0x1F40  }
0x5d: {  	[sflag:s15] =	ssyncset.done $0x0  }
0x5e: {  	s5 =	rddreg [dreg:$0xb];
	[sflag:s15] =	ssyncadd.s32 $0xFFFFE0C0  }
0x5f: {  	[spmem:s5] =	stream.linear.scatter [tilespmem:s17], [sflag:$0x9], $0x1F40, $0x38;
	[tilespmem:$0x1F7C0] =	vst v63  }
0x60: {  	_ =	swait.ge [sflag:s15], $0x1F40  }
0x61: {  	[sflag:s15] =	ssyncset.done $0x0  }
0x62: {  	[sflag:s15] =	ssyncadd.s32 $0xFFFFE0C0  }
0x63: {  	[bflag:$0x0] =	sbarrier.arrive $0xFFFF  }
0x64: {  	[tilespmem:s19], [sflag:$0x1] =	stream.indirect.gather [hbm4b:s6+s18], $0x40, s9, s18, $0xb8;
	[tilespmem:$0x1F7C0] =	vst v63  }
0x65: {  	s7 =	simm.s32 $0x4E70  }
0x66: {  	[tilespmem:s21], [sflag:$0x2] =	stream.indirect.gather [hbm4b:s6+s18], $0x40, s7, s18, $0xb8;
	[tilespmem:$0x1F7C0] =	vst v63  }
0x67: {  	s8 =	simm.s32 $0x4EC0  }
0x68: {  	[tilespmem:s23], [sflag:$0x3] =	stream.indirect.gather [hbm4b:s6+s18], $0x40, s8, s18, $0xb8;
	[tilespmem:$0x1F7C0] =	vst v63  }
0x69: {  	s5 =	simm.s32 $0xD840;
	s9 =	simm.s32 $0x4F10  }
0x6a: {  	[tilespmem:s5], [sflag:$0x4] =	stream.indirect.gather [hbm4b:s6+s18], $0x40, s9, s18, $0xb8;
	[tilespmem:$0x1F7C0] =	vst v63  }
0x6b: {  	s11 =	simm.s32 $0x4F60  }
0x6c: {  	[tilespmem:s30], [sflag:$0x5] =	stream.indirect.gather [hbm4b:s6+s18], $0x40, s11, s18, $0xb8;
	[tilespmem:$0x1F7C0] =	vst v63  }
0x6d: {  	s12 =	simm.s32 $0x4FB0;
	s13 =	simm.s32 $0x10040  }
0x6e: {  	[tilespmem:s13], [sflag:$0x6] =	stream.indirect.gather [hbm4b:s6+s18], $0x40, s12, s18, $0xb8;
	[tilespmem:$0x1F7C0] =	vst v63  }
0x6f: {  	s14 =	simm.s32 $0x5000  }
0x70: {  	[tilespmem:s22], [sflag:$0x7] =	stream.indirect.gather [hbm4b:s6+s18], $0x40, s14, s18, $0xb8;
	[tilespmem:$0x1F7C0] =	vst v63  }
0x71: {  	s4 =	simm.s32 $0x0;
	s16 =	simm.s32 $0x5050  }
0x72: {  	[tilespmem:s26], [sflag:$0x8] =	stream.indirect.gather [hbm4b:s6+s18], $0x40, s16, s18, $0xb8;
	[tilespmem:$0x1F7C0] =	vst v63  }
.LBB2_4:
0x73: {  	_ =	swait.ge [sflag:s28], $0x1400  }
0x74: {  	[sflag:s28] =	ssyncset.done $0x0  }
0x75: {  	s5 =	sshra.s32 s4, $0x2;
	[sflag:s28] =	ssyncadd.s32 $0xFFFFEC00  }
0x76: {  	[spmem:s1] =	stream.indirect.scatter.add.f32 [tilespmem:s19], [sflag:$0x9], $0x40, s5, s18, $0xb8;
	[tilespmem:$0x1F7C0] =	vst v63  }
0x77: {  	_ =	swait.ge [sflag:s15], $0x1400  }
0x78: {  	[sflag:s15] =	ssyncset.done $0x0  }
0x79: {  	s7 =	sadd.s32 $0x50A0, s5;
	[sflag:s15] =	ssyncadd.s32 $0xFFFFEC00  }
0x7a: {  	[tilespmem:s19], [sflag:$0x1] =	stream.indirect.gather [hbm4b:s6+s18], $0x40, s7, s18, $0xb8;
	[tilespmem:$0x1F7C0] =	vst v63  }
0x7b: {  	_ =	swait.ge [sflag:s29], $0x1400  }
0x7c: {  	[sflag:s29] =	ssyncset.done $0x0  }
0x7d: {  	s12 =	sadd.s32 $0x50, s5;
	[sflag:s29] =	ssyncadd.s32 $0xFFFFEC00  }
0x7e: {  	[spmem:s1] =	stream.indirect.scatter.add.f32 [tilespmem:s21], [sflag:$0x9], $0x40, s12, s18, $0xb8;
	[tilespmem:$0x1F7C0] =	vst v63  }
0x7f: {  	_ =	swait.ge [sflag:s15], $0x1400  }
0x80: {  	[sflag:s15] =	ssyncset.done $0x0  }
0x81: {  	s13 =	sadd.s32 $0x50F0, s5;
	[sflag:s15] =	ssyncadd.s32 $0xFFFFEC00  }
0x82: {  	[tilespmem:s21], [sflag:$0x2] =	stream.indirect.gather [hbm4b:s6+s18], $0x40, s13, s18, $0xb8;
	[tilespmem:$0x1F7C0] =	vst v63  }
0x83: {  	_ =	swait.ge [sflag:s31], $0x1400  }
0x84: {  	[sflag:s31] =	ssyncset.done $0x0  }
0x85: {  	s14 =	sadd.s32 $0xA0, s5;
	[sflag:s31] =	ssyncadd.s32 $0xFFFFEC00  }
0x86: {  	[spmem:s1] =	stream.indirect.scatter.add.f32 [tilespmem:s23], [sflag:$0x9], $0x40, s14, s18, $0xb8;
	[tilespmem:$0x1F7C0] =	vst v63  }
0x87: {  	_ =	swait.ge [sflag:s15], $0x1400  }
0x88: {  	p1 =	seq.s32 s4, $0x12C00;
	[sflag:s15] =	ssyncset.done $0x0  }
0x89: {  	s7 =	simm.s32 @p1 $0x4;
	[sflag:s15] =	ssyncadd.s32 $0xFFFFEC00  }
0x8a: {  	_ =	swait.ge @p1 [sflag:s7], $0x1400  }
0x8b: {  	[sflag:s7] =	ssyncset.done @p1 $0x0  }
0x8c: {  	[sflag:s7] =	ssyncadd.s32 @p1 $0xFFFFEC00;
	s7 =	sshra.s32 @p1 s4, $0x2  }
0x8d: {  	s9 =	simm.s32 @p1 $0x50;
	s11 =	simm.s32 @p1 $0xD840;
	s8 =	sadd.s32 @p1 $0xF0, s7  }
0x8e: {  	[spmem:s1] =	stream.indirect.scatter.add.f32 @p1 [tilespmem:s11], [sflag:$0x9], $0x40, s8, s9, $0xb8;
	[tilespmem:$0x1F7C0] =	vst v63  }
0x8f: {  	s8 =	simm.s32 @p1 $0x9  }
0x90: {  	_ =	swait.ge @p1 [sflag:s8], $0x1400  }
0x91: {  	s12 =	simm.s32 @!p1 $0x50;
	s11 =	sshra.s32 @!p1 s4, $0x2;
	[sflag:s8] =	ssyncset.done @p1 $0x0  }
0x92: {  	s13 =	simm.s32 @!p1 $0xC440;
	s16 =	sadd.s32 @!p1 $0x5140, s11;
	[sflag:s8] =	ssyncadd.s32 @p1 $0xFFFFEC00  }
0x93: {  	[tilespmem:s13], [sflag:$0x3] =	stream.indirect.gather @!p1 [hbm4b:s6+s12], $0x40, s16, s12, $0xb8;
	[tilespmem:$0x1F7C0] =	vst v63  }
0x94: {  	s13 =	simm.s32 @!p1 $0x4  }
0x95: {  	_ =	swait.ge @!p1 [sflag:s13], $0x1400  }
0x96: {  	[sflag:s13] =	ssyncset.done @!p1 $0x0  }
0x97: {  	s16 =	simm.s32 @!p1 $0xD840;
	[sflag:s13] =	ssyncadd.s32 @!p1 $0xFFFFEC00;
	s13 =	sadd.s32 @!p1 $0xF0, s11  }
0x98: {  	[spmem:s1] =	stream.indirect.scatter.add.f32 @!p1 [tilespmem:s16], [sflag:$0x9], $0x40, s13, s12, $0xb8;
	[tilespmem:$0x1F7C0] =	vst v63  }
0x99: {  	s13 =	simm.s32 @!p1 $0x9  }
0x9a: {  	_ =	swait.ge @!p1 [sflag:s13], $0x1400  }
0x9b: {  	[sflag:s13] =	ssyncset.done @!p1 $0x0  }
0x9c: {  	s14 =	sadd.s32 @!p1 $0x5190, s11;
	[sflag:s13] =	ssyncadd.s32 @!p1 $0xFFFFEC00  }
0x9d: {  	[tilespmem:s16], [sflag:$0x4] =	stream.indirect.gather @!p1 [hbm4b:s6+s12], $0x40, s14, s12, $0xb8;
	[tilespmem:$0x1F7C0] =	vst v63  }
0x9e: {  	_ =	swait.ge [sflag:s0], $0x1400  }
0x9f: {  	[sflag:s0] =	ssyncset.done $0x0  }
0xa0: {  	s16 =	sadd.s32 $0x140, s5;
	[sflag:s0] =	ssyncadd.s32 $0xFFFFEC00  }
0xa1: {  	[spmem:s1] =	stream.indirect.scatter.add.f32 [tilespmem:s30], [sflag:$0x9], $0x40, s16, s18, $0xb8;
	[tilespmem:$0x1F7C0] =	vst v63  }
0xa2: {  	_ =	swait.ge [sflag:s15], $0x1400  }
0xa3: {  	[sflag:s15] =	ssyncset.done $0x0  }
0xa4: {  	s14 =	simm.s32 @p1 $0x6;
	[sflag:s15] =	ssyncadd.s32 $0xFFFFEC00  }
0xa5: {  	_ =	swait.ge @p1 [sflag:s14], $0x1400  }
0xa6: {  	[sflag:s14] =	ssyncset.done @p1 $0x0  }
0xa7: {  	s7 =	sadd.s32 @p1 $0x190, s7;
	[sflag:s14] =	ssyncadd.s32 @p1 $0xFFFFEC00;
	s14 =	simm.s32 @p1 $0x10040  }
0xa8: {  	[spmem:s1] =	stream.indirect.scatter.add.f32 @p1 [tilespmem:s14], [sflag:$0x9], $0x40, s7, s9, $0xb8;
	[tilespmem:$0x1F7C0] =	vst v63  }
0xa9: {  	_ =	swait.ge @p1 [sflag:s8], $0x1400  }
0xaa: {  	[sflag:s8] =	ssyncset.done @p1 $0x0  }
0xab: {  	s7 =	sadd.s32 @!p1 $0x51E0, s11;
	[sflag:s8] =	ssyncadd.s32 @p1 $0xFFFFEC00;
	s8 =	simm.s32 @!p1 $0xEC40  }
0xac: {  	[tilespmem:s8], [sflag:$0x5] =	stream.indirect.gather @!p1 [hbm4b:s6+s12], $0x40, s7, s12, $0xb8;
	[tilespmem:$0x1F7C0] =	vst v63  }
0xad: {  	s7 =	simm.s32 @!p1 $0x6  }
0xae: {  	_ =	swait.ge @!p1 [sflag:s7], $0x1400  }
0xaf: {  	[sflag:s7] =	ssyncset.done @!p1 $0x0  }
0xb0: {  	s8 =	simm.s32 @!p1 $0x10040;
	[sflag:s7] =	ssyncadd.s32 @!p1 $0xFFFFEC00;
	s7 =	sadd.s32 @!p1 $0x190, s11  }
0xb1: {  	[spmem:s1] =	stream.indirect.scatter.add.f32 @!p1 [tilespmem:s8], [sflag:$0x9], $0x40, s7, s12, $0xb8;
	[tilespmem:$0x1F7C0] =	vst v63  }
0xb2: {  	_ =	swait.ge @!p1 [sflag:s13], $0x1400  }
0xb3: {  	[sflag:s13] =	ssyncset.done @!p1 $0x0  }
0xb4: {  	s7 =	sadd.s32 @!p1 $0x5230, s11;
	[sflag:s13] =	ssyncadd.s32 @!p1 $0xFFFFEC00  }
0xb5: {  	[tilespmem:s8], [sflag:$0x6] =	stream.indirect.gather @!p1 [hbm4b:s6+s12], $0x40, s7, s12, $0xb8;
	[tilespmem:$0x1F7C0] =	vst v63  }
0xb6: {  	_ =	swait.ge [sflag:s20], $0x1400  }
0xb7: {  	[sflag:s20] =	ssyncset.done $0x0  }
.Ltmp3:
0xb8: {  	s16 =	sadd.s32 $0x1E0, s5;
	[sflag:s20] =	ssyncadd.s32 $0xFFFFEC00;
	(pc) =	sbr.rel @p1 .LBB2_6-.Ltmp3, $4  }
0xb9: {  	[spmem:s1] =	stream.indirect.scatter.add.f32 [tilespmem:s22], [sflag:$0x9], $0x40, s16, s18, $0xb8;
	[tilespmem:$0x1F7C0] =	vst v63  }
0xba: {  	_ =	swait.ge [sflag:s15], $0x1400  }
0xbb: {  	[sflag:s15] =	ssyncset.done $0x0  }
0xbc: {  	s7 =	sadd.s32 $0x230, s5;
	[sflag:s15] =	ssyncadd.s32 $0xFFFFEC00  }
0xbd: {  	s8 =	sadd.s32 $0x5280, s5  }
0xbe: {  	[tilespmem:s22], [sflag:$0x7] =	stream.indirect.gather [hbm4b:s6+s18], $0x40, s8, s18, $0xb8;
	[tilespmem:$0x1F7C0] =	vst v63  }
0xbf: {  	_ =	swait.ge [sflag:s3], $0x1400  }
0xc0: {  	[sflag:s3] =	ssyncset.done $0x0  }
0xc1: {  	[sflag:s3] =	ssyncadd.s32 $0xFFFFEC00  }
0xc2: {  	[spmem:s1] =	stream.indirect.scatter.add.f32 [tilespmem:s26], [sflag:$0x9], $0x40, s7, s18, $0xb8;
	[tilespmem:$0x1F7C0] =	vst v63  }
.Ltmp4:
0xc3: {  	_ = 	snop;
	(pc) =	sbr.rel .LBB2_4-.Ltmp4, $4  }
0xc4: {  	_ =	swait.ge [sflag:s15], $0x1400  }
0xc5: {  	[sflag:s15] =	ssyncset.done $0x0  }
0xc6: {  	s16 =	sadd.s32 $0x52D0, s5;
	s4 =	sadd.s32 $0xA00, s4;
	[sflag:s15] =	ssyncadd.s32 $0xFFFFEC00  }
0xc7: {  	[tilespmem:s26], [sflag:$0x8] =	stream.indirect.gather [hbm4b:s6+s18], $0x40, s16, s18, $0xb8;
	[tilespmem:$0x1F7C0] =	vst v63  }
.LBB2_7:
0xc8: {  	_ =	sfence.sel $0x180000  }
0xc9: {  	[bflag:$0x0] =	sbarrier.arrive $0xFFFF  }
0xca: {  	_ =	strace $0x9000004A  }
0xcb: {  	[bflag:$0x2] =	sbarrier.arrive $0xFFFF  }
0xcc: {  	s0 =	rddreg [dreg:$0x2]  }
0xcd: {  	s0 =	sadd.s32 @!p0 $0x100000, s0  }
0xce: {  	[sflag:s0] =	ssyncadd.tile.s32 @!p0 $0x1;
	_ =	shalt  }
.Lfunc_end2:
_tile_overlayer_lowered:
.L_overlay_start_2:
0xcf: {  	(tag) =	ssettag $0x2  }
0xd0: {  	s0 =	rddreg [dreg:$0x0];
	s2 =	stileid.u32  }
0xd1: {  	s1 =	rddreg [dreg:$0x1];
	p0 =	sne.s32 s2, $0x0  }
0xd2: {  	s3 =	rddreg [dreg:$0x2];
	[bflag:$0x3] =	sbarrier.arrive $0xFFFF;
	s2 =	simm.s32 @!p0 $0x1C09  }
0xd3: {  	[timem:s3], [sflag:s2] =	dma.local @!p0 [hbm:s0], s1  }
0xd4: {  	s0 =	simm.s32 @!p0 $0x9  }
0xd5: {  	_ =	swait.ge @!p0 [sflag:s0], s1  }
0xd6: {  	s1 =	ssub.s32 @!p0 $0x0, s1;
	[sflag:s0] =	ssyncset.done @!p0 $0x0  }
0xd7: {  	[sflag:s0] =	ssyncadd.s32 @!p0 s1  }
0xd8: {  	[bflag:$0x3] =	sbarrier.arrive $0xFFFF  }
0xd9: {  	_ =	shalt  }

// kernel: kernel.14.cloned.1.call-start
scs
__scs_entry_jumppad:
0x0: {  	(pc) =	sbr.rel $0x88, $3  }
0x1: {  	(tag) =	ssettag $0x0;
	lr =	simm.s32 $0x1  }
0x2: {  	[smem:$0x3F97] =	sst lr;
	_ =	strace $0xD0000000  }
0x3: {  	_ = 	snop  }
0x4: {  	_ = 	snop  }
0x5: {  	_ = 	snop  }
0x6: {  	_ = 	snop  }
0x7: {  	_ = 	snop  }
__scs_overlays_trampoline_lowered:
0x8: {  	[smem:$0x3FA6] =	sst s0  }
0x9: {  	[smem:$0x3FA7] =	sst s1  }
0xa: {  	[smem:$0x3FA8] =	sst s2  }
0xb: {  	[smem:$0x3FA9] =	sst s3  }
0xc: {  	[smem:$0x3FAA] =	sst s4  }
0xd: {  	[smem:$0x3FAB] =	sst s5  }
0xe: {  	[smem:$0x3FAC] =	sst s6  }
0xf: {  	[smem:$0x3FAD] =	sst s7  }
0x10: {  	[smem:$0x3FAE] =	sst s8  }
0x11: {  	[smem:$0x3FAF] =	sst s9;
	s0 =	simm.s32 @!p0 $0x0  }
0x12: {  	s1 =	sld [smem:$0x3F95];
	s0 =	simm.s32 @p0 $0x1  }
0x13: {  	[smem:$0x3FB0] =	sst s0;
	s0 =	simm.s32 @!p1 $0x0  }
0x14: {  	s2 =	sld [smem:$0x3F94];
	s0 =	simm.s32 @p1 $0x1  }
0x15: {  	[smem:$0x3FB1] =	sst s0;
	s0 =	simm.s32 @!p2 $0x0  }
0x16: {  	s3 =	sld [smem:$0x3FDB];
	s0 =	simm.s32 @p2 $0x1  }
0x17: {  	s4 =	simm.s32 $0x1BF5;
	[smem:$0x3FB3] =	sst s0  }
0x18: {  	s0 =	sld [smem:$0x3F96];
	_ =	swait.ge [sflag:s4], $0x0  }
0x19: {  	s7 =	sld [smem:$0x3F97]  }
0x1a: {  	s8 =	sadd.s32 $0xFFFFE003, lr  }
0x1b: {  	s9 =	sadd.s32 $0xFFFFFEF7, lr;
	s5 =	simm.s32 $0xFFFFFFFF;
	p2 =	slt.u32 s8, $0xFFFFF086  }
0x1c: {  	p1 =	slt.u32 s9, $0xF7A;
	s5 =	simm.s32 @!p2 $0x0  }
0x1d: {  	s5 =	simm.s32 @p1 $0x1;
	p0 =	seq.s32 s7, s2  }
0x1e: {  	s7 =	smul.u32 @!p0 $0xF7A, s2;
	p2 =	seq.s32 @!p0 s5, $0x0  }
0x1f: {  	s9 =	smul.u32 $0xF7A, s1;
	s8 =	simm.s32 @!p0 $0x1BF5;
	p2 =	por !p2, p0  }
0x20: {  	[sflag:s8] =	ssyncset.s32 @!p0 $0xFFFFF086;
	s6 =	sadd.s32 @!p0 s3, s7;
	s7 =	simm.s32 @!p0 $0x108  }
0x21: {  	s3 =	sadd.s32 s3, s9;
	s6 =	sadd.s32 @!p0 $0x88, s6;
	s7 =	simm.s32 @p2 $0x1082  }
0x22: {  	[simem:s7], [sflag:s8] =	dma.local @!p0 [hbm:s6], $0xF7A  }
0x23: {  	s9 =	sor.u32 $0xD0000000, s2;
	s6 =	simm.s32 $0x108;
	_ =	swait.ge @!p0 [sflag:s8], $0x0  }
0x24: {  	s3 =	sadd.s32 $0x88, s3;
	s6 =	simm.s32 @!p1 $0x1082;
	[sflag:s4] =	ssyncset.s32 $0xFFFFF086  }
0x25: {  	[simem:s6], [sflag:s4] =	dma.local [hbm:s3], $0xF7A  }
0x26: {  	[smem:$0x3F97] =	sst s1;
	(tag) =	ssettag s2;
	_ =	strace s9  }
0x27: {  	s1 =	sld [smem:$0x3FA7]  }
0x28: {  	s2 =	sld [smem:$0x3FA8]  }
0x29: {  	s4 =	sld [smem:$0x3FAA]  }
0x2a: {  	p0 =	seq.s32 s5, $0x0;
	s5 =	sld [smem:$0x3FAB]  }
0x2b: {  	s6 =	sld [smem:$0x3FAC]  }
0x2c: {  	s7 =	sld [smem:$0x3FAD]  }
0x2d: {  	s3 =	simm.s32 $0x108;
	s8 =	sld [smem:$0x3FAE]  }
0x2e: {  	s3 =	simm.s32 @!p0 $0x1082;
	s9 =	sld [smem:$0x3FAF]  }
0x2f: {  	lr =	sadd.s32 s0, s3;
	s0 =	sld [smem:$0x3FA6]  }
0x30: {  	s3 =	sld [smem:$0x3FA9]  }
0x31: {  	[smem:$0x3FB2] =	sst s10  }
0x32: {  	s10 =	sld [smem:$0x3FB0];
	_ =	sdelay $0x3  }
0x33: {  	p0 =	seq.s32 s10, $0x1;
	s10 =	sld [smem:$0x3FB2];
	_ =	sdelay $0x3  }
0x34: {  	[smem:$0x3FB2] =	sst s10  }
0x35: {  	s10 =	sld [smem:$0x3FB1];
	_ =	sdelay $0x3  }
0x36: {  	p1 =	seq.s32 s10, $0x1;
	s10 =	sld [smem:$0x3FB2];
	_ =	sdelay $0x3  }
0x37: {  	[smem:$0x3FB2] =	sst s10  }
0x38: {  	s10 =	sld [smem:$0x3FB3]  }
0x39: {  	_ = 	snop;
	(pc) =	sbr.ind lr, $3  }
0x3a: {  	_ = 	snop  }
0x3b: {  	_ = 	snop  }
0x3c: {  	p2 =	seq.s32 s10, $0x1;
	s10 =	sld [smem:$0x3FB2]  }
0x3d: {  	_ =	shalt  }
0x3e: {  	_ =	shalt  }
0x3f: {  	_ =	shalt  }
0x40: {  	_ =	shalt  }
0x41: {  	_ =	shalt  }
0x42: {  	_ =	shalt  }
0x43: {  	_ =	shalt  }
0x44: {  	_ =	shalt  }
0x45: {  	_ =	shalt  }
0x46: {  	_ =	shalt  }
0x47: {  	_ =	shalt  }
0x48: {  	_ =	shalt  }
0x49: {  	_ =	shalt  }
0x4a: {  	_ =	shalt  }
0x4b: {  	_ =	shalt  }
0x4c: {  	_ =	shalt  }
0x4d: {  	_ =	shalt  }
0x4e: {  	_ =	shalt  }
0x4f: {  	_ =	shalt  }
0x50: {  	_ =	shalt  }
0x51: {  	_ =	shalt  }
0x52: {  	_ =	shalt  }
0x53: {  	_ =	shalt  }
0x54: {  	_ =	shalt  }
0x55: {  	_ =	shalt  }
0x56: {  	_ =	shalt  }
0x57: {  	_ =	shalt  }
0x58: {  	_ =	shalt  }
0x59: {  	_ =	shalt  }
0x5a: {  	_ =	shalt  }
0x5b: {  	_ =	shalt  }
0x5c: {  	_ =	shalt  }
0x5d: {  	_ =	shalt  }
0x5e: {  	_ =	shalt  }
0x5f: {  	_ =	shalt  }
0x60: {  	_ =	shalt  }
0x61: {  	_ =	shalt  }
0x62: {  	_ =	shalt  }
0x63: {  	_ =	shalt  }
0x64: {  	_ =	shalt  }
0x65: {  	_ =	shalt  }
0x66: {  	_ =	shalt  }
0x67: {  	_ =	shalt  }
0x68: {  	_ =	shalt  }
0x69: {  	_ =	shalt  }
0x6a: {  	_ =	shalt  }
0x6b: {  	_ =	shalt  }
0x6c: {  	_ =	shalt  }
0x6d: {  	_ =	shalt  }
0x6e: {  	_ =	shalt  }
0x6f: {  	_ =	shalt  }
0x70: {  	_ =	shalt  }
0x71: {  	_ =	shalt  }
0x72: {  	_ =	shalt  }
0x73: {  	_ =	shalt  }
0x74: {  	_ =	shalt  }
0x75: {  	_ =	shalt  }
0x76: {  	_ =	shalt  }
0x77: {  	_ =	shalt  }
0x78: {  	_ =	shalt  }
0x79: {  	_ =	shalt  }
0x7a: {  	_ =	shalt  }
0x7b: {  	_ =	shalt  }
0x7c: {  	_ =	shalt  }
0x7d: {  	_ =	shalt  }
0x7e: {  	_ =	shalt  }
0x7f: {  	_ =	shalt  }
0x80: {  	_ =	shalt  }
0x81: {  	_ =	shalt  }
0x82: {  	_ =	shalt  }
0x83: {  	_ =	shalt  }
0x84: {  	_ =	shalt  }
0x85: {  	_ =	shalt  }
0x86: {  	_ =	shalt  }
0x87: {  	_ =	shalt  }
.Lfunc_end0:
.L_simem_size_0:
called_computation.2_lowered:
.L_overlay_start_0:
0x88: {  	s2 =	sld [smem:$0x3FD9]  }
0x89: {  	s3 =	sld [smem:$0x3FFE];
	_ =	sdelay $0x1  }
0x8a: {  	s1 =	srdreg.scid  }
0x8b: {  	s0 =	sand.u32 $0x1, s1  }
0x8c: {  	s16 =	sshll.u32 s0, $0xA;
	s2 =	sadd.s32 s3, s2  }
0x8d: {  	s2 =	sadd.s32 s2, s16  }
0x8e: {  	[smem:$0x3FBE] =	sst s2  }
0x8f: {  	_ = 	snop  }
0x90: {  	(tm) =	ssettm $0x1  }
0x91: {  	s17 =	sld [smem:$0x3FFB];
	_ =	sdelay $0x3  }
0x92: {  	_ =	strace s17  }
0x93: {  	s2 =	sld [smem:$0x3FFC];
	_ =	sdelay $0x3  }
0x94: {  	_ =	strace s2  }
0x95: {  	s2 =	sld [smem:$0x3FFD];
	_ =	sdelay $0x3  }
0x96: {  	_ =	strace s2  }
0x97: {  	_ =	strace $0x8FFFFFFF  }
0x98: {  	s18 =	sld [smem:$0x3FDB];
	_ =	sdelay $0x1  }
0x99: {  	s19 =	simm.s32 $_scs_section_size  }
0x9a: {  	s4 =	simm.s32 $_size__tile_overlayer_lowered;
	s5 =	simm.s32 $_tile_overlayer_lowered  }
0x9b: {  	s22 =	simm.s32 $0x1BFF;
	s21 =	sshll.u32 s5, $0x1;
	s2 =	sadd.s32 s19, s18  }
0x9c: {  	s6 =	simm.s32 $0x0;
	s20 =	sshll.u32 s4, $0x1;
	s4 =	sadd.s32 s21, s2  }
0x9d: {  	[timem:s6], [sflag:s22] =	dma.local [hbm:s4], s20  }
0x9e: {  	_ =	swait.ge [sflag:s22], s20  }
0x9f: {  	s3 =	ssub.s32 $0x0, s20;
	[sflag:s22] =	ssyncset.done $0x0  }
0xa0: {  	[sflag:s22] =	ssyncadd.s32 s3;
	_ =	sdelay $0x1  }
0xa1: {  	s23 =	simm.s32 $0x1B8B  }
0xa2: {  	_ =	swait.ge [sflag:s23], $0x1  }
0xa3: {  	[sflag:s23] =	ssyncset.done $0x0  }
0xa4: {  	s25 =	simm.s32 $0x1B8E;
	s24 =	sld [smem:$0x3FFE];
	[sflag:s23] =	ssyncadd.s32 $0xFFFFFFFF  }
0xa5: {  	s26 =	simm.s32 $execute0_lowered;
	[smem:$0x3FD2] =	sst s25  }
0xa6: {  	s4 =	sshll.u32 s26, $0x1;
	_ =	strace $0x8000004C;
	[dreg:$0x1] =	wrdreg $0xFFFFFFFF  }
0xa7: {  	s28 =	simm.s32 $_size_execute0_lowered;
	s2 =	sadd.s32 s2, s4;
	[dreg:$0x0] =	wrdreg $0x0  }
0xa8: {  	s4 =	sshll.u32 s28, $0x1;
	[dreg:$0x2] =	wrdreg s2  }
0xa9: {  	[dreg:$0x3] =	wrdreg s4  }
0xaa: {  	[dreg:$0x4] =	wrdreg $0xC0  }
0xab: {  	_ =	task [dreg:s6], $0x5FFFF  }
0xac: {  	[dreg:$0x1] =	wrdreg $0xFFFFFFFF  }
0xad: {  	[dreg:$0x0] =	wrdreg $0x60  }
0xae: {  	[dreg:$0x2] =	wrdreg s24  }
0xaf: {  	[dreg:$0x3] =	wrdreg $0x15B800  }
0xb0: {  	[dreg:$0x4] =	wrdreg $0x9  }
0xb1: {  	_ =	task.clear_ibuf [dreg:s6], $0x5FFFF;
	_ =	strace $0x9000004C  }
0xb2: {  	s29 =	simm.s32 $0x9;
	_ =	strace $0x8000004E  }
0xb3: {  	_ =	swait.ge [sflag:s29], $0x1  }
0xb4: {  	[sflag:s29] =	ssyncadd.s32 $0xFFFFFFFF  }
0xb5: {  	_ =	strace $0x9000004E  }
0xb6: {  	_ =	sfence  }
0xb7: {  	s30 =	sld [smem:$0x0];
	_ =	sdelay $0x2  }
0xb8: {  	s31 =	sshll.u32 s1, $0xD;
	s1 =	sshrl.u32 s1, $0x2  }
0xb9: {  	s3 =	sand.u32 $0x4000, s31;
	s1 =	sadd.s32 s1, s30  }
0xba: {  	s0 =	sor.u32 s3, s0;
	s1 =	sshll.u32 s1, $0x11  }
0xbb: {  	s0 =	sor.u32 s1, s0  }
0xbc: {  	s0 =	sadd.s32 $0x8F2B, s0  }
0xbd: {  	[sflag:s0] =	ssyncadd.remote.s32 $0x1  }
0xbe: {  	_ =	sfence.sel $0xFFFF  }
0xbf: {  	[dreg:$0x0] =	wrdreg $0xFFFFFFFF;
	(pc) =	sbr.abs _section_cstart, $3  }
0xc0: {  	[dreg:$0x1] =	wrdreg $0xFFFFFFFF  }
0xc1: {  	_ =	task.clear_ibuf [dreg:s6], $0x2FFFF;
	_ =	strace $0x9FFFFFFF  }
0xc2: {  	(tm) =	ssettm $0x7FFFFFFF  }
0xc3: {  	_ =	shalt  }
tec
execute0_lowered:
.L_overlay_start_1:
0x0: {  	(tag) =	ssettag $0x1  }
0x1: {  	s0 =	rddreg [dreg:$0x0]  }
0x2: {  	s1 =	rddreg [dreg:$0x1];
	s2 =	srdreg.scid  }
0x3: {  	s4 =	simm.s32 $0x0;
	s8 =	stileid.u32;
	s9 =	simm.s32 $0x4E20  }
0x4: {  	s21 =	simm.s32 $0xB040;
	s30 =	simm.s32 $0xEC40;
	s13 =	smul.u32 $0x9C4, s8  }
0x5: {  	s28 =	simm.s32 $0x1;
	s29 =	simm.s32 $0x2;
	s7 =	smul.u32 $0x13800, s8  }
0x6: {  	s31 =	simm.s32 $0x3;
	s2 =	sand.u32 $0x1, s2;
	s17 =	smul.u32 $0x27000, s8  }
0x7: {  	[smem:$0x7FF] =	sst s4;
	s18 =	smul.u32 $0x27100, s8;
	p0 =	sne.s32 s8, $0x0  }
0x8: {  	s3 =	smul.u32 $0x13880, s2;
	_ =	strace $0x8000004D;
	s5 =	ssub.s32 $0x2, s2  }
0x9: {  	s15 =	sshll.u32 s2, $0x6;
	s2 =	sshll.u32 s2, $0x3;
	s4 =	sadd.s32 s13, s0  }
0xa: {  	s6 =	sshrl.u32 s5, $0x1;
	s16 =	sor.u32 s15, s7;
	s19 =	sshrl.u32 s17, $0x2  }
0xb: {  	s22 =	sshrl.u32 s18, $0x2;
	s15 =	simm.s32 $0x9;
	s17 =	simm.s32 $0x13C40  }
0xc: {  	s18 =	simm.s32 $0x50;
	s3 =	sadd.s32 s3, s0;
	s0 =	sadd.s32 $0x3D800, s0  }
0xd: {  	s5 =	ssub.s32 s5, s6;
	s14 =	sadd.s32 $0x2A00, s4;
	s4 =	sadd.s32 $0xC800, s4  }
0xe: {  	s20 =	sadd.s32 s19, s1;
	s10 =	sadd.s32 s22, s1;
	[dreg:$0x3] =	wrdreg s14  }
0xf: {  	s19 =	simm.s32 $0x9C40;
	[dreg:$0x4] =	wrdreg s4;
	s23 =	smax.u32 s5, $0x1  }
0x10: {  	s22 =	simm.s32 $0x11440;
	s24 =	sadd.s32 $0x3E80, s10;
	[dreg:$0x7] =	wrdreg s23  }
0x11: {  	s6 =	sadd.s32 $0x16600, s3;
	s25 =	sadd.s32 $0x5DC0, s10;
	[dreg:$0x9] =	wrdreg s24  }
0x12: {  	s3 =	sshrl.u32 s16, $0x3;
	s26 =	sadd.s32 $0x7D00, s10;
	[dreg:$0xa] =	wrdreg s25  }
0x13: {  	s3 =	sadd.s32 s0, s3;
	s0 =	sadd.s32 s2, s0;
	[dreg:$0xb] =	wrdreg s26  }
.Ltmp0:
0x14: {  	s23 =	simm.s32 $0xC440;
	s24 =	sshrl.u32 s20, $0x3;
	(pc) =	sbr.rel .LBB2_1-.Ltmp0, $4  }
0x15: {  	s26 =	simm.s32 $0x12840;
	s20 =	simm.s32 $0x7;
	s2 =	simm.s32 $0x0  }
0x16: {  	[dreg:$0x5] =	wrdreg s3;
	s0 =	sadd.s32 $0x27000, s0;
	s3 =	sadd.s32 $0x9C000, s1  }
0x17: {  	[dreg:$0x6] =	wrdreg s0;
	s0 =	sadd.s32 $0x1F40, s10;
	s25 =	sshrl.u32 @!p0 s3, $0x3  }
0x18: {  	v0 =	vimm.f32 $0.0e+00;
	s3 =	simm.s32 $0x8;
	[dreg:$0x8] =	wrdreg s0;
	s0 =	simm.s32 $0x5  }
.LBB2_6:
0x19: {  	_ =	swait.ge [sflag:s3], $0x1400  }
0x1a: {  	[sflag:s3] =	ssyncset.done $0x0  }
0x1b: {  	[sflag:s3] =	ssyncadd.s32 $0xFFFFEC00  }
0x1c: {  	[spmem:s1] =	stream.indirect.scatter.add.f32 [tilespmem:s26], [sflag:$0x9], $0x40, s7, s18, $0xb8;
	[tilespmem:$0x1F7C0] =	vst v63  }
0x1d: {  	_ =	swait.ge [sflag:s15], $0x1400  }
0x1e: {  	[sflag:s15] =	ssyncset.done $0x0  }
0x1f: {  	[sflag:s15] =	ssyncadd.s32 $0xFFFFEC00  }
0x20: {  	_ =	swait.ge [sflag:s28], $0x1400  }
0x21: {  	[sflag:s28] =	ssyncset.done $0x0  }
0x22: {  	s4 =	simm.s32 $0x4D80;
	[sflag:s28] =	ssyncadd.s32 $0xFFFFEC00  }
0x23: {  	[spmem:s1] =	stream.indirect.scatter.add.f32 [tilespmem:s19], [sflag:$0x9], $0x40, s4, s18, $0xb8;
	[tilespmem:$0x1F7C0] =	vst v63  }
0x24: {  	_ =	swait.ge [sflag:s15], $0x1400  }
0x25: {  	[sflag:s15] =	ssyncset.done $0x0  }
0x26: {  	[sflag:s15] =	ssyncadd.s32 $0xFFFFEC00  }
0x27: {  	_ =	swait.ge [sflag:s29], $0x1400  }
0x28: {  	[sflag:s29] =	ssyncset.done $0x0  }
0x29: {  	s12 =	simm.s32 $0x4DD0;
	[sflag:s29] =	ssyncadd.s32 $0xFFFFEC00  }
0x2a: {  	[spmem:s1] =	stream.indirect.scatter.add.f32 [tilespmem:s21], [sflag:$0x9], $0x40, s12, s18, $0xb8;
	[tilespmem:$0x1F7C0] =	vst v63  }
0x2b: {  	_ =	swait.ge [sflag:s15], $0x1400  }
0x2c: {  	[sflag:s15] =	ssyncset.done $0x0  }
0x2d: {  	s13 =	stileid.u32;
	[sflag:s15] =	ssyncadd.s32 $0xFFFFEC00  }
0x2e: {  	s4 =	sshll.u32 s13, $0x6;
	[bflag:$0x0] =	sbarrier.arrive $0xFFFF  }
0x2f: {  	s14 =	simm.s32 $0x10;
	s4 =	sor.u32 $0x1C09, s4;
	s5 =	rddreg [dreg:$0x5]  }
0x30: {  	[hbm:s5@s14], [sflag:s4] =	dma.strided [spmem:s24@s3], $0x1380, s28, $0x8   }
0x31: {  	_ =	swait.ge [sflag:s15], $0x1380  }
0x32: {  	s8 =	simm.s32 @!p0 $0x8;
	s7 =	simm.s32 @!p0 $0x10;
	[sflag:s15] =	ssyncset.done $0x0  }
0x33: {  	s5 =	simm.s32 @!p0 $0x1;
	s9 =	rddreg [dreg:$0x6];
	[sflag:s15] =	ssyncadd.s32 $0xFFFFEC80  }
0x34: {  	[hbm:s9@s7], [sflag:s4] =	dma.strided @!p0 [spmem:s25@s8], $0x80, s5, $0x8   }
0x35: {  	s4 =	simm.s32 @!p0 $0x9  }
0x36: {  	_ =	swait.ge @!p0 [sflag:s4], $0x80  }
0x37: {  	s2 =	sadd.s32 $0x1, s2;
	s16 =	rddreg [dreg:$0x7]  }
0x38: {  	p1 =	sne.s32 s2, s16  }
.Ltmp1:
0x39: {  	_ = 	snop;
	(pc) =	sbr.rel @!p1 .LBB2_7-.Ltmp1, $3  }
0x3a: {  	_ =	sdelay $0x1  }
0x3b: {  	[sflag:s4] =	ssyncset.done @!p0 $0x0  }
0x3c: {  	s9 =	simm.s32 $0x4E20;
	[sflag:s4] =	ssyncadd.s32 @!p0 $0xFFFFFF80  }
.LBB2_1:
0x3d: {  	s4 =	simm.s32 $0x0;
	s5 =	rddreg [dreg:$0x3]  }
0x3e: {  	[tilespmem:s4], [sflag:$0x9] =	stream.linear.gather [hbm4b:s5+s4], $0x4E20, $0x38;
	[tilespmem:$0x1F7C0] =	vst v63  }
0x3f: {  	_ =	swait.ge [sflag:s15], $0x4E20  }
0x40: {  	[sflag:s15] =	ssyncset.done $0x0  }
0x41: {  	s16 =	rddreg [dreg:$0x4];
	[sflag:s15] =	ssyncadd.s32 $0xFFFFB1E0  }
0x42: {  	[tilespmem:s9], [sflag:$0x9] =	stream.linear.gather [hbm4b:s16+s4], $0x4E20, $0x38;
	[tilespmem:$0x1F7C0] =	vst v63  }
0x43: {  	_ =	swait.ge [sflag:s15], $0x4E20  }
0x44: {  	[sflag:s15] =	ssyncset.done $0x0  }
0x45: {  	s5 =	simm.s32 $0x100;
	s4 =	simm.s32 $0x0;
	[sflag:s15] =	ssyncadd.s32 $0xFFFFB1E0  }
.LBB2_2:
0x46: {  	p1 =	sne.s32 s5, $0x7C00;
	[tilespmem:s4+$0x13C70] =	vst v0;
	s7 =	smov.u32 s5;
	s5 =	sadd.s32 $0x100, s5  }
.Ltmp2:
0x47: {  	[tilespmem:s4+$0x13C60] =	vst v0;
	(pc) =	sbr.rel @p1 .LBB2_2-.Ltmp2, $3  }
0x48: {  	[tilespmem:s4+$0x13C40] =	vst v0  }
0x49: {  	[tilespmem:s4+$0x13C50] =	vst v0;
	_ =	sdelay $0x1  }
0x4a: {  	s4 =	sshra.s32 s7, $0x2  }
0x4b: {  	[tilespmem:s4+$0x13C70] =	vst v0  }
0x4c: {  	[tilespmem:s4+$0x13C60] =	vst v0  }
0x4d: {  	[tilespmem:s4+$0x13C40] =	vst v0  }
0x4e: {  	[tilespmem:s4+$0x13C50] =	vst v0  }
0x4f: {  	[spmem:s10] =	stream.linear.scatter [tilespmem:s17], [sflag:$0x9], $0x1F40, $0x38;
	[tilespmem:$0x1F7C0] =	vst v63  }
0x50: {  	_ =	swait.ge [sflag:s15], $0x1F40  }
0x51: {  	[sflag:s15] =	ssyncset.done $0x0  }
0x52: {  	s13 =	rddreg [dreg:$0x8];
	[sflag:s15] =	ssyncadd.s32 $0xFFFFE0C0  }
0x53: {  	[spmem:s13] =	stream.linear.scatter [tilespmem:s17], [sflag:$0x9], $0x1F40, $0x38;
	[tilespmem:$0x1F7C0] =	vst v63  }
0x54: {  	_ =	swait.ge [sflag:s15], $0x1F40  }
0x55: {  	[sflag:s15] =	ssyncset.done $0x0  }
0x56: {  	s14 =	rddreg [dreg:$0x9];
	[sflag:s15] =	ssyncadd.s32 $0xFFFFE0C0  }
0x57: {  	[spmem:s14] =	stream.linear.scatter [tilespmem:s17], [sflag:$0x9], $0x1F40, $0x38;
	[tilespmem:$0x1F7C0] =	vst v63  }
0x58: {  	_ =	swait.ge [sflag:s15], $0x1F40  }
0x59: {  	[sflag:s15] =	ssyncset.done $0x0  }
0x5a: {  	s16 =	rddreg [dreg:$0xa];
	[sflag:s15] =	ssyncadd.s32 $0xFFFFE0C0  }
0x5b: {  	[spmem:s16] =	stream.linear.scatter [tilespmem:s17], [sflag:$0x9], $0x1F40, $0x38;
	[tilespmem:$0x1F7C0] =	vst v63  }
0x5c: {  	_ =	swait.ge [sflag:s15], $0x1F40  }
0x5d: {  	[sflag:s15] =	ssyncset.done $0x0  }
0x5e: {  	s5 =	rddreg [dreg:$0xb];
	[sflag:s15] =	ssyncadd.s32 $0xFFFFE0C0  }
0x5f: {  	[spmem:s5] =	stream.linear.scatter [tilespmem:s17], [sflag:$0x9], $0x1F40, $0x38;
	[tilespmem:$0x1F7C0] =	vst v63  }
0x60: {  	_ =	swait.ge [sflag:s15], $0x1F40  }
0x61: {  	[sflag:s15] =	ssyncset.done $0x0  }
0x62: {  	[sflag:s15] =	ssyncadd.s32 $0xFFFFE0C0  }
0x63: {  	[bflag:$0x0] =	sbarrier.arrive $0xFFFF  }
0x64: {  	[tilespmem:s19], [sflag:$0x1] =	stream.indirect.gather [hbm4b:s6+s18], $0x40, s9, s18, $0xb8;
	[tilespmem:$0x1F7C0] =	vst v63  }
0x65: {  	s7 =	simm.s32 $0x4E70  }
0x66: {  	[tilespmem:s21], [sflag:$0x2] =	stream.indirect.gather [hbm4b:s6+s18], $0x40, s7, s18, $0xb8;
	[tilespmem:$0x1F7C0] =	vst v63  }
0x67: {  	s8 =	simm.s32 $0x4EC0  }
0x68: {  	[tilespmem:s23], [sflag:$0x3] =	stream.indirect.gather [hbm4b:s6+s18], $0x40, s8, s18, $0xb8;
	[tilespmem:$0x1F7C0] =	vst v63  }
0x69: {  	s5 =	simm.s32 $0xD840;
	s9 =	simm.s32 $0x4F10  }
0x6a: {  	[tilespmem:s5], [sflag:$0x4] =	stream.indirect.gather [hbm4b:s6+s18], $0x40, s9, s18, $0xb8;
	[tilespmem:$0x1F7C0] =	vst v63  }
0x6b: {  	s11 =	simm.s32 $0x4F60  }
0x6c: {  	[tilespmem:s30], [sflag:$0x5] =	stream.indirect.gather [hbm4b:s6+s18], $0x40, s11, s18, $0xb8;
	[tilespmem:$0x1F7C0] =	vst v63  }
0x6d: {  	s12 =	simm.s32 $0x4FB0;
	s13 =	simm.s32 $0x10040  }
0x6e: {  	[tilespmem:s13], [sflag:$0x6] =	stream.indirect.gather [hbm4b:s6+s18], $0x40, s12, s18, $0xb8;
	[tilespmem:$0x1F7C0] =	vst v63  }
0x6f: {  	s14 =	simm.s32 $0x5000  }
0x70: {  	[tilespmem:s22], [sflag:$0x7] =	stream.indirect.gather [hbm4b:s6+s18], $0x40, s14, s18, $0xb8;
	[tilespmem:$0x1F7C0] =	vst v63  }
0x71: {  	s4 =	simm.s32 $0x0;
	s16 =	simm.s32 $0x5050  }
0x72: {  	[tilespmem:s26], [sflag:$0x8] =	stream.indirect.gather [hbm4b:s6+s18], $0x40, s16, s18, $0xb8;
	[tilespmem:$0x1F7C0] =	vst v63  }
.LBB2_4:
0x73: {  	_ =	swait.ge [sflag:s28], $0x1400  }
0x74: {  	[sflag:s28] =	ssyncset.done $0x0  }
0x75: {  	s5 =	sshra.s32 s4, $0x2;
	[sflag:s28] =	ssyncadd.s32 $0xFFFFEC00  }
0x76: {  	[spmem:s1] =	stream.indirect.scatter.add.f32 [tilespmem:s19], [sflag:$0x9], $0x40, s5, s18, $0xb8;
	[tilespmem:$0x1F7C0] =	vst v63  }
0x77: {  	_ =	swait.ge [sflag:s15], $0x1400  }
0x78: {  	[sflag:s15] =	ssyncset.done $0x0  }
0x79: {  	s7 =	sadd.s32 $0x50A0, s5;
	[sflag:s15] =	ssyncadd.s32 $0xFFFFEC00  }
0x7a: {  	[tilespmem:s19], [sflag:$0x1] =	stream.indirect.gather [hbm4b:s6+s18], $0x40, s7, s18, $0xb8;
	[tilespmem:$0x1F7C0] =	vst v63  }
0x7b: {  	_ =	swait.ge [sflag:s29], $0x1400  }
0x7c: {  	[sflag:s29] =	ssyncset.done $0x0  }
0x7d: {  	s12 =	sadd.s32 $0x50, s5;
	[sflag:s29] =	ssyncadd.s32 $0xFFFFEC00  }
0x7e: {  	[spmem:s1] =	stream.indirect.scatter.add.f32 [tilespmem:s21], [sflag:$0x9], $0x40, s12, s18, $0xb8;
	[tilespmem:$0x1F7C0] =	vst v63  }
0x7f: {  	_ =	swait.ge [sflag:s15], $0x1400  }
0x80: {  	[sflag:s15] =	ssyncset.done $0x0  }
0x81: {  	s13 =	sadd.s32 $0x50F0, s5;
	[sflag:s15] =	ssyncadd.s32 $0xFFFFEC00  }
0x82: {  	[tilespmem:s21], [sflag:$0x2] =	stream.indirect.gather [hbm4b:s6+s18], $0x40, s13, s18, $0xb8;
	[tilespmem:$0x1F7C0] =	vst v63  }
0x83: {  	_ =	swait.ge [sflag:s31], $0x1400  }
0x84: {  	[sflag:s31] =	ssyncset.done $0x0  }
0x85: {  	s14 =	sadd.s32 $0xA0, s5;
	[sflag:s31] =	ssyncadd.s32 $0xFFFFEC00  }
0x86: {  	[spmem:s1] =	stream.indirect.scatter.add.f32 [tilespmem:s23], [sflag:$0x9], $0x40, s14, s18, $0xb8;
	[tilespmem:$0x1F7C0] =	vst v63  }
0x87: {  	_ =	swait.ge [sflag:s15], $0x1400  }
0x88: {  	p1 =	seq.s32 s4, $0x12C00;
	[sflag:s15] =	ssyncset.done $0x0  }
0x89: {  	s7 =	simm.s32 @p1 $0x4;
	[sflag:s15] =	ssyncadd.s32 $0xFFFFEC00  }
0x8a: {  	_ =	swait.ge @p1 [sflag:s7], $0x1400  }
0x8b: {  	[sflag:s7] =	ssyncset.done @p1 $0x0  }
0x8c: {  	[sflag:s7] =	ssyncadd.s32 @p1 $0xFFFFEC00;
	s7 =	sshra.s32 @p1 s4, $0x2  }
0x8d: {  	s9 =	simm.s32 @p1 $0x50;
	s11 =	simm.s32 @p1 $0xD840;
	s8 =	sadd.s32 @p1 $0xF0, s7  }
0x8e: {  	[spmem:s1] =	stream.indirect.scatter.add.f32 @p1 [tilespmem:s11], [sflag:$0x9], $0x40, s8, s9, $0xb8;
	[tilespmem:$0x1F7C0] =	vst v63  }
0x8f: {  	s8 =	simm.s32 @p1 $0x9  }
0x90: {  	_ =	swait.ge @p1 [sflag:s8], $0x1400  }
0x91: {  	s12 =	simm.s32 @!p1 $0x50;
	s11 =	sshra.s32 @!p1 s4, $0x2;
	[sflag:s8] =	ssyncset.done @p1 $0x0  }
0x92: {  	s13 =	simm.s32 @!p1 $0xC440;
	s16 =	sadd.s32 @!p1 $0x5140, s11;
	[sflag:s8] =	ssyncadd.s32 @p1 $0xFFFFEC00  }
0x93: {  	[tilespmem:s13], [sflag:$0x3] =	stream.indirect.gather @!p1 [hbm4b:s6+s12], $0x40, s16, s12, $0xb8;
	[tilespmem:$0x1F7C0] =	vst v63  }
0x94: {  	s13 =	simm.s32 @!p1 $0x4  }
0x95: {  	_ =	swait.ge @!p1 [sflag:s13], $0x1400  }
0x96: {  	[sflag:s13] =	ssyncset.done @!p1 $0x0  }
0x97: {  	s16 =	simm.s32 @!p1 $0xD840;
	[sflag:s13] =	ssyncadd.s32 @!p1 $0xFFFFEC00;
	s13 =	sadd.s32 @!p1 $0xF0, s11  }
0x98: {  	[spmem:s1] =	stream.indirect.scatter.add.f32 @!p1 [tilespmem:s16], [sflag:$0x9], $0x40, s13, s12, $0xb8;
	[tilespmem:$0x1F7C0] =	vst v63  }
0x99: {  	s13 =	simm.s32 @!p1 $0x9  }
0x9a: {  	_ =	swait.ge @!p1 [sflag:s13], $0x1400  }
0x9b: {  	[sflag:s13] =	ssyncset.done @!p1 $0x0  }
0x9c: {  	s14 =	sadd.s32 @!p1 $0x5190, s11;
	[sflag:s13] =	ssyncadd.s32 @!p1 $0xFFFFEC00  }
0x9d: {  	[tilespmem:s16], [sflag:$0x4] =	stream.indirect.gather @!p1 [hbm4b:s6+s12], $0x40, s14, s12, $0xb8;
	[tilespmem:$0x1F7C0] =	vst v63  }
0x9e: {  	_ =	swait.ge [sflag:s0], $0x1400  }
0x9f: {  	[sflag:s0] =	ssyncset.done $0x0  }
0xa0: {  	s16 =	sadd.s32 $0x140, s5;
	[sflag:s0] =	ssyncadd.s32 $0xFFFFEC00  }
0xa1: {  	[spmem:s1] =	stream.indirect.scatter.add.f32 [tilespmem:s30], [sflag:$0x9], $0x40, s16, s18, $0xb8;
	[tilespmem:$0x1F7C0] =	vst v63  }
0xa2: {  	_ =	swait.ge [sflag:s15], $0x1400  }
0xa3: {  	[sflag:s15] =	ssyncset.done $0x0  }
0xa4: {  	s14 =	simm.s32 @p1 $0x6;
	[sflag:s15] =	ssyncadd.s32 $0xFFFFEC00  }
0xa5: {  	_ =	swait.ge @p1 [sflag:s14], $0x1400  }
0xa6: {  	[sflag:s14] =	ssyncset.done @p1 $0x0  }
0xa7: {  	s7 =	sadd.s32 @p1 $0x190, s7;
	[sflag:s14] =	ssyncadd.s32 @p1 $0xFFFFEC00;
	s14 =	simm.s32 @p1 $0x10040  }
0xa8: {  	[spmem:s1] =	stream.indirect.scatter.add.f32 @p1 [tilespmem:s14], [sflag:$0x9], $0x40, s7, s9, $0xb8;
	[tilespmem:$0x1F7C0] =	vst v63  }
0xa9: {  	_ =	swait.ge @p1 [sflag:s8], $0x1400  }
0xaa: {  	[sflag:s8] =	ssyncset.done @p1 $0x0  }
0xab: {  	s7 =	sadd.s32 @!p1 $0x51E0, s11;
	[sflag:s8] =	ssyncadd.s32 @p1 $0xFFFFEC00;
	s8 =	simm.s32 @!p1 $0xEC40  }
0xac: {  	[tilespmem:s8], [sflag:$0x5] =	stream.indirect.gather @!p1 [hbm4b:s6+s12], $0x40, s7, s12, $0xb8;
	[tilespmem:$0x1F7C0] =	vst v63  }
0xad: {  	s7 =	simm.s32 @!p1 $0x6  }
0xae: {  	_ =	swait.ge @!p1 [sflag:s7], $0x1400  }
0xaf: {  	[sflag:s7] =	ssyncset.done @!p1 $0x0  }
0xb0: {  	s8 =	simm.s32 @!p1 $0x10040;
	[sflag:s7] =	ssyncadd.s32 @!p1 $0xFFFFEC00;
	s7 =	sadd.s32 @!p1 $0x190, s11  }
0xb1: {  	[spmem:s1] =	stream.indirect.scatter.add.f32 @!p1 [tilespmem:s8], [sflag:$0x9], $0x40, s7, s12, $0xb8;
	[tilespmem:$0x1F7C0] =	vst v63  }
0xb2: {  	_ =	swait.ge @!p1 [sflag:s13], $0x1400  }
0xb3: {  	[sflag:s13] =	ssyncset.done @!p1 $0x0  }
0xb4: {  	s7 =	sadd.s32 @!p1 $0x5230, s11;
	[sflag:s13] =	ssyncadd.s32 @!p1 $0xFFFFEC00  }
0xb5: {  	[tilespmem:s8], [sflag:$0x6] =	stream.indirect.gather @!p1 [hbm4b:s6+s12], $0x40, s7, s12, $0xb8;
	[tilespmem:$0x1F7C0] =	vst v63  }
0xb6: {  	_ =	swait.ge [sflag:s20], $0x1400  }
0xb7: {  	[sflag:s20] =	ssyncset.done $0x0  }
.Ltmp3:
0xb8: {  	s16 =	sadd.s32 $0x1E0, s5;
	[sflag:s20] =	ssyncadd.s32 $0xFFFFEC00;
	(pc) =	sbr.rel @p1 .LBB2_6-.Ltmp3, $4  }
0xb9: {  	[spmem:s1] =	stream.indirect.scatter.add.f32 [tilespmem:s22], [sflag:$0x9], $0x40, s16, s18, $0xb8;
	[tilespmem:$0x1F7C0] =	vst v63  }
0xba: {  	_ =	swait.ge [sflag:s15], $0x1400  }
0xbb: {  	[sflag:s15] =	ssyncset.done $0x0  }
0xbc: {  	s7 =	sadd.s32 $0x230, s5;
	[sflag:s15] =	ssyncadd.s32 $0xFFFFEC00  }
0xbd: {  	s8 =	sadd.s32 $0x5280, s5  }
0xbe: {  	[tilespmem:s22], [sflag:$0x7] =	stream.indirect.gather [hbm4b:s6+s18], $0x40, s8, s18, $0xb8;
	[tilespmem:$0x1F7C0] =	vst v63  }
0xbf: {  	_ =	swait.ge [sflag:s3], $0x1400  }
0xc0: {  	[sflag:s3] =	ssyncset.done $0x0  }
0xc1: {  	[sflag:s3] =	ssyncadd.s32 $0xFFFFEC00  }
0xc2: {  	[spmem:s1] =	stream.indirect.scatter.add.f32 [tilespmem:s26], [sflag:$0x9], $0x40, s7, s18, $0xb8;
	[tilespmem:$0x1F7C0] =	vst v63  }
.Ltmp4:
0xc3: {  	_ = 	snop;
	(pc) =	sbr.rel .LBB2_4-.Ltmp4, $4  }
0xc4: {  	_ =	swait.ge [sflag:s15], $0x1400  }
0xc5: {  	[sflag:s15] =	ssyncset.done $0x0  }
0xc6: {  	s16 =	sadd.s32 $0x52D0, s5;
	s4 =	sadd.s32 $0xA00, s4;
	[sflag:s15] =	ssyncadd.s32 $0xFFFFEC00  }
0xc7: {  	[tilespmem:s26], [sflag:$0x8] =	stream.indirect.gather [hbm4b:s6+s18], $0x40, s16, s18, $0xb8;
	[tilespmem:$0x1F7C0] =	vst v63  }
.LBB2_7:
0xc8: {  	_ =	sfence.sel $0x180000  }
0xc9: {  	[bflag:$0x0] =	sbarrier.arrive $0xFFFF  }
0xca: {  	_ =	strace $0x9000004D  }
0xcb: {  	[bflag:$0x2] =	sbarrier.arrive $0xFFFF  }
0xcc: {  	s0 =	rddreg [dreg:$0x2]  }
0xcd: {  	s0 =	sadd.s32 @!p0 $0x100000, s0  }
0xce: {  	[sflag:s0] =	ssyncadd.tile.s32 @!p0 $0x1;
	_ =	shalt  }
.Lfunc_end2:
_tile_overlayer_lowered:
.L_overlay_start_2:
0xcf: {  	(tag) =	ssettag $0x2  }
0xd0: {  	s0 =	rddreg [dreg:$0x0];
	s2 =	stileid.u32  }
0xd1: {  	s1 =	rddreg [dreg:$0x1];
	p0 =	sne.s32 s2, $0x0  }
0xd2: {  	s3 =	rddreg [dreg:$0x2];
	[bflag:$0x3] =	sbarrier.arrive $0xFFFF;
	s2 =	simm.s32 @!p0 $0x1C09  }
0xd3: {  	[timem:s3], [sflag:s2] =	dma.local @!p0 [hbm:s0], s1  }
0xd4: {  	s0 =	simm.s32 @!p0 $0x9  }
0xd5: {  	_ =	swait.ge @!p0 [sflag:s0], s1  }
0xd6: {  	s1 =	ssub.s32 @!p0 $0x0, s1;
	[sflag:s0] =	ssyncset.done @!p0 $0x0  }
0xd7: {  	[sflag:s0] =	ssyncadd.s32 @!p0 s1  }
0xd8: {  	[bflag:$0x3] =	sbarrier.arrive $0xFFFF  }
0xd9: {  	_ =	shalt  }

// kernel: kernel.8.cloned.1.call-start
scs
__scs_entry_jumppad:
0x0: {  	(pc) =	sbr.rel $0x88, $3  }
0x1: {  	(tag) =	ssettag $0x0;
	lr =	simm.s32 $0x1  }
0x2: {  	[smem:$0x3F97] =	sst lr;
	_ =	strace $0xD0000000  }
0x3: {  	_ = 	snop  }
0x4: {  	_ = 	snop  }
0x5: {  	_ = 	snop  }
0x6: {  	_ = 	snop  }
0x7: {  	_ = 	snop  }
__scs_overlays_trampoline_lowered:
0x8: {  	[smem:$0x3FA6] =	sst s0  }
0x9: {  	[smem:$0x3FA7] =	sst s1  }
0xa: {  	[smem:$0x3FA8] =	sst s2  }
0xb: {  	[smem:$0x3FA9] =	sst s3  }
0xc: {  	[smem:$0x3FAA] =	sst s4  }
0xd: {  	[smem:$0x3FAB] =	sst s5  }
0xe: {  	[smem:$0x3FAC] =	sst s6  }
0xf: {  	[smem:$0x3FAD] =	sst s7  }
0x10: {  	[smem:$0x3FAE] =	sst s8  }
0x11: {  	[smem:$0x3FAF] =	sst s9;
	s0 =	simm.s32 @!p0 $0x0  }
0x12: {  	s1 =	sld [smem:$0x3F95];
	s0 =	simm.s32 @p0 $0x1  }
0x13: {  	[smem:$0x3FB0] =	sst s0;
	s0 =	simm.s32 @!p1 $0x0  }
0x14: {  	s2 =	sld [smem:$0x3F94];
	s0 =	simm.s32 @p1 $0x1  }
0x15: {  	[smem:$0x3FB1] =	sst s0;
	s0 =	simm.s32 @!p2 $0x0  }
0x16: {  	s3 =	sld [smem:$0x3FDB];
	s0 =	simm.s32 @p2 $0x1  }
0x17: {  	s4 =	simm.s32 $0x1BF5;
	[smem:$0x3FB3] =	sst s0  }
0x18: {  	s0 =	sld [smem:$0x3F96];
	_ =	swait.ge [sflag:s4], $0x0  }
0x19: {  	s7 =	sld [smem:$0x3F97]  }
0x1a: {  	s8 =	sadd.s32 $0xFFFFE003, lr  }
0x1b: {  	s9 =	sadd.s32 $0xFFFFFEF7, lr;
	s5 =	simm.s32 $0xFFFFFFFF;
	p2 =	slt.u32 s8, $0xFFFFF086  }
0x1c: {  	p1 =	slt.u32 s9, $0xF7A;
	s5 =	simm.s32 @!p2 $0x0  }
0x1d: {  	s5 =	simm.s32 @p1 $0x1;
	p0 =	seq.s32 s7, s2  }
0x1e: {  	s7 =	smul.u32 @!p0 $0xF7A, s2;
	p2 =	seq.s32 @!p0 s5, $0x0  }
0x1f: {  	s9 =	smul.u32 $0xF7A, s1;
	s8 =	simm.s32 @!p0 $0x1BF5;
	p2 =	por !p2, p0  }
0x20: {  	[sflag:s8] =	ssyncset.s32 @!p0 $0xFFFFF086;
	s6 =	sadd.s32 @!p0 s3, s7;
	s7 =	simm.s32 @!p0 $0x108  }
0x21: {  	s3 =	sadd.s32 s3, s9;
	s6 =	sadd.s32 @!p0 $0x88, s6;
	s7 =	simm.s32 @p2 $0x1082  }
0x22: {  	[simem:s7], [sflag:s8] =	dma.local @!p0 [hbm:s6], $0xF7A  }
0x23: {  	s9 =	sor.u32 $0xD0000000, s2;
	s6 =	simm.s32 $0x108;
	_ =	swait.ge @!p0 [sflag:s8], $0x0  }
0x24: {  	s3 =	sadd.s32 $0x88, s3;
	s6 =	simm.s32 @!p1 $0x1082;
	[sflag:s4] =	ssyncset.s32 $0xFFFFF086  }
0x25: {  	[simem:s6], [sflag:s4] =	dma.local [hbm:s3], $0xF7A  }
0x26: {  	[smem:$0x3F97] =	sst s1;
	(tag) =	ssettag s2;
	_ =	strace s9  }
0x27: {  	s1 =	sld [smem:$0x3FA7]  }
0x28: {  	s2 =	sld [smem:$0x3FA8]  }
0x29: {  	s4 =	sld [smem:$0x3FAA]  }
0x2a: {  	p0 =	seq.s32 s5, $0x0;
	s5 =	sld [smem:$0x3FAB]  }
0x2b: {  	s6 =	sld [smem:$0x3FAC]  }
0x2c: {  	s7 =	sld [smem:$0x3FAD]  }
0x2d: {  	s3 =	simm.s32 $0x108;
	s8 =	sld [smem:$0x3FAE]  }
0x2e: {  	s3 =	simm.s32 @!p0 $0x1082;
	s9 =	sld [smem:$0x3FAF]  }
0x2f: {  	lr =	sadd.s32 s0, s3;
	s0 =	sld [smem:$0x3FA6]  }
0x30: {  	s3 =	sld [smem:$0x3FA9]  }
0x31: {  	[smem:$0x3FB2] =	sst s10  }
0x32: {  	s10 =	sld [smem:$0x3FB0];
	_ =	sdelay $0x3  }
0x33: {  	p0 =	seq.s32 s10, $0x1;
	s10 =	sld [smem:$0x3FB2];
	_ =	sdelay $0x3  }
0x34: {  	[smem:$0x3FB2] =	sst s10  }
0x35: {  	s10 =	sld [smem:$0x3FB1];
	_ =	sdelay $0x3  }
0x36: {  	p1 =	seq.s32 s10, $0x1;
	s10 =	sld [smem:$0x3FB2];
	_ =	sdelay $0x3  }
0x37: {  	[smem:$0x3FB2] =	sst s10  }
0x38: {  	s10 =	sld [smem:$0x3FB3]  }
0x39: {  	_ = 	snop;
	(pc) =	sbr.ind lr, $3  }
0x3a: {  	_ = 	snop  }
0x3b: {  	_ = 	snop  }
0x3c: {  	p2 =	seq.s32 s10, $0x1;
	s10 =	sld [smem:$0x3FB2]  }
0x3d: {  	_ =	shalt  }
0x3e: {  	_ =	shalt  }
0x3f: {  	_ =	shalt  }
0x40: {  	_ =	shalt  }
0x41: {  	_ =	shalt  }
0x42: {  	_ =	shalt  }
0x43: {  	_ =	shalt  }
0x44: {  	_ =	shalt  }
0x45: {  	_ =	shalt  }
0x46: {  	_ =	shalt  }
0x47: {  	_ =	shalt  }
0x48: {  	_ =	shalt  }
0x49: {  	_ =	shalt  }
0x4a: {  	_ =	shalt  }
0x4b: {  	_ =	shalt  }
0x4c: {  	_ =	shalt  }
0x4d: {  	_ =	shalt  }
0x4e: {  	_ =	shalt  }
0x4f: {  	_ =	shalt  }
0x50: {  	_ =	shalt  }
0x51: {  	_ =	shalt  }
0x52: {  	_ =	shalt  }
0x53: {  	_ =	shalt  }
0x54: {  	_ =	shalt  }
0x55: {  	_ =	shalt  }
0x56: {  	_ =	shalt  }
0x57: {  	_ =	shalt  }
0x58: {  	_ =	shalt  }
0x59: {  	_ =	shalt  }
0x5a: {  	_ =	shalt  }
0x5b: {  	_ =	shalt  }
0x5c: {  	_ =	shalt  }
0x5d: {  	_ =	shalt  }
0x5e: {  	_ =	shalt  }
0x5f: {  	_ =	shalt  }
0x60: {  	_ =	shalt  }
0x61: {  	_ =	shalt  }
0x62: {  	_ =	shalt  }
0x63: {  	_ =	shalt  }
0x64: {  	_ =	shalt  }
0x65: {  	_ =	shalt  }
0x66: {  	_ =	shalt  }
0x67: {  	_ =	shalt  }
0x68: {  	_ =	shalt  }
0x69: {  	_ =	shalt  }
0x6a: {  	_ =	shalt  }
0x6b: {  	_ =	shalt  }
0x6c: {  	_ =	shalt  }
0x6d: {  	_ =	shalt  }
0x6e: {  	_ =	shalt  }
0x6f: {  	_ =	shalt  }
0x70: {  	_ =	shalt  }
0x71: {  	_ =	shalt  }
0x72: {  	_ =	shalt  }
0x73: {  	_ =	shalt  }
0x74: {  	_ =	shalt  }
0x75: {  	_ =	shalt  }
0x76: {  	_ =	shalt  }
0x77: {  	_ =	shalt  }
0x78: {  	_ =	shalt  }
0x79: {  	_ =	shalt  }
0x7a: {  	_ =	shalt  }
0x7b: {  	_ =	shalt  }
0x7c: {  	_ =	shalt  }
0x7d: {  	_ =	shalt  }
0x7e: {  	_ =	shalt  }
0x7f: {  	_ =	shalt  }
0x80: {  	_ =	shalt  }
0x81: {  	_ =	shalt  }
0x82: {  	_ =	shalt  }
0x83: {  	_ =	shalt  }
0x84: {  	_ =	shalt  }
0x85: {  	_ =	shalt  }
0x86: {  	_ =	shalt  }
0x87: {  	_ =	shalt  }
.Lfunc_end0:
.L_simem_size_0:
called_computation_lowered:
.L_overlay_start_0:
0x88: {  	s2 =	sld [smem:$0x3FD9]  }
0x89: {  	s3 =	sld [smem:$0x3FFE];
	_ =	sdelay $0x1  }
0x8a: {  	s1 =	srdreg.scid  }
0x8b: {  	s0 =	sand.u32 $0x1, s1  }
0x8c: {  	s17 =	sshll.u32 s0, $0xA;
	s2 =	sadd.s32 s3, s2  }
0x8d: {  	s2 =	sadd.s32 s2, s17  }
0x8e: {  	[smem:$0x3FBE] =	sst s2  }
0x8f: {  	_ = 	snop  }
0x90: {  	s2 =	sld [smem:$0x3FC8]  }
0x91: {  	s18 =	sld [smem:$0x3FD0];
	(tm) =	ssettm $0x1  }
0x92: {  	s4 =	sld [smem:$0x3FFB];
	_ =	sdelay $0x3  }
0x93: {  	_ =	strace s4  }
0x94: {  	s4 =	sld [smem:$0x3FFC];
	_ =	sdelay $0x3  }
0x95: {  	_ =	strace s4  }
0x96: {  	s4 =	sld [smem:$0x3FFD];
	_ =	sdelay $0x3  }
0x97: {  	_ =	strace s4  }
0x98: {  	_ =	strace $0x8FFFFFFF  }
0x99: {  	s19 =	sld [smem:$0x3FDB];
	_ =	sdelay $0x1  }
0x9a: {  	s5 =	simm.s32 $_scs_section_size  }
0x9b: {  	s6 =	simm.s32 $_size__tile_overlayer_lowered;
	s7 =	simm.s32 $_tile_overlayer_lowered  }
0x9c: {  	s22 =	simm.s32 $0x1BFF;
	s21 =	sshll.u32 s7, $0x1;
	s4 =	sadd.s32 s5, s19  }
0x9d: {  	s8 =	simm.s32 $0x0;
	s20 =	sshll.u32 s6, $0x1;
	s6 =	sadd.s32 s21, s4  }
0x9e: {  	[timem:s8], [sflag:s22] =	dma.local [hbm:s6], s20  }
0x9f: {  	_ =	swait.ge [sflag:s22], s20  }
0xa0: {  	s5 =	ssub.s32 $0x0, s20;
	[sflag:s22] =	ssyncset.done $0x0  }
0xa1: {  	[sflag:s22] =	ssyncadd.s32 s5;
	_ =	sdelay $0x1  }
0xa2: {  	s23 =	simm.s32 $0x1B8B  }
0xa3: {  	_ =	swait.ge [sflag:s23], $0x1  }
0xa4: {  	[sflag:s23] =	ssyncset.done $0x0  }
0xa5: {  	s25 =	simm.s32 $0x1B8E;
	s24 =	sld [smem:$0x3FFE];
	[sflag:s23] =	ssyncadd.s32 $0xFFFFFFFF  }
0xa6: {  	s26 =	simm.s32 $execute0_lowered;
	[smem:$0x3FD2] =	sst s25  }
0xa7: {  	s6 =	sshll.u32 s26, $0x1;
	_ =	strace $0x80000046;
	[dreg:$0x1] =	wrdreg $0xFFFFFFFF  }
0xa8: {  	s28 =	simm.s32 $_size_execute0_lowered;
	s4 =	sadd.s32 s4, s6;
	[dreg:$0x0] =	wrdreg $0x0  }
0xa9: {  	s6 =	sshll.u32 s28, $0x1;
	[dreg:$0x2] =	wrdreg s4  }
0xaa: {  	[dreg:$0x3] =	wrdreg s6  }
0xab: {  	[dreg:$0x4] =	wrdreg $0xC0  }
0xac: {  	_ =	task [dreg:s8], $0x5FFFF  }
0xad: {  	[dreg:$0x1] =	wrdreg $0xFFFFFFFF  }
0xae: {  	[dreg:$0x0] =	wrdreg $0x60  }
0xaf: {  	[dreg:$0x2] =	wrdreg s2  }
0xb0: {  	[dreg:$0x3] =	wrdreg s18  }
0xb1: {  	[dreg:$0x4] =	wrdreg s24  }
0xb2: {  	[dreg:$0x5] =	wrdreg $0x9  }
0xb3: {  	_ =	task.clear_ibuf [dreg:s8], $0x6FFFF;
	_ =	strace $0x90000046  }
0xb4: {  	s29 =	simm.s32 $0x9;
	_ =	strace $0x80000048  }
0xb5: {  	_ =	swait.ge [sflag:s29], $0x1  }
0xb6: {  	[sflag:s29] =	ssyncadd.s32 $0xFFFFFFFF  }
0xb7: {  	_ =	strace $0x90000048  }
0xb8: {  	_ =	sfence  }
0xb9: {  	s30 =	sld [smem:$0x0];
	_ =	sdelay $0x2  }
0xba: {  	s31 =	sshll.u32 s1, $0xD;
	s1 =	sshrl.u32 s1, $0x2  }
0xbb: {  	s3 =	sand.u32 $0x4000, s31;
	s1 =	sadd.s32 s1, s30  }
0xbc: {  	s0 =	sor.u32 s3, s0;
	s1 =	sshll.u32 s1, $0x11  }
0xbd: {  	s0 =	sor.u32 s1, s0  }
0xbe: {  	s0 =	sadd.s32 $0x8F2B, s0  }
0xbf: {  	[sflag:s0] =	ssyncadd.remote.s32 $0x1  }
0xc0: {  	_ =	sfence.sel $0xFFFF  }
0xc1: {  	[dreg:$0x0] =	wrdreg $0xFFFFFFFF;
	(pc) =	sbr.abs _section_cstart, $3  }
0xc2: {  	[dreg:$0x1] =	wrdreg $0xFFFFFFFF  }
0xc3: {  	_ =	task.clear_ibuf [dreg:s8], $0x2FFFF;
	_ =	strace $0x9FFFFFFF  }
0xc4: {  	(tm) =	ssettm $0x7FFFFFFF  }
0xc5: {  	_ =	shalt  }
tec
execute0_lowered:
.L_overlay_start_1:
0x0: {  	(tag) =	ssettag $0x1  }
0x1: {  	s8 =	rddreg [dreg:$0x0]  }
0x2: {  	s1 =	srdreg.scid;
	s11 =	rddreg [dreg:$0x1]  }
0x3: {  	s0 =	stileid.u32;
	s10 =	rddreg [dreg:$0x2];
	s2 =	simm.s32 $0x0  }
0x4: {  	s14 =	simm.s32 $0x100;
	s15 =	simm.s32 $0x1;
	s16 =	simm.s32 $0x2700  }
0x5: {  	s17 =	simm.s32 $0x5200;
	s19 =	simm.s32 $0x5000;
	s20 =	simm.s32 $0x400  }
0x6: {  	s3 =	sand.u32 $0x1, s1;
	s29 =	sshll.u32 s0, $0x1;
	s31 =	sshrl.u32 s0, $0x2  }
0x7: {  	s1 =	rddreg [dreg:$0x3];
	s18 =	sor.u32 s3, s29;
	s9 =	smul.u32 $0x13C00, s31  }
0x8: {  	s21 =	simm.s32 $0x0;
	[smem:$0x7FF] =	sst s2;
	s4 =	smul.u32 $0x4E0, s18  }
0x9: {  	s3 =	ssub.s32 $0x2, s3;
	_ =	strace $0x80000047;
	s5 =	smul.u32 $0x9C0, s18  }
0xa: {  	s30 =	sshrl.u32 s3, $0x1;
	s7 =	sshll.u32 s18, $0x7;
	p0 =	sne.s32 s18, $0x0  }
0xb: {  	s18 =	simm.s32 $0x4E00;
	s12 =	ssub.s32 s3, s30;
	s13 =	sand.u32 $0x380, s7  }
.Ltmp0:
0xc: {  	s7 =	sadd.s32 $0x13800, s8;
	s6 =	sadd.s32 s4, s10;
	(pc) =	sbr.rel .LBB2_1-.Ltmp0, $4  }
0xd: {  	s3 =	sadd.s32 s8, s5;
	s8 =	sadd.s32 $0x13810, s8;
	s13 =	sor.u32 s9, s13  }
0xe: {  	s9 =	sadd.s32 $0xC600, s10;
	s10 =	sadd.s32 $0x16400, s10;
	s12 =	smax.u32 s12, $0x1  }
0xf: {  	s4 =	sadd.s32 $0x10, s3;
	s5 =	sadd.s32 $0x2A00, s6;
	s13 =	sshrl.u32 s13, $0x3  }
0x10: {  	v0 =	vimm.f32 $0.0e+00;
	v1 =	vimm.f32 $1.000000000e+00;
	s6 =	sadd.s32 $0xC800, s6;
	s11 =	sadd.s32 s11, s13;
	s13 =	simm.s32 $0x80  }
.LBB2_7:
0x11: {  	s21 =	sadd.s32 $0x1, s21  }
0x12: {  	p1 =	sne.s32 s21, s12  }
.Ltmp1:
0x13: {  	_ = 	snop;
	(pc) =	sbr.rel @!p1 .LBB2_8-.Ltmp1, $4  }
0x14: {  	[hbm4b:s11+s13] =	stream.strided.scatter [tilespmem:s17], [sflag:$0x1], $0x2780, s20, s13, $0x38;
	[tilespmem:$0x7980] =	vst v63  }
0x15: {  	_ =	swait.ge [sflag:s15], $0x2780  }
0x16: {  	[sflag:s15] =	ssyncset.done $0x0  }
0x17: {  	[sflag:s15] =	ssyncadd.s32 $0xFFFFD880  }
.LBB2_1:
0x18: {  	[tilespmem:s2], [sflag:$0x1] =	stream.strided.gather [hbm4b:s3+s13], $0x2700, s14, s13, $0x38;
	[tilespmem:$0x7980] =	vst v63  }
0x19: {  	_ =	swait.ge [sflag:s15], $0x2700  }
0x1a: {  	[sflag:s15] =	ssyncset.done $0x0  }
0x1b: {  	[sflag:s15] =	ssyncadd.s32 $0xFFFFD900  }
0x1c: {  	[tilespmem:s16], [sflag:$0x1] =	stream.strided.gather [hbm4b:s4+s13], $0x2700, s14, s13, $0x38;
	[tilespmem:$0x7980] =	vst v63  }
0x1d: {  	_ =	swait.ge [sflag:s15], $0x2700  }
0x1e: {  	[sflag:s15] =	ssyncset.done $0x0  }
0x1f: {  	s22 =	simm.s32 $0x0;
	[sflag:s15] =	ssyncadd.s32 $0xFFFFD900  }
.LBB2_2:
0x20: {  	p1 =	sne.s32 s22, $0x9C00  }
.Ltmp2:
0x21: {  	_ = 	snop;
	(pc) =	sbr.rel @p1 .LBB2_2-.Ltmp2, $3  }
0x22: {  	_ =	sdelay $0x1  }
0x23: {  	s23 =	sshra.s32 s22, $0x2  }
0x24: {  	s22 =	sadd.s32 $0x40, s22;
	[tilespmem:s23+$0x5200] =	vst v0  }
0x25: {  	s23 =	simm.s32 $0x0;
	s22 =	simm.s32 $0x40  }
.LBB2_4:
0x26: {  	p1 =	sne.s32 s22, $0x9BC0;
	v2 =	vld [tilespmem:s23+$0x0];
	_ =	sdelay $0x3  }
.Ltmp3:
0x27: {  	(pc) =	sbr.rel @p1 .LBB2_4-.Ltmp3, $2  }
0x28: {  	_ =	sdelay $0x2  }
0x29: {  	s23 =	sshra.s32 s22, $0x2;
	s22 =	sadd.s32 $0x40, s22;
	[tilespmem:v2+s17+$0x0] =	vst.idx.add.f32.msk $0xffff, v1  }
0x2a: {  	v2 =	vld [tilespmem:s23+$0x0];
	_ =	sdelay $0x7  }
0x2b: {  	[tilespmem:v2+s17+$0x0] =	vst.idx.add.f32.msk $0xffff, v1  }
0x2c: {  	[hbm4b:s5+s2] =	stream.linear.scatter [tilespmem:s2], [sflag:$0x1], $0x2700, $0x38;
	[tilespmem:$0x7980] =	vst v63  }
0x2d: {  	_ =	swait.ge [sflag:s15], $0x2700  }
0x2e: {  	[sflag:s15] =	ssyncset.done $0x0  }
.Ltmp4:
0x2f: {  	[sflag:s15] =	ssyncadd.s32 $0xFFFFD900;
	(pc) =	sbr.rel @p0 .LBB2_7-.Ltmp4, $4  }
0x30: {  	[hbm4b:s6+s2] =	stream.linear.scatter [tilespmem:s16], [sflag:$0x1], $0x2700, $0x38;
	[tilespmem:$0x7980] =	vst v63  }
0x31: {  	_ =	swait.ge [sflag:s15], $0x2700  }
0x32: {  	[sflag:s15] =	ssyncset.done $0x0  }
0x33: {  	[sflag:s15] =	ssyncadd.s32 $0xFFFFD900  }
0x34: {  	[tilespmem:s18], [sflag:$0x1] =	stream.strided.gather [hbm4b:s7+s13], $0x200, s14, s13, $0x38;
	[tilespmem:$0x7980] =	vst v63  }
0x35: {  	_ =	swait.ge [sflag:s15], $0x200  }
0x36: {  	[sflag:s15] =	ssyncset.done $0x0  }
0x37: {  	[sflag:s15] =	ssyncadd.s32 $0xFFFFFE00  }
0x38: {  	[tilespmem:s19], [sflag:$0x1] =	stream.strided.gather [hbm4b:s8+s13], $0x200, s14, s13, $0x38;
	[tilespmem:$0x7980] =	vst v63  }
0x39: {  	_ =	swait.ge [sflag:s15], $0x200  }
0x3a: {  	[sflag:s15] =	ssyncset.done $0x0  }
0x3b: {  	[sflag:s15] =	ssyncadd.s32 $0xFFFFFE00  }
0x3c: {  	v2 =	vld [tilespmem:$0x4E00];
	_ =	sdelay $0x7  }
0x3d: {  	[tilespmem:v2+s17+$0x0] =	vst.idx.add.f32.msk $0xffff, v1  }
0x3e: {  	v2 =	vld [tilespmem:$0x4E10];
	_ =	sdelay $0x7  }
0x3f: {  	[tilespmem:v2+s17+$0x0] =	vst.idx.add.f32.msk $0xffff, v1  }
0x40: {  	v2 =	vld [tilespmem:$0x4E20];
	_ =	sdelay $0x7  }
0x41: {  	[tilespmem:v2+s17+$0x0] =	vst.idx.add.f32.msk $0xffff, v1  }
0x42: {  	v2 =	vld [tilespmem:$0x4E30];
	_ =	sdelay $0x7  }
0x43: {  	[tilespmem:v2+s17+$0x0] =	vst.idx.add.f32.msk $0xffff, v1  }
0x44: {  	v2 =	vld [tilespmem:$0x4E40];
	_ =	sdelay $0x7  }
0x45: {  	[tilespmem:v2+s17+$0x0] =	vst.idx.add.f32.msk $0xffff, v1  }
0x46: {  	v2 =	vld [tilespmem:$0x4E50];
	_ =	sdelay $0x7  }
0x47: {  	[tilespmem:v2+s17+$0x0] =	vst.idx.add.f32.msk $0xffff, v1  }
0x48: {  	v2 =	vld [tilespmem:$0x4E60];
	_ =	sdelay $0x7  }
0x49: {  	[tilespmem:v2+s17+$0x0] =	vst.idx.add.f32.msk $0xffff, v1  }
0x4a: {  	v2 =	vld [tilespmem:$0x4E70];
	_ =	sdelay $0x7  }
0x4b: {  	[tilespmem:v2+s17+$0x0] =	vst.idx.add.f32.msk $0xffff, v1  }
0x4c: {  	v2 =	vld [tilespmem:$0x4E80];
	_ =	sdelay $0x7  }
0x4d: {  	[tilespmem:v2+s17+$0x0] =	vst.idx.add.f32.msk $0xffff, v1  }
0x4e: {  	v2 =	vld [tilespmem:$0x4E90];
	_ =	sdelay $0x7  }
0x4f: {  	[tilespmem:v2+s17+$0x0] =	vst.idx.add.f32.msk $0xffff, v1  }
0x50: {  	v2 =	vld [tilespmem:$0x4EA0];
	_ =	sdelay $0x7  }
0x51: {  	[tilespmem:v2+s17+$0x0] =	vst.idx.add.f32.msk $0xffff, v1  }
0x52: {  	v2 =	vld [tilespmem:$0x4EB0];
	_ =	sdelay $0x7  }
0x53: {  	[tilespmem:v2+s17+$0x0] =	vst.idx.add.f32.msk $0xffff, v1  }
0x54: {  	v2 =	vld [tilespmem:$0x4EC0];
	_ =	sdelay $0x7  }
0x55: {  	[tilespmem:v2+s17+$0x0] =	vst.idx.add.f32.msk $0xffff, v1  }
0x56: {  	v2 =	vld [tilespmem:$0x4ED0];
	_ =	sdelay $0x7  }
0x57: {  	[tilespmem:v2+s17+$0x0] =	vst.idx.add.f32.msk $0xffff, v1  }
0x58: {  	v2 =	vld [tilespmem:$0x4EE0];
	_ =	sdelay $0x7  }
0x59: {  	[tilespmem:v2+s17+$0x0] =	vst.idx.add.f32.msk $0xffff, v1  }
0x5a: {  	v2 =	vld [tilespmem:$0x4EF0];
	_ =	sdelay $0x7  }
0x5b: {  	[tilespmem:v2+s17+$0x0] =	vst.idx.add.f32.msk $0xffff, v1  }
0x5c: {  	v2 =	vld [tilespmem:$0x4F00];
	_ =	sdelay $0x7  }
0x5d: {  	[tilespmem:v2+s17+$0x0] =	vst.idx.add.f32.msk $0xffff, v1  }
0x5e: {  	v2 =	vld [tilespmem:$0x4F10];
	_ =	sdelay $0x7  }
0x5f: {  	[tilespmem:v2+s17+$0x0] =	vst.idx.add.f32.msk $0xffff, v1  }
0x60: {  	v2 =	vld [tilespmem:$0x4F20];
	_ =	sdelay $0x7  }
0x61: {  	[tilespmem:v2+s17+$0x0] =	vst.idx.add.f32.msk $0xffff, v1  }
0x62: {  	v2 =	vld [tilespmem:$0x4F30];
	_ =	sdelay $0x7  }
0x63: {  	[tilespmem:v2+s17+$0x0] =	vst.idx.add.f32.msk $0xffff, v1  }
0x64: {  	v2 =	vld [tilespmem:$0x4F40];
	_ =	sdelay $0x7  }
0x65: {  	[tilespmem:v2+s17+$0x0] =	vst.idx.add.f32.msk $0xffff, v1  }
0x66: {  	v2 =	vld [tilespmem:$0x4F50];
	_ =	sdelay $0x7  }
0x67: {  	[tilespmem:v2+s17+$0x0] =	vst.idx.add.f32.msk $0xffff, v1  }
0x68: {  	v2 =	vld [tilespmem:$0x4F60];
	_ =	sdelay $0x7  }
0x69: {  	[tilespmem:v2+s17+$0x0] =	vst.idx.add.f32.msk $0xffff, v1  }
0x6a: {  	v2 =	vld [tilespmem:$0x4F70];
	_ =	sdelay $0x7  }
0x6b: {  	[tilespmem:v2+s17+$0x0] =	vst.idx.add.f32.msk $0xffff, v1  }
0x6c: {  	v2 =	vld [tilespmem:$0x4F80];
	_ =	sdelay $0x7  }
0x6d: {  	[tilespmem:v2+s17+$0x0] =	vst.idx.add.f32.msk $0xffff, v1  }
0x6e: {  	v2 =	vld [tilespmem:$0x4F90];
	_ =	sdelay $0x7  }
0x6f: {  	[tilespmem:v2+s17+$0x0] =	vst.idx.add.f32.msk $0xffff, v1  }
0x70: {  	v2 =	vld [tilespmem:$0x4FA0];
	_ =	sdelay $0x7  }
0x71: {  	[tilespmem:v2+s17+$0x0] =	vst.idx.add.f32.msk $0xffff, v1  }
0x72: {  	v2 =	vld [tilespmem:$0x4FB0];
	_ =	sdelay $0x7  }
0x73: {  	[tilespmem:v2+s17+$0x0] =	vst.idx.add.f32.msk $0xffff, v1  }
0x74: {  	v2 =	vld [tilespmem:$0x4FC0];
	_ =	sdelay $0x7  }
0x75: {  	[tilespmem:v2+s17+$0x0] =	vst.idx.add.f32.msk $0xffff, v1  }
0x76: {  	v2 =	vld [tilespmem:$0x4FD0];
	_ =	sdelay $0x7  }
0x77: {  	[tilespmem:v2+s17+$0x0] =	vst.idx.add.f32.msk $0xffff, v1  }
0x78: {  	v2 =	vld [tilespmem:$0x4FE0];
	_ =	sdelay $0x7  }
0x79: {  	[tilespmem:v2+s17+$0x0] =	vst.idx.add.f32.msk $0xffff, v1  }
0x7a: {  	v2 =	vld [tilespmem:$0x4FF0];
	_ =	sdelay $0x7  }
0x7b: {  	[tilespmem:v2+s17+$0x0] =	vst.idx.add.f32.msk $0xffff, v1  }
0x7c: {  	[hbm4b:s9+s2] =	stream.linear.scatter [tilespmem:s18], [sflag:$0x1], $0x200, $0x38;
	[tilespmem:$0x7980] =	vst v63  }
0x7d: {  	_ =	swait.ge [sflag:s15], $0x200  }
0x7e: {  	[sflag:s15] =	ssyncset.done $0x0  }
.Ltmp5:
0x7f: {  	[sflag:s15] =	ssyncadd.s32 $0xFFFFFE00;
	(pc) =	sbr.rel .LBB2_7-.Ltmp5, $4  }
0x80: {  	[hbm4b:s10+s2] =	stream.linear.scatter [tilespmem:s19], [sflag:$0x1], $0x200, $0x38;
	[tilespmem:$0x7980] =	vst v63  }
0x81: {  	_ =	swait.ge [sflag:s15], $0x200  }
0x82: {  	[sflag:s15] =	ssyncset.done $0x0  }
0x83: {  	[sflag:s15] =	ssyncadd.s32 $0xFFFFFE00  }
.LBB2_8:
0x84: {  	_ =	sfence.sel $0x180000  }
0x85: {  	[bflag:$0x0] =	sbarrier.arrive $0xFFFF  }
0x86: {  	p0 =	sne.s32 s0, $0x0;
	_ =	strace $0x90000047  }
0x87: {  	s0 =	sadd.s32 @!p0 $0x100000, s1;
	[bflag:$0x2] =	sbarrier.arrive $0xFFFF  }
0x88: {  	[sflag:s0] =	ssyncadd.tile.s32 @!p0 $0x1;
	_ =	shalt  }
.Lfunc_end2:
_tile_overlayer_lowered:
.L_overlay_start_2:
0x89: {  	(tag) =	ssettag $0x2  }
0x8a: {  	s0 =	rddreg [dreg:$0x0];
	s2 =	stileid.u32  }
0x8b: {  	s1 =	rddreg [dreg:$0x1];
	p0 =	sne.s32 s2, $0x0  }
0x8c: {  	s3 =	rddreg [dreg:$0x2];
	[bflag:$0x3] =	sbarrier.arrive $0xFFFF;
	s2 =	simm.s32 @!p0 $0x1C01  }
0x8d: {  	[timem:s3], [sflag:s2] =	dma.local @!p0 [hbm:s0], s1  }
0x8e: {  	s0 =	simm.s32 @!p0 $0x1  }
0x8f: {  	_ =	swait.ge @!p0 [sflag:s0], s1  }
0x90: {  	s1 =	ssub.s32 @!p0 $0x0, s1;
	[sflag:s0] =	ssyncset.done @!p0 $0x0  }
0x91: {  	[sflag:s0] =	ssyncadd.s32 @!p0 s1  }
0x92: {  	[bflag:$0x3] =	sbarrier.arrive $0xFFFF  }
0x93: {  	_ =	shalt  }

</sc_bundles>
